<compile_context>
chip_gen: v7x
topology: tpu7x:2x2x1
jax: 0.10.2.dev20260603
libtpu: 0.0.44.dev20260713+nightly
codegen_flags: <defaults>
</compile_context>

<pallas_src>
import functools

import jax
import jax.numpy as jnp
from jax import lax
from jax.experimental import pallas as pl
from jax.experimental.pallas import tpu as pltpu
from jax.experimental.pallas import tpu_sc as plsc

NC = 2
NS = 16
NW = NC * NS
IDXW = 128
K = 4
F = 16

_mesh = functools.partial(
    plsc.VectorSubcoreMesh, core_axis_name="c", subcore_axis_name="s",
    num_cores=NC, num_subcores=NS)


def _seg_sum_kernel(n_pad, blocks, zero_chunk, with_gather):
  stripe = n_pad // NS
  reps = stripe // zero_chunk
  assert blocks % 4 == 0

  def body(*refs):
    if with_gather:
      (y_hbm, src2d, dst2d, zeros_hbm, drain_hbm, out) = refs[:6]
      src_v = refs[6:8]
      dst_v = refs[8:10]
      rows_v = refs[10:12]
      zero_v, acc = refs[12:14]
      gsem = refs[14:16]
      ssem = refs[16:18]
    else:
      (ones_hbm, dst2d, zeros_hbm, out,
       dst0, dst1, ones_v, zero_v, acc, ssem0, ssem1) = refs
      drain_hbm = ones_hbm
      dst_v = (dst0, dst1)
      ssem = (ssem0, ssem1)
    cid = lax.axis_index("c")
    tid = lax.axis_index("s")
    wid = cid * NS + tid

    pltpu.sync_copy(zeros_hbm, zero_v)

    @pl.loop(0, reps)
    def _(i):
      pltpu.sync_copy(zero_v, acc.at[pl.ds(tid * stripe + i * zero_chunk,
                                           zero_chunk)])

    if not with_gather:
      pltpu.sync_copy(ones_hbm, ones_v)
    plsc.subcore_barrier()

    row_base = wid * blocks * K

    def load_idx(b, p):
      if with_gather:
        pltpu.sync_copy(src2d.at[pl.ds(row_base + b * K, K)], src_v[p])
      pltpu.sync_copy(dst2d.at[pl.ds(row_base + b * K, K)], dst_v[p])

    def start_gather(p):
      for j in range(K):
        pltpu.async_copy(y_hbm.at[src_v[p].at[j]], rows_v[p].at[j], gsem[p])

    def drain_gather(p):
      pltpu.make_async_copy(drain_hbm, rows_v[p], gsem[p]).wait()

    def start_scatter(p):
      for j in range(K):
        rows = rows_v[p].at[j] if with_gather else ones_v.at[j]
        pltpu.async_copy(rows, acc.at[dst_v[p].at[j]], ssem[p], add=True)

    def drain_scatter(p):
      sink = rows_v[p] if with_gather else ones_v
      pltpu.make_async_copy(drain_hbm, sink, ssem[p]).wait()

    if with_gather:
      load_idx(0, 0)
      start_gather(0)
      load_idx(1, 1)
      start_gather(1)

      @pl.loop(0, blocks // 2 - 1)
      def _(g):
        b = g * 2
        for p in range(2):
          drain_gather(p)
          start_scatter(p)
          drain_scatter(p)
          load_idx(b + 2 + p, p)
          start_gather(p)

      for p in range(2):
        drain_gather(p)
        start_scatter(p)
        drain_scatter(p)
    else:
      load_idx(0, 0)
      start_scatter(0)
      load_idx(1, 1)
      start_scatter(1)

      @pl.loop(0, blocks // 2 - 1)
      def _(g):
        b = g * 2
        for p in range(2):
          drain_scatter(p)
          load_idx(b + 2 + p, p)
          start_scatter(p)

      for p in range(2):
        drain_scatter(p)

    plsc.subcore_barrier()
    pltpu.sync_copy(acc.at[pl.ds(tid * stripe, stripe)],
                    out.at[cid, pl.ds(tid * stripe, stripe)])

  scratch = []
  if with_gather:
    scratch += [pltpu.VMEM((K, IDXW), jnp.int32)] * 2
    scratch += [pltpu.VMEM((K, IDXW), jnp.int32)] * 2
    scratch += [pltpu.VMEM((K, IDXW, F), jnp.float32)] * 2
  else:
    scratch += [pltpu.VMEM((K, IDXW), jnp.int32)] * 2
    scratch += [pltpu.VMEM((K, IDXW, F), jnp.float32)]
  scratch += [
      pltpu.VMEM((zero_chunk, F), jnp.float32),
      pltpu.VMEM_SHARED((n_pad, F), jnp.float32),
  ]
  if with_gather:
    scratch += [pltpu.SemaphoreType.DMA] * 2
    scratch += [pltpu.SemaphoreType.DMA] * 2
  else:
    scratch += [pltpu.SemaphoreType.DMA] * 2
  return pl.kernel(
      body,
      out_type=jax.ShapeDtypeStruct((NC, n_pad, F), jnp.float32),
      mesh=_mesh(),
      scratch_types=scratch,
      compiler_params=pltpu.CompilerParams(use_tc_tiling_on_sc=False),
  )


def _tc1_body(s1p, dgp, xv, bd_l1, b1, bd_r1, bd_l2, h_ref, y2_ref):
  s = s1p[0] + s1p[1]
  deg = jnp.maximum(dgp[0] + dgp[1], 1.0)
  mean = s / deg
  dn = (((1,), (0,)), ((), ()))
  h = (lax.dot_general(mean, bd_l1[...], dn,
                       preferred_element_type=jnp.float32)
       + b1[...]
       + lax.dot_general(xv[...], bd_r1[...], dn,
                         preferred_element_type=jnp.float32))
  h = jnp.maximum(h, 0.0)
  h_ref[...] = h
  y2_ref[...] = lax.dot_general(h, bd_l2[...], dn,
                                preferred_element_type=jnp.float32)


def _tc2_body(s2p, dgp, h, bd_r2, b2, out_ref):
  s = s2p[0] + s2p[1]
  deg = jnp.maximum(dgp[0] + dgp[1], 1.0)
  dn = (((1,), (0,)), ((), ()))
  out_ref[...] = (s / deg + b2[...]
                  + lax.dot_general(h[...], bd_r2[...], dn,
                                    preferred_element_type=jnp.float32))


@jax.jit
def kernel(x, edge_index, W_l1, b_l1, W_r1, W_l2, b_l2, W_r2):
  n = x.shape[0]
  e = edge_index.shape[1]

  per_block = NW * K * IDXW
  blocks = -(-e // per_block)
  blocks += (-blocks) % 4
  e_pad = blocks * per_block
  n_pad = -(-(n + 1) // 128) * 128
  zero_chunk = n_pad // NS // 8

  src = edge_index[0]
  dst = edge_index[1]
  pad = e_pad - e
  if pad:
    src = jnp.concatenate([src, jnp.zeros((pad,), jnp.int32)])
    dst = jnp.concatenate([dst, jnp.full((pad,), n, jnp.int32)])
  src2d = src.reshape(e_pad // IDXW, IDXW)
  dst2d = dst.reshape(e_pad // IDXW, IDXW)

  zeros_hbm = jnp.zeros((zero_chunk, F), jnp.float32)
  ones_hbm = jnp.ones((K, IDXW, F), jnp.float32)

  deg16 = _seg_sum_kernel(n_pad, blocks, zero_chunk, False)(
      ones_hbm, dst2d, zeros_hbm)
  s1 = _seg_sum_kernel(n_pad, blocks, zero_chunk, True)(
      x, src2d, dst2d, zeros_hbm, ones_hbm)

  n8 = n // 8
  np8 = n_pad // 8
  s1v = s1.reshape(NC, np8, 128)
  degv = deg16.reshape(NC, np8, 128)
  xv = x.reshape(n8, 128)
  eye8 = jnp.eye(8, dtype=jnp.float32)
  bd_l1 = jnp.kron(eye8, W_l1.T)
  bd_r1 = jnp.kron(eye8, W_r1.T)
  bd_l2 = jnp.kron(eye8, W_l2.T)
  bd_r2 = jnp.kron(eye8, W_r2.T)
  b1t = jnp.tile(b_l1, 8).reshape(1, 256)
  b2t = jnp.tile(b_l2, 8).reshape(1, 128)

  bn = 1000
  grid = (-(-n8 // bn),)
  full2 = pl.BlockSpec((NC, bn, 128), lambda i: (0, i, 0))
  rows = lambda w: pl.BlockSpec((bn, w), lambda i: (i, 0))
  const = lambda shape: pl.BlockSpec(shape, lambda i: tuple(0 for _ in shape))

  h, y2 = pl.pallas_call(
      _tc1_body,
      grid=grid,
      in_specs=[full2, full2, rows(128),
                const((128, 256)), const((1, 256)), const((128, 256)),
                const((256, 128))],
      out_specs=[rows(256), rows(128)],
      out_shape=[jax.ShapeDtypeStruct((n8, 256), jnp.float32),
                 jax.ShapeDtypeStruct((n8, 128), jnp.float32)],
  )(s1v, degv, xv, bd_l1, b1t, bd_r1, bd_l2)

  s2 = _seg_sum_kernel(n_pad, blocks, zero_chunk, True)(
      y2.reshape(n, F), src2d, dst2d, zeros_hbm, ones_hbm)

  out = pl.pallas_call(
      _tc2_body,
      grid=grid,
      in_specs=[full2, full2, rows(256),
                const((256, 128)), const((1, 128))],
      out_specs=rows(128),
      out_shape=jax.ShapeDtypeStruct((n8, 128), jnp.float32),
  )(s2.reshape(NC, np8, 128), degv, h, bd_r2, b2t)
  return out.reshape(n, F)

# --- scband reference (transcript-rebuilt; emitter-appended) ---
"""Pipeline reference for scband-gnnmodel-12558484373524 (READ-ONLY COPY).

The authoritative reference and input builder live on the scoring server;
editing this copy changes nothing except your own understanding.
"""

import jax, jax.numpy as jnp
import numpy as np

N = 100000
E = 3200000


def setup_inputs(seed: int = 0) -> dict:
    key = jax.random.key(seed)
    ks = jax.random.split(key, 9)
    x = jax.random.normal(ks[0], (N, 16), dtype=jnp.float32)
    edge_index = jax.random.randint(ks[1], (2, E), 0, N, dtype=jnp.int32)
    # SAGEConv(16, 32): lin_l (aggregated neighbors, with bias) and lin_r (root)
    W_l1 = jax.random.normal(ks[2], (32, 16), dtype=jnp.float32) * 0.1
    b_l1 = jnp.zeros((32,), dtype=jnp.float32)
    W_r1 = jax.random.normal(ks[3], (32, 16), dtype=jnp.float32) * 0.1
    # SAGEConv(32, 16)
    W_l2 = jax.random.normal(ks[4], (16, 32), dtype=jnp.float32) * 0.1
    b_l2 = jnp.zeros((16,), dtype=jnp.float32)
    W_r2 = jax.random.normal(ks[5], (16, 32), dtype=jnp.float32) * 0.1
    return {"x": x, "edge_index": edge_index, "W_l1": W_l1, "b_l1": b_l1, "W_r1": W_r1, "W_l2": W_l2, "b_l2": b_l2, "W_r2": W_r2}


def _sage_conv(x, edge_index, W_l, b_l, W_r):
    # PyG SAGEConv with default mean aggregation:
    # out = lin_l(mean_{j in N(i)} x_j) + lin_r(x_i)
    src = edge_index[0]
    dst = edge_index[1]
    msg = jnp.take(x, src, axis=0)                      # gather source features
    summed = jax.ops.segment_sum(msg, dst, num_segments=N)  # scatter-add at dst
    deg = jax.ops.segment_sum(jnp.ones((edge_index.shape[1],), dtype=x.dtype), dst, num_segments=N)
    mean = summed / jnp.clip(deg, 1.0, None)[:, None]
    return mean @ W_l.T + b_l + x @ W_r.T


def reference(x, edge_index, W_l1, b_l1, W_r1, W_l2, b_l2, W_r2):
    h = _sage_conv(x, edge_index, W_l1, b_l1, W_r1)
    h = jax.nn.relu(h)
    out = _sage_conv(h, edge_index, W_l2, b_l2, W_r2)
    return out

if __name__ == "__main__":
    import jax
    _d = setup_inputs()
    print(jax.jit(kernel)(*tuple(_d.values())))

</pallas_src>

<mosaic_0001>
#map = affine_map<(d0, d1) -> (0, 0, 0)>
#map1 = affine_map<(d0, d1) -> (0, 0)>
module attributes {stable_mosaic.version = 14 : i64} {
  func.func @body(%arg0: i32, %arg1: i32, %arg2: memref<4x128x16xf32, #tpu.memory_space<hbm>>, %arg3: memref<25088x128xi32, #tpu.memory_space<hbm>>, %arg4: memref<782x16xf32, #tpu.memory_space<hbm>>, %arg5: memref<2x100096x16xf32, #tpu.memory_space<hbm>>, %arg6: memref<4x128xi32, #tpu.memory_space<vmem>>, %arg7: memref<4x128xi32, #tpu.memory_space<vmem>>, %arg8: memref<4x128x16xf32, #tpu.memory_space<vmem>>, %arg9: memref<782x16xf32, #tpu.memory_space<vmem>>, %arg10: memref<100096x16xf32, #tpu.memory_space<vmem_shared>>, %arg11: memref<!tpu.dma_semaphore, #tpu.memory_space<semaphore_mem>>, %arg12: memref<!tpu.dma_semaphore, #tpu.memory_space<semaphore_mem>>) attributes {dimension_semantics = [#tpu.dimension_semantics<core_parallel>, #tpu.dimension_semantics<subcore_parallel>], iteration_bounds = array<i64: 2, 16>, scalar_prefetch = 0 : i64, scratch_operands = 7 : i64, tpu.core_type = #tpu.core_type<sc_vector_subcore>, window_params = [{transform_indices = #map}, {transform_indices = #map1}, {transform_indices = #map1}, {transform_indices = #map}]} {
    %mul3A = arith.constant 16 : i32
    %mul3A_0 = arith.muli %arg0, %mul3A : i32
    %add3A = arith.addi %mul3A_0, %arg1 : i32
    "tpu.region"() ({
      %run_scoped3A = tpu.sem_alloc : memref<!tpu.dma_semaphore, #tpu.memory_space<semaphore_mem>>
      tpu.enqueue_dma source(%arg4 : memref<782x16xf32, #tpu.memory_space<hbm>>) target(%arg9 : memref<782x16xf32, #tpu.memory_space<vmem>>) target_semaphore(%run_scoped3A : memref<!tpu.dma_semaphore, #tpu.memory_space<semaphore_mem>>)
      tpu.wait_dma2 semaphore(%run_scoped3A : memref<!tpu.dma_semaphore, #tpu.memory_space<semaphore_mem>>) src(%arg4 : memref<782x16xf32, #tpu.memory_space<hbm>>) dst(%arg9 : memref<782x16xf32, #tpu.memory_space<vmem>>)
      tpu.yield
    }) : () -> ()
    %scan3A = arith.constant 0 : i32
    %scan3A_1 = arith.constant 8 : i32
    %scan3A_2 = arith.addi %scan3A, %scan3A_1 : i32
    %scan3A_3 = arith.constant 1 : i32
    scf.for %scan3A_118 = %scan3A to %scan3A_2 step %scan3A_3  : i32 {
      %mul3A_119 = arith.constant 1 : i32
      %mul3A_120 = arith.muli %scan3A_118, %mul3A_119 : i32
      %add3A_121 = arith.constant 0 : i32
      %add3A_122 = arith.addi %add3A_121, %mul3A_120 : i32
      %mul3A_123 = arith.constant 6256 : i32
      %mul3A_124 = arith.muli %arg1, %mul3A_123 : i32
      %mul3A_125 = arith.constant 782 : i32
      %mul3A_126 = arith.muli %add3A_122, %mul3A_125 : i32
      %add3A_127 = arith.addi %mul3A_124, %mul3A_126 : i32
      "tpu.region"() ({
        %run_scoped3A = tpu.sem_alloc : memref<!tpu.dma_semaphore, #tpu.memory_space<semaphore_mem>>
        %dma_start3A_128 = arith.constant 0 : i32
        %dma_start3A_129 = tpu.memref_slice %arg10[%add3A_127, %dma_start3A_128] : memref<100096x16xf32, #tpu.memory_space<vmem_shared>> -> memref<782x16xf32, #tpu.memory_space<vmem_shared>>
        %dma_start3A_130 = arith.constant 0 : i32
        %dma_start3A_131 = tpu.memref_slice %arg10[%add3A_127, %dma_start3A_130] : memref<100096x16xf32, #tpu.memory_space<vmem_shared>> -> memref<782x16xf32, #tpu.memory_space<vmem_shared>>
        tpu.enqueue_dma source(%arg9 : memref<782x16xf32, #tpu.memory_space<vmem>>) target(%dma_start3A_131 : memref<782x16xf32, #tpu.memory_space<vmem_shared>>) target_semaphore(%run_scoped3A : memref<!tpu.dma_semaphore, #tpu.memory_space<semaphore_mem>>)
        %dma_wait3A = arith.constant 0 : i32
        %dma_wait3A_132 = tpu.memref_slice %arg10[%add3A_127, %dma_wait3A] : memref<100096x16xf32, #tpu.memory_space<vmem_shared>> -> memref<782x16xf32, #tpu.memory_space<vmem_shared>>
        %dma_wait3A_133 = arith.constant 0 : i32
        %dma_wait3A_134 = tpu.memref_slice %arg10[%add3A_127, %dma_wait3A_133] : memref<100096x16xf32, #tpu.memory_space<vmem_shared>> -> memref<782x16xf32, #tpu.memory_space<vmem_shared>>
        tpu.wait_dma2 semaphore(%run_scoped3A : memref<!tpu.dma_semaphore, #tpu.memory_space<semaphore_mem>>) src(%arg9 : memref<782x16xf32, #tpu.memory_space<vmem>>) dst(%dma_wait3A_134 : memref<782x16xf32, #tpu.memory_space<vmem_shared>>)
        tpu.yield
      }) : () -> ()
    }
    %scan3A_4 = arith.constant 8 : i32
    "tpu.region"() ({
      %run_scoped3A = tpu.sem_alloc : memref<!tpu.dma_semaphore, #tpu.memory_space<semaphore_mem>>
      tpu.enqueue_dma source(%arg2 : memref<4x128x16xf32, #tpu.memory_space<hbm>>) target(%arg8 : memref<4x128x16xf32, #tpu.memory_space<vmem>>) target_semaphore(%run_scoped3A : memref<!tpu.dma_semaphore, #tpu.memory_space<semaphore_mem>>)
      tpu.wait_dma2 semaphore(%run_scoped3A : memref<!tpu.dma_semaphore, #tpu.memory_space<semaphore_mem>>) src(%arg2 : memref<4x128x16xf32, #tpu.memory_space<hbm>>) dst(%arg8 : memref<4x128x16xf32, #tpu.memory_space<vmem>>)
      tpu.yield
    }) : () -> ()
    %barrier3A = arith.constant 0 : index
    tpu.barrier barrier_id(%barrier3A)
    %mul3A_5 = arith.constant 196 : i32
    %mul3A_6 = arith.muli %add3A, %mul3A_5 : i32
    %mul3A_7 = arith.constant 4 : i32
    %mul3A_8 = arith.muli %mul3A_6, %mul3A_7 : i32
    %add3A_9 = arith.constant 0 : i32
    %add3A_10 = arith.addi %mul3A_8, %add3A_9 : i32
    "tpu.region"() ({
      %run_scoped3A = tpu.sem_alloc : memref<!tpu.dma_semaphore, #tpu.memory_space<semaphore_mem>>
      %dma_start3A_118 = arith.constant 0 : i32
      %dma_start3A_119 = tpu.memref_slice %arg3[%add3A_10, %dma_start3A_118] : memref<25088x128xi32, #tpu.memory_space<hbm>> -> memref<4x128xi32, #tpu.memory_space<hbm>>
      %dma_start3A_120 = arith.constant 0 : i32
      %dma_start3A_121 = tpu.memref_slice %arg3[%add3A_10, %dma_start3A_120] : memref<25088x128xi32, #tpu.memory_space<hbm>> -> memref<4x128xi32, #tpu.memory_space<hbm>>
      tpu.enqueue_dma source(%dma_start3A_121 : memref<4x128xi32, #tpu.memory_space<hbm>>) target(%arg6 : memref<4x128xi32, #tpu.memory_space<vmem>>) target_semaphore(%run_scoped3A : memref<!tpu.dma_semaphore, #tpu.memory_space<semaphore_mem>>)
      %dma_wait3A = arith.constant 0 : i32
      %dma_wait3A_122 = tpu.memref_slice %arg3[%add3A_10, %dma_wait3A] : memref<25088x128xi32, #tpu.memory_space<hbm>> -> memref<4x128xi32, #tpu.memory_space<hbm>>
      %dma_wait3A_123 = arith.constant 0 : i32
      %dma_wait3A_124 = tpu.memref_slice %arg3[%add3A_10, %dma_wait3A_123] : memref<25088x128xi32, #tpu.memory_space<hbm>> -> memref<4x128xi32, #tpu.memory_space<hbm>>
      tpu.wait_dma2 semaphore(%run_scoped3A : memref<!tpu.dma_semaphore, #tpu.memory_space<semaphore_mem>>) src(%dma_wait3A_124 : memref<4x128xi32, #tpu.memory_space<hbm>>) dst(%arg6 : memref<4x128xi32, #tpu.memory_space<vmem>>)
      tpu.yield
    }) : () -> ()
    %dma_start3A = arith.constant 0 : i32
    %dma_start3A_11 = arith.constant 0 : i32
    %dma_start3A_12 = arith.constant 0 : i32
    %dma_start3A_13 = arith.constant 0 : i32
    %dma_start3A_14 = tpu.memref_slice %arg8[%dma_start3A, %dma_start3A_12, %dma_start3A_13] : memref<4x128x16xf32, #tpu.memory_space<vmem>> -> memref<1x128x16xf32, #tpu.memory_space<vmem>>
    %dma_start3A_15 = tpu.memref_squeeze %dma_start3A_14 : memref<1x128x16xf32, #tpu.memory_space<vmem>> -> memref<128x16xf32, #tpu.memory_space<vmem>>
    %dma_start3A_16 = arith.constant 0 : i32
    %dma_start3A_17 = tpu.memref_slice %arg6[%dma_start3A_11, %dma_start3A_16] : memref<4x128xi32, #tpu.memory_space<vmem>> -> memref<1x128xi32, #tpu.memory_space<vmem>>
    %dma_start3A_18 = tpu.memref_squeeze %dma_start3A_17 : memref<1x128xi32, #tpu.memory_space<vmem>> -> memref<128xi32, #tpu.memory_space<vmem>>
    %dma_start3A_19 = arith.constant 0 : i32
    %dma_start3A_20 = arith.constant 0 : i32
    %dma_start3A_21 = tpu.memref_slice %arg10[%dma_start3A_19, %dma_start3A_20] : memref<100096x16xf32, #tpu.memory_space<vmem_shared>> -> memref<100096x16xf32, #tpu.memory_space<vmem_shared>>
    tpu.enqueue_indirect_dma source(%dma_start3A_15 : memref<128x16xf32, #tpu.memory_space<vmem>>) target(%dma_start3A_21 : memref<100096x16xf32, #tpu.memory_space<vmem_shared>>) offsets(%dma_start3A_18 : memref<128xi32, #tpu.memory_space<vmem>>) semaphore(%arg11 : memref<!tpu.dma_semaphore, #tpu.memory_space<semaphore_mem>>) {add = true}
    %dma_start3A_22 = arith.constant 1 : i32
    %dma_start3A_23 = arith.constant 1 : i32
    %dma_start3A_24 = arith.constant 0 : i32
    %dma_start3A_25 = arith.constant 0 : i32
    %dma_start3A_26 = tpu.memref_slice %arg8[%dma_start3A_22, %dma_start3A_24, %dma_start3A_25] : memref<4x128x16xf32, #tpu.memory_space<vmem>> -> memref<1x128x16xf32, #tpu.memory_space<vmem>>
    %dma_start3A_27 = tpu.memref_squeeze %dma_start3A_26 : memref<1x128x16xf32, #tpu.memory_space<vmem>> -> memref<128x16xf32, #tpu.memory_space<vmem>>
    %dma_start3A_28 = arith.constant 0 : i32
    %dma_start3A_29 = tpu.memref_slice %arg6[%dma_start3A_23, %dma_start3A_28] : memref<4x128xi32, #tpu.memory_space<vmem>> -> memref<1x128xi32, #tpu.memory_space<vmem>>
    %dma_start3A_30 = tpu.memref_squeeze %dma_start3A_29 : memref<1x128xi32, #tpu.memory_space<vmem>> -> memref<128xi32, #tpu.memory_space<vmem>>
    %dma_start3A_31 = arith.constant 0 : i32
    %dma_start3A_32 = arith.constant 0 : i32
    %dma_start3A_33 = tpu.memref_slice %arg10[%dma_start3A_31, %dma_start3A_32] : memref<100096x16xf32, #tpu.memory_space<vmem_shared>> -> memref<100096x16xf32, #tpu.memory_space<vmem_shared>>
    tpu.enqueue_indirect_dma source(%dma_start3A_27 : memref<128x16xf32, #tpu.memory_space<vmem>>) target(%dma_start3A_33 : memref<100096x16xf32, #tpu.memory_space<vmem_shared>>) offsets(%dma_start3A_30 : memref<128xi32, #tpu.memory_space<vmem>>) semaphore(%arg11 : memref<!tpu.dma_semaphore, #tpu.memory_space<semaphore_mem>>) {add = true}
    %dma_start3A_34 = arith.constant 2 : i32
    %dma_start3A_35 = arith.constant 2 : i32
    %dma_start3A_36 = arith.constant 0 : i32
    %dma_start3A_37 = arith.constant 0 : i32
    %dma_start3A_38 = tpu.memref_slice %arg8[%dma_start3A_34, %dma_start3A_36, %dma_start3A_37] : memref<4x128x16xf32, #tpu.memory_space<vmem>> -> memref<1x128x16xf32, #tpu.memory_space<vmem>>
    %dma_start3A_39 = tpu.memref_squeeze %dma_start3A_38 : memref<1x128x16xf32, #tpu.memory_space<vmem>> -> memref<128x16xf32, #tpu.memory_space<vmem>>
    %dma_start3A_40 = arith.constant 0 : i32
    %dma_start3A_41 = tpu.memref_slice %arg6[%dma_start3A_35, %dma_start3A_40] : memref<4x128xi32, #tpu.memory_space<vmem>> -> memref<1x128xi32, #tpu.memory_space<vmem>>
    %dma_start3A_42 = tpu.memref_squeeze %dma_start3A_41 : memref<1x128xi32, #tpu.memory_space<vmem>> -> memref<128xi32, #tpu.memory_space<vmem>>
    %dma_start3A_43 = arith.constant 0 : i32
    %dma_start3A_44 = arith.constant 0 : i32
    %dma_start3A_45 = tpu.memref_slice %arg10[%dma_start3A_43, %dma_start3A_44] : memref<100096x16xf32, #tpu.memory_space<vmem_shared>> -> memref<100096x16xf32, #tpu.memory_space<vmem_shared>>
    tpu.enqueue_indirect_dma source(%dma_start3A_39 : memref<128x16xf32, #tpu.memory_space<vmem>>) target(%dma_start3A_45 : memref<100096x16xf32, #tpu.memory_space<vmem_shared>>) offsets(%dma_start3A_42 : memref<128xi32, #tpu.memory_space<vmem>>) semaphore(%arg11 : memref<!tpu.dma_semaphore, #tpu.memory_space<semaphore_mem>>) {add = true}
    %dma_start3A_46 = arith.constant 3 : i32
    %dma_start3A_47 = arith.constant 3 : i32
    %dma_start3A_48 = arith.constant 0 : i32
    %dma_start3A_49 = arith.constant 0 : i32
    %dma_start3A_50 = tpu.memref_slice %arg8[%dma_start3A_46, %dma_start3A_48, %dma_start3A_49] : memref<4x128x16xf32, #tpu.memory_space<vmem>> -> memref<1x128x16xf32, #tpu.memory_space<vmem>>
    %dma_start3A_51 = tpu.memref_squeeze %dma_start3A_50 : memref<1x128x16xf32, #tpu.memory_space<vmem>> -> memref<128x16xf32, #tpu.memory_space<vmem>>
    %dma_start3A_52 = arith.constant 0 : i32
    %dma_start3A_53 = tpu.memref_slice %arg6[%dma_start3A_47, %dma_start3A_52] : memref<4x128xi32, #tpu.memory_space<vmem>> -> memref<1x128xi32, #tpu.memory_space<vmem>>
    %dma_start3A_54 = tpu.memref_squeeze %dma_start3A_53 : memref<1x128xi32, #tpu.memory_space<vmem>> -> memref<128xi32, #tpu.memory_space<vmem>>
    %dma_start3A_55 = arith.constant 0 : i32
    %dma_start3A_56 = arith.constant 0 : i32
    %dma_start3A_57 = tpu.memref_slice %arg10[%dma_start3A_55, %dma_start3A_56] : memref<100096x16xf32, #tpu.memory_space<vmem_shared>> -> memref<100096x16xf32, #tpu.memory_space<vmem_shared>>
    tpu.enqueue_indirect_dma source(%dma_start3A_51 : memref<128x16xf32, #tpu.memory_space<vmem>>) target(%dma_start3A_57 : memref<100096x16xf32, #tpu.memory_space<vmem_shared>>) offsets(%dma_start3A_54 : memref<128xi32, #tpu.memory_space<vmem>>) semaphore(%arg11 : memref<!tpu.dma_semaphore, #tpu.memory_space<semaphore_mem>>) {add = true}
    %add3A_58 = arith.constant 4 : i32
    %add3A_59 = arith.addi %mul3A_8, %add3A_58 : i32
    "tpu.region"() ({
      %run_scoped3A = tpu.sem_alloc : memref<!tpu.dma_semaphore, #tpu.memory_space<semaphore_mem>>
      %dma_start3A_118 = arith.constant 0 : i32
      %dma_start3A_119 = tpu.memref_slice %arg3[%add3A_59, %dma_start3A_118] : memref<25088x128xi32, #tpu.memory_space<hbm>> -> memref<4x128xi32, #tpu.memory_space<hbm>>
      %dma_start3A_120 = arith.constant 0 : i32
      %dma_start3A_121 = tpu.memref_slice %arg3[%add3A_59, %dma_start3A_120] : memref<25088x128xi32, #tpu.memory_space<hbm>> -> memref<4x128xi32, #tpu.memory_space<hbm>>
      tpu.enqueue_dma source(%dma_start3A_121 : memref<4x128xi32, #tpu.memory_space<hbm>>) target(%arg7 : memref<4x128xi32, #tpu.memory_space<vmem>>) target_semaphore(%run_scoped3A : memref<!tpu.dma_semaphore, #tpu.memory_space<semaphore_mem>>)
      %dma_wait3A = arith.constant 0 : i32
      %dma_wait3A_122 = tpu.memref_slice %arg3[%add3A_59, %dma_wait3A] : memref<25088x128xi32, #tpu.memory_space<hbm>> -> memref<4x128xi32, #tpu.memory_space<hbm>>
      %dma_wait3A_123 = arith.constant 0 : i32
      %dma_wait3A_124 = tpu.memref_slice %arg3[%add3A_59, %dma_wait3A_123] : memref<25088x128xi32, #tpu.memory_space<hbm>> -> memref<4x128xi32, #tpu.memory_space<hbm>>
      tpu.wait_dma2 semaphore(%run_scoped3A : memref<!tpu.dma_semaphore, #tpu.memory_space<semaphore_mem>>) src(%dma_wait3A_124 : memref<4x128xi32, #tpu.memory_space<hbm>>) dst(%arg7 : memref<4x128xi32, #tpu.memory_space<vmem>>)
      tpu.yield
    }) : () -> ()
    %dma_start3A_60 = arith.constant 0 : i32
    %dma_start3A_61 = arith.constant 0 : i32
    %dma_start3A_62 = arith.constant 0 : i32
    %dma_start3A_63 = arith.constant 0 : i32
    %dma_start3A_64 = tpu.memref_slice %arg8[%dma_start3A_60, %dma_start3A_62, %dma_start3A_63] : memref<4x128x16xf32, #tpu.memory_space<vmem>> -> memref<1x128x16xf32, #tpu.memory_space<vmem>>
    %dma_start3A_65 = tpu.memref_squeeze %dma_start3A_64 : memref<1x128x16xf32, #tpu.memory_space<vmem>> -> memref<128x16xf32, #tpu.memory_space<vmem>>
    %dma_start3A_66 = arith.constant 0 : i32
    %dma_start3A_67 = tpu.memref_slice %arg7[%dma_start3A_61, %dma_start3A_66] : memref<4x128xi32, #tpu.memory_space<vmem>> -> memref<1x128xi32, #tpu.memory_space<vmem>>
    %dma_start3A_68 = tpu.memref_squeeze %dma_start3A_67 : memref<1x128xi32, #tpu.memory_space<vmem>> -> memref<128xi32, #tpu.memory_space<vmem>>
    %dma_start3A_69 = arith.constant 0 : i32
    %dma_start3A_70 = arith.constant 0 : i32
    %dma_start3A_71 = tpu.memref_slice %arg10[%dma_start3A_69, %dma_start3A_70] : memref<100096x16xf32, #tpu.memory_space<vmem_shared>> -> memref<100096x16xf32, #tpu.memory_space<vmem_shared>>
    tpu.enqueue_indirect_dma source(%dma_start3A_65 : memref<128x16xf32, #tpu.memory_space<vmem>>) target(%dma_start3A_71 : memref<100096x16xf32, #tpu.memory_space<vmem_shared>>) offsets(%dma_start3A_68 : memref<128xi32, #tpu.memory_space<vmem>>) semaphore(%arg12 : memref<!tpu.dma_semaphore, #tpu.memory_space<semaphore_mem>>) {add = true}
    %dma_start3A_72 = arith.constant 1 : i32
    %dma_start3A_73 = arith.constant 1 : i32
    %dma_start3A_74 = arith.constant 0 : i32
    %dma_start3A_75 = arith.constant 0 : i32
    %dma_start3A_76 = tpu.memref_slice %arg8[%dma_start3A_72, %dma_start3A_74, %dma_start3A_75] : memref<4x128x16xf32, #tpu.memory_space<vmem>> -> memref<1x128x16xf32, #tpu.memory_space<vmem>>
    %dma_start3A_77 = tpu.memref_squeeze %dma_start3A_76 : memref<1x128x16xf32, #tpu.memory_space<vmem>> -> memref<128x16xf32, #tpu.memory_space<vmem>>
    %dma_start3A_78 = arith.constant 0 : i32
    %dma_start3A_79 = tpu.memref_slice %arg7[%dma_start3A_73, %dma_start3A_78] : memref<4x128xi32, #tpu.memory_space<vmem>> -> memref<1x128xi32, #tpu.memory_space<vmem>>
    %dma_start3A_80 = tpu.memref_squeeze %dma_start3A_79 : memref<1x128xi32, #tpu.memory_space<vmem>> -> memref<128xi32, #tpu.memory_space<vmem>>
    %dma_start3A_81 = arith.constant 0 : i32
    %dma_start3A_82 = arith.constant 0 : i32
    %dma_start3A_83 = tpu.memref_slice %arg10[%dma_start3A_81, %dma_start3A_82] : memref<100096x16xf32, #tpu.memory_space<vmem_shared>> -> memref<100096x16xf32, #tpu.memory_space<vmem_shared>>
    tpu.enqueue_indirect_dma source(%dma_start3A_77 : memref<128x16xf32, #tpu.memory_space<vmem>>) target(%dma_start3A_83 : memref<100096x16xf32, #tpu.memory_space<vmem_shared>>) offsets(%dma_start3A_80 : memref<128xi32, #tpu.memory_space<vmem>>) semaphore(%arg12 : memref<!tpu.dma_semaphore, #tpu.memory_space<semaphore_mem>>) {add = true}
    %dma_start3A_84 = arith.constant 2 : i32
    %dma_start3A_85 = arith.constant 2 : i32
    %dma_start3A_86 = arith.constant 0 : i32
    %dma_start3A_87 = arith.constant 0 : i32
    %dma_start3A_88 = tpu.memref_slice %arg8[%dma_start3A_84, %dma_start3A_86, %dma_start3A_87] : memref<4x128x16xf32, #tpu.memory_space<vmem>> -> memref<1x128x16xf32, #tpu.memory_space<vmem>>
    %dma_start3A_89 = tpu.memref_squeeze %dma_start3A_88 : memref<1x128x16xf32, #tpu.memory_space<vmem>> -> memref<128x16xf32, #tpu.memory_space<vmem>>
    %dma_start3A_90 = arith.constant 0 : i32
    %dma_start3A_91 = tpu.memref_slice %arg7[%dma_start3A_85, %dma_start3A_90] : memref<4x128xi32, #tpu.memory_space<vmem>> -> memref<1x128xi32, #tpu.memory_space<vmem>>
    %dma_start3A_92 = tpu.memref_squeeze %dma_start3A_91 : memref<1x128xi32, #tpu.memory_space<vmem>> -> memref<128xi32, #tpu.memory_space<vmem>>
    %dma_start3A_93 = arith.constant 0 : i32
    %dma_start3A_94 = arith.constant 0 : i32
    %dma_start3A_95 = tpu.memref_slice %arg10[%dma_start3A_93, %dma_start3A_94] : memref<100096x16xf32, #tpu.memory_space<vmem_shared>> -> memref<100096x16xf32, #tpu.memory_space<vmem_shared>>
    tpu.enqueue_indirect_dma source(%dma_start3A_89 : memref<128x16xf32, #tpu.memory_space<vmem>>) target(%dma_start3A_95 : memref<100096x16xf32, #tpu.memory_space<vmem_shared>>) offsets(%dma_start3A_92 : memref<128xi32, #tpu.memory_space<vmem>>) semaphore(%arg12 : memref<!tpu.dma_semaphore, #tpu.memory_space<semaphore_mem>>) {add = true}
    %dma_start3A_96 = arith.constant 3 : i32
    %dma_start3A_97 = arith.constant 3 : i32
    %dma_start3A_98 = arith.constant 0 : i32
    %dma_start3A_99 = arith.constant 0 : i32
    %dma_start3A_100 = tpu.memref_slice %arg8[%dma_start3A_96, %dma_start3A_98, %dma_start3A_99] : memref<4x128x16xf32, #tpu.memory_space<vmem>> -> memref<1x128x16xf32, #tpu.memory_space<vmem>>
    %dma_start3A_101 = tpu.memref_squeeze %dma_start3A_100 : memref<1x128x16xf32, #tpu.memory_space<vmem>> -> memref<128x16xf32, #tpu.memory_space<vmem>>
    %dma_start3A_102 = arith.constant 0 : i32
    %dma_start3A_103 = tpu.memref_slice %arg7[%dma_start3A_97, %dma_start3A_102] : memref<4x128xi32, #tpu.memory_space<vmem>> -> memref<1x128xi32, #tpu.memory_space<vmem>>
    %dma_start3A_104 = tpu.memref_squeeze %dma_start3A_103 : memref<1x128xi32, #tpu.memory_space<vmem>> -> memref<128xi32, #tpu.memory_space<vmem>>
    %dma_start3A_105 = arith.constant 0 : i32
    %dma_start3A_106 = arith.constant 0 : i32
    %dma_start3A_107 = tpu.memref_slice %arg10[%dma_start3A_105, %dma_start3A_106] : memref<100096x16xf32, #tpu.memory_space<vmem_shared>> -> memref<100096x16xf32, #tpu.memory_space<vmem_shared>>
    tpu.enqueue_indirect_dma source(%dma_start3A_101 : memref<128x16xf32, #tpu.memory_space<vmem>>) target(%dma_start3A_107 : memref<100096x16xf32, #tpu.memory_space<vmem_shared>>) offsets(%dma_start3A_104 : memref<128xi32, #tpu.memory_space<vmem>>) semaphore(%arg12 : memref<!tpu.dma_semaphore, #tpu.memory_space<semaphore_mem>>) {add = true}
    %scan3A_108 = arith.constant 0 : i32
    %scan3A_109 = arith.constant 97 : i32
    %scan3A_110 = arith.addi %scan3A_108, %scan3A_109 : i32
    %scan3A_111 = arith.constant 1 : i32
    scf.for %scan3A_118 = %scan3A_108 to %scan3A_110 step %scan3A_111  : i32 {
      %mul3A_119 = arith.constant 1 : i32
      %mul3A_120 = arith.muli %scan3A_118, %mul3A_119 : i32
      %add3A_121 = arith.constant 0 : i32
      %add3A_122 = arith.addi %add3A_121, %mul3A_120 : i32
      %mul3A_123 = arith.constant 2 : i32
      %mul3A_124 = arith.muli %add3A_122, %mul3A_123 : i32
      tpu.wait_dma2 semaphore(%arg11 : memref<!tpu.dma_semaphore, #tpu.memory_space<semaphore_mem>>) src(%arg2 : memref<4x128x16xf32, #tpu.memory_space<hbm>>) dst(%arg8 : memref<4x128x16xf32, #tpu.memory_space<vmem>>)
      %add3A_125 = arith.constant 2 : i32
      %add3A_126 = arith.addi %mul3A_124, %add3A_125 : i32
      %add3A_127 = arith.constant 0 : i32
      %add3A_128 = arith.addi %add3A_126, %add3A_127 : i32
      %mul3A_129 = arith.constant 4 : i32
      %mul3A_130 = arith.muli %add3A_128, %mul3A_129 : i32
      %add3A_131 = arith.addi %mul3A_8, %mul3A_130 : i32
      "tpu.region"() ({
        %run_scoped3A = tpu.sem_alloc : memref<!tpu.dma_semaphore, #tpu.memory_space<semaphore_mem>>
        %dma_start3A_235 = arith.constant 0 : i32
        %dma_start3A_236 = tpu.memref_slice %arg3[%add3A_131, %dma_start3A_235] : memref<25088x128xi32, #tpu.memory_space<hbm>> -> memref<4x128xi32, #tpu.memory_space<hbm>>
        %dma_start3A_237 = arith.constant 0 : i32
        %dma_start3A_238 = tpu.memref_slice %arg3[%add3A_131, %dma_start3A_237] : memref<25088x128xi32, #tpu.memory_space<hbm>> -> memref<4x128xi32, #tpu.memory_space<hbm>>
        tpu.enqueue_dma source(%dma_start3A_238 : memref<4x128xi32, #tpu.memory_space<hbm>>) target(%arg6 : memref<4x128xi32, #tpu.memory_space<vmem>>) target_semaphore(%run_scoped3A : memref<!tpu.dma_semaphore, #tpu.memory_space<semaphore_mem>>)
        %dma_wait3A = arith.constant 0 : i32
        %dma_wait3A_239 = tpu.memref_slice %arg3[%add3A_131, %dma_wait3A] : memref<25088x128xi32, #tpu.memory_space<hbm>> -> memref<4x128xi32, #tpu.memory_space<hbm>>
        %dma_wait3A_240 = arith.constant 0 : i32
        %dma_wait3A_241 = tpu.memref_slice %arg3[%add3A_131, %dma_wait3A_240] : memref<25088x128xi32, #tpu.memory_space<hbm>> -> memref<4x128xi32, #tpu.memory_space<hbm>>
        tpu.wait_dma2 semaphore(%run_scoped3A : memref<!tpu.dma_semaphore, #tpu.memory_space<semaphore_mem>>) src(%dma_wait3A_241 : memref<4x128xi32, #tpu.memory_space<hbm>>) dst(%arg6 : memref<4x128xi32, #tpu.memory_space<vmem>>)
        tpu.yield
      }) : () -> ()
      %dma_start3A_132 = arith.constant 0 : i32
      %dma_start3A_133 = arith.constant 0 : i32
      %dma_start3A_134 = arith.constant 0 : i32
      %dma_start3A_135 = arith.constant 0 : i32
      %dma_start3A_136 = tpu.memref_slice %arg8[%dma_start3A_132, %dma_start3A_134, %dma_start3A_135] : memref<4x128x16xf32, #tpu.memory_space<vmem>> -> memref<1x128x16xf32, #tpu.memory_space<vmem>>
      %dma_start3A_137 = tpu.memref_squeeze %dma_start3A_136 : memref<1x128x16xf32, #tpu.memory_space<vmem>> -> memref<128x16xf32, #tpu.memory_space<vmem>>
      %dma_start3A_138 = arith.constant 0 : i32
      %dma_start3A_139 = tpu.memref_slice %arg6[%dma_start3A_133, %dma_start3A_138] : memref<4x128xi32, #tpu.memory_space<vmem>> -> memref<1x128xi32, #tpu.memory_space<vmem>>
      %dma_start3A_140 = tpu.memref_squeeze %dma_start3A_139 : memref<1x128xi32, #tpu.memory_space<vmem>> -> memref<128xi32, #tpu.memory_space<vmem>>
      %dma_start3A_141 = arith.constant 0 : i32
      %dma_start3A_142 = arith.constant 0 : i32
      %dma_start3A_143 = tpu.memref_slice %arg10[%dma_start3A_141, %dma_start3A_142] : memref<100096x16xf32, #tpu.memory_space<vmem_shared>> -> memref<100096x16xf32, #tpu.memory_space<vmem_shared>>
      tpu.enqueue_indirect_dma source(%dma_start3A_137 : memref<128x16xf32, #tpu.memory_space<vmem>>) target(%dma_start3A_143 : memref<100096x16xf32, #tpu.memory_space<vmem_shared>>) offsets(%dma_start3A_140 : memref<128xi32, #tpu.memory_space<vmem>>) semaphore(%arg11 : memref<!tpu.dma_semaphore, #tpu.memory_space<semaphore_mem>>) {add = true}
      %dma_start3A_144 = arith.constant 1 : i32
      %dma_start3A_145 = arith.constant 1 : i32
      %dma_start3A_146 = arith.constant 0 : i32
      %dma_start3A_147 = arith.constant 0 : i32
      %dma_start3A_148 = tpu.memref_slice %arg8[%dma_start3A_144, %dma_start3A_146, %dma_start3A_147] : memref<4x128x16xf32, #tpu.memory_space<vmem>> -> memref<1x128x16xf32, #tpu.memory_space<vmem>>
      %dma_start3A_149 = tpu.memref_squeeze %dma_start3A_148 : memref<1x128x16xf32, #tpu.memory_space<vmem>> -> memref<128x16xf32, #tpu.memory_space<vmem>>
      %dma_start3A_150 = arith.constant 0 : i32
      %dma_start3A_151 = tpu.memref_slice %arg6[%dma_start3A_145, %dma_start3A_150] : memref<4x128xi32, #tpu.memory_space<vmem>> -> memref<1x128xi32, #tpu.memory_space<vmem>>
      %dma_start3A_152 = tpu.memref_squeeze %dma_start3A_151 : memref<1x128xi32, #tpu.memory_space<vmem>> -> memref<128xi32, #tpu.memory_space<vmem>>
      %dma_start3A_153 = arith.constant 0 : i32
      %dma_start3A_154 = arith.constant 0 : i32
      %dma_start3A_155 = tpu.memref_slice %arg10[%dma_start3A_153, %dma_start3A_154] : memref<100096x16xf32, #tpu.memory_space<vmem_shared>> -> memref<100096x16xf32, #tpu.memory_space<vmem_shared>>
      tpu.enqueue_indirect_dma source(%dma_start3A_149 : memref<128x16xf32, #tpu.memory_space<vmem>>) target(%dma_start3A_155 : memref<100096x16xf32, #tpu.memory_space<vmem_shared>>) offsets(%dma_start3A_152 : memref<128xi32, #tpu.memory_space<vmem>>) semaphore(%arg11 : memref<!tpu.dma_semaphore, #tpu.memory_space<semaphore_mem>>) {add = true}
      %dma_start3A_156 = arith.constant 2 : i32
      %dma_start3A_157 = arith.constant 2 : i32
      %dma_start3A_158 = arith.constant 0 : i32
      %dma_start3A_159 = arith.constant 0 : i32
      %dma_start3A_160 = tpu.memref_slice %arg8[%dma_start3A_156, %dma_start3A_158, %dma_start3A_159] : memref<4x128x16xf32, #tpu.memory_space<vmem>> -> memref<1x128x16xf32, #tpu.memory_space<vmem>>
      %dma_start3A_161 = tpu.memref_squeeze %dma_start3A_160 : memref<1x128x16xf32, #tpu.memory_space<vmem>> -> memref<128x16xf32, #tpu.memory_space<vmem>>
      %dma_start3A_162 = arith.constant 0 : i32
      %dma_start3A_163 = tpu.memref_slice %arg6[%dma_start3A_157, %dma_start3A_162] : memref<4x128xi32, #tpu.memory_space<vmem>> -> memref<1x128xi32, #tpu.memory_space<vmem>>
      %dma_start3A_164 = tpu.memref_squeeze %dma_start3A_163 : memref<1x128xi32, #tpu.memory_space<vmem>> -> memref<128xi32, #tpu.memory_space<vmem>>
      %dma_start3A_165 = arith.constant 0 : i32
      %dma_start3A_166 = arith.constant 0 : i32
      %dma_start3A_167 = tpu.memref_slice %arg10[%dma_start3A_165, %dma_start3A_166] : memref<100096x16xf32, #tpu.memory_space<vmem_shared>> -> memref<100096x16xf32, #tpu.memory_space<vmem_shared>>
      tpu.enqueue_indirect_dma source(%dma_start3A_161 : memref<128x16xf32, #tpu.memory_space<vmem>>) target(%dma_start3A_167 : memref<100096x16xf32, #tpu.memory_space<vmem_shared>>) offsets(%dma_start3A_164 : memref<128xi32, #tpu.memory_space<vmem>>) semaphore(%arg11 : memref<!tpu.dma_semaphore, #tpu.memory_space<semaphore_mem>>) {add = true}
      %dma_start3A_168 = arith.constant 3 : i32
      %dma_start3A_169 = arith.constant 3 : i32
      %dma_start3A_170 = arith.constant 0 : i32
      %dma_start3A_171 = arith.constant 0 : i32
      %dma_start3A_172 = tpu.memref_slice %arg8[%dma_start3A_168, %dma_start3A_170, %dma_start3A_171] : memref<4x128x16xf32, #tpu.memory_space<vmem>> -> memref<1x128x16xf32, #tpu.memory_space<vmem>>
      %dma_start3A_173 = tpu.memref_squeeze %dma_start3A_172 : memref<1x128x16xf32, #tpu.memory_space<vmem>> -> memref<128x16xf32, #tpu.memory_space<vmem>>
      %dma_start3A_174 = arith.constant 0 : i32
      %dma_start3A_175 = tpu.memref_slice %arg6[%dma_start3A_169, %dma_start3A_174] : memref<4x128xi32, #tpu.memory_space<vmem>> -> memref<1x128xi32, #tpu.memory_space<vmem>>
      %dma_start3A_176 = tpu.memref_squeeze %dma_start3A_175 : memref<1x128xi32, #tpu.memory_space<vmem>> -> memref<128xi32, #tpu.memory_space<vmem>>
      %dma_start3A_177 = arith.constant 0 : i32
      %dma_start3A_178 = arith.constant 0 : i32
      %dma_start3A_179 = tpu.memref_slice %arg10[%dma_start3A_177, %dma_start3A_178] : memref<100096x16xf32, #tpu.memory_space<vmem_shared>> -> memref<100096x16xf32, #tpu.memory_space<vmem_shared>>
      tpu.enqueue_indirect_dma source(%dma_start3A_173 : memref<128x16xf32, #tpu.memory_space<vmem>>) target(%dma_start3A_179 : memref<100096x16xf32, #tpu.memory_space<vmem_shared>>) offsets(%dma_start3A_176 : memref<128xi32, #tpu.memory_space<vmem>>) semaphore(%arg11 : memref<!tpu.dma_semaphore, #tpu.memory_space<semaphore_mem>>) {add = true}
      tpu.wait_dma2 semaphore(%arg12 : memref<!tpu.dma_semaphore, #tpu.memory_space<semaphore_mem>>) src(%arg2 : memref<4x128x16xf32, #tpu.memory_space<hbm>>) dst(%arg8 : memref<4x128x16xf32, #tpu.memory_space<vmem>>)
      %add3A_180 = arith.constant 2 : i32
      %add3A_181 = arith.addi %mul3A_124, %add3A_180 : i32
      %add3A_182 = arith.constant 1 : i32
      %add3A_183 = arith.addi %add3A_181, %add3A_182 : i32
      %mul3A_184 = arith.constant 4 : i32
      %mul3A_185 = arith.muli %add3A_183, %mul3A_184 : i32
      %add3A_186 = arith.addi %mul3A_8, %mul3A_185 : i32
      "tpu.region"() ({
        %run_scoped3A = tpu.sem_alloc : memref<!tpu.dma_semaphore, #tpu.memory_space<semaphore_mem>>
        %dma_start3A_235 = arith.constant 0 : i32
        %dma_start3A_236 = tpu.memref_slice %arg3[%add3A_186, %dma_start3A_235] : memref<25088x128xi32, #tpu.memory_space<hbm>> -> memref<4x128xi32, #tpu.memory_space<hbm>>
        %dma_start3A_237 = arith.constant 0 : i32
        %dma_start3A_238 = tpu.memref_slice %arg3[%add3A_186, %dma_start3A_237] : memref<25088x128xi32, #tpu.memory_space<hbm>> -> memref<4x128xi32, #tpu.memory_space<hbm>>
        tpu.enqueue_dma source(%dma_start3A_238 : memref<4x128xi32, #tpu.memory_space<hbm>>) target(%arg7 : memref<4x128xi32, #tpu.memory_space<vmem>>) target_semaphore(%run_scoped3A : memref<!tpu.dma_semaphore, #tpu.memory_space<semaphore_mem>>)
        %dma_wait3A = arith.constant 0 : i32
        %dma_wait3A_239 = tpu.memref_slice %arg3[%add3A_186, %dma_wait3A] : memref<25088x128xi32, #tpu.memory_space<hbm>> -> memref<4x128xi32, #tpu.memory_space<hbm>>
        %dma_wait3A_240 = arith.constant 0 : i32
        %dma_wait3A_241 = tpu.memref_slice %arg3[%add3A_186, %dma_wait3A_240] : memref<25088x128xi32, #tpu.memory_space<hbm>> -> memref<4x128xi32, #tpu.memory_space<hbm>>
        tpu.wait_dma2 semaphore(%run_scoped3A : memref<!tpu.dma_semaphore, #tpu.memory_space<semaphore_mem>>) src(%dma_wait3A_241 : memref<4x128xi32, #tpu.memory_space<hbm>>) dst(%arg7 : memref<4x128xi32, #tpu.memory_space<vmem>>)
        tpu.yield
      }) : () -> ()
      %dma_start3A_187 = arith.constant 0 : i32
      %dma_start3A_188 = arith.constant 0 : i32
      %dma_start3A_189 = arith.constant 0 : i32
      %dma_start3A_190 = arith.constant 0 : i32
      %dma_start3A_191 = tpu.memref_slice %arg8[%dma_start3A_187, %dma_start3A_189, %dma_start3A_190] : memref<4x128x16xf32, #tpu.memory_space<vmem>> -> memref<1x128x16xf32, #tpu.memory_space<vmem>>
      %dma_start3A_192 = tpu.memref_squeeze %dma_start3A_191 : memref<1x128x16xf32, #tpu.memory_space<vmem>> -> memref<128x16xf32, #tpu.memory_space<vmem>>
      %dma_start3A_193 = arith.constant 0 : i32
      %dma_start3A_194 = tpu.memref_slice %arg7[%dma_start3A_188, %dma_start3A_193] : memref<4x128xi32, #tpu.memory_space<vmem>> -> memref<1x128xi32, #tpu.memory_space<vmem>>
      %dma_start3A_195 = tpu.memref_squeeze %dma_start3A_194 : memref<1x128xi32, #tpu.memory_space<vmem>> -> memref<128xi32, #tpu.memory_space<vmem>>
      %dma_start3A_196 = arith.constant 0 : i32
      %dma_start3A_197 = arith.constant 0 : i32
      %dma_start3A_198 = tpu.memref_slice %arg10[%dma_start3A_196, %dma_start3A_197] : memref<100096x16xf32, #tpu.memory_space<vmem_shared>> -> memref<100096x16xf32, #tpu.memory_space<vmem_shared>>
      tpu.enqueue_indirect_dma source(%dma_start3A_192 : memref<128x16xf32, #tpu.memory_space<vmem>>) target(%dma_start3A_198 : memref<100096x16xf32, #tpu.memory_space<vmem_shared>>) offsets(%dma_start3A_195 : memref<128xi32, #tpu.memory_space<vmem>>) semaphore(%arg12 : memref<!tpu.dma_semaphore, #tpu.memory_space<semaphore_mem>>) {add = true}
      %dma_start3A_199 = arith.constant 1 : i32
      %dma_start3A_200 = arith.constant 1 : i32
      %dma_start3A_201 = arith.constant 0 : i32
      %dma_start3A_202 = arith.constant 0 : i32
      %dma_start3A_203 = tpu.memref_slice %arg8[%dma_start3A_199, %dma_start3A_201, %dma_start3A_202] : memref<4x128x16xf32, #tpu.memory_space<vmem>> -> memref<1x128x16xf32, #tpu.memory_space<vmem>>
      %dma_start3A_204 = tpu.memref_squeeze %dma_start3A_203 : memref<1x128x16xf32, #tpu.memory_space<vmem>> -> memref<128x16xf32, #tpu.memory_space<vmem>>
      %dma_start3A_205 = arith.constant 0 : i32
      %dma_start3A_206 = tpu.memref_slice %arg7[%dma_start3A_200, %dma_start3A_205] : memref<4x128xi32, #tpu.memory_space<vmem>> -> memref<1x128xi32, #tpu.memory_space<vmem>>
      %dma_start3A_207 = tpu.memref_squeeze %dma_start3A_206 : memref<1x128xi32, #tpu.memory_space<vmem>> -> memref<128xi32, #tpu.memory_space<vmem>>
      %dma_start3A_208 = arith.constant 0 : i32
      %dma_start3A_209 = arith.constant 0 : i32
      %dma_start3A_210 = tpu.memref_slice %arg10[%dma_start3A_208, %dma_start3A_209] : memref<100096x16xf32, #tpu.memory_space<vmem_shared>> -> memref<100096x16xf32, #tpu.memory_space<vmem_shared>>
      tpu.enqueue_indirect_dma source(%dma_start3A_204 : memref<128x16xf32, #tpu.memory_space<vmem>>) target(%dma_start3A_210 : memref<100096x16xf32, #tpu.memory_space<vmem_shared>>) offsets(%dma_start3A_207 : memref<128xi32, #tpu.memory_space<vmem>>) semaphore(%arg12 : memref<!tpu.dma_semaphore, #tpu.memory_space<semaphore_mem>>) {add = true}
      %dma_start3A_211 = arith.constant 2 : i32
      %dma_start3A_212 = arith.constant 2 : i32
      %dma_start3A_213 = arith.constant 0 : i32
      %dma_start3A_214 = arith.constant 0 : i32
      %dma_start3A_215 = tpu.memref_slice %arg8[%dma_start3A_211, %dma_start3A_213, %dma_start3A_214] : memref<4x128x16xf32, #tpu.memory_space<vmem>> -> memref<1x128x16xf32, #tpu.memory_space<vmem>>
      %dma_start3A_216 = tpu.memref_squeeze %dma_start3A_215 : memref<1x128x16xf32, #tpu.memory_space<vmem>> -> memref<128x16xf32, #tpu.memory_space<vmem>>
      %dma_start3A_217 = arith.constant 0 : i32
      %dma_start3A_218 = tpu.memref_slice %arg7[%dma_start3A_212, %dma_start3A_217] : memref<4x128xi32, #tpu.memory_space<vmem>> -> memref<1x128xi32, #tpu.memory_space<vmem>>
      %dma_start3A_219 = tpu.memref_squeeze %dma_start3A_218 : memref<1x128xi32, #tpu.memory_space<vmem>> -> memref<128xi32, #tpu.memory_space<vmem>>
      %dma_start3A_220 = arith.constant 0 : i32
      %dma_start3A_221 = arith.constant 0 : i32
      %dma_start3A_222 = tpu.memref_slice %arg10[%dma_start3A_220, %dma_start3A_221] : memref<100096x16xf32, #tpu.memory_space<vmem_shared>> -> memref<100096x16xf32, #tpu.memory_space<vmem_shared>>
      tpu.enqueue_indirect_dma source(%dma_start3A_216 : memref<128x16xf32, #tpu.memory_space<vmem>>) target(%dma_start3A_222 : memref<100096x16xf32, #tpu.memory_space<vmem_shared>>) offsets(%dma_start3A_219 : memref<128xi32, #tpu.memory_space<vmem>>) semaphore(%arg12 : memref<!tpu.dma_semaphore, #tpu.memory_space<semaphore_mem>>) {add = true}
      %dma_start3A_223 = arith.constant 3 : i32
      %dma_start3A_224 = arith.constant 3 : i32
      %dma_start3A_225 = arith.constant 0 : i32
      %dma_start3A_226 = arith.constant 0 : i32
      %dma_start3A_227 = tpu.memref_slice %arg8[%dma_start3A_223, %dma_start3A_225, %dma_start3A_226] : memref<4x128x16xf32, #tpu.memory_space<vmem>> -> memref<1x128x16xf32, #tpu.memory_space<vmem>>
      %dma_start3A_228 = tpu.memref_squeeze %dma_start3A_227 : memref<1x128x16xf32, #tpu.memory_space<vmem>> -> memref<128x16xf32, #tpu.memory_space<vmem>>
      %dma_start3A_229 = arith.constant 0 : i32
      %dma_start3A_230 = tpu.memref_slice %arg7[%dma_start3A_224, %dma_start3A_229] : memref<4x128xi32, #tpu.memory_space<vmem>> -> memref<1x128xi32, #tpu.memory_space<vmem>>
      %dma_start3A_231 = tpu.memref_squeeze %dma_start3A_230 : memref<1x128xi32, #tpu.memory_space<vmem>> -> memref<128xi32, #tpu.memory_space<vmem>>
      %dma_start3A_232 = arith.constant 0 : i32
      %dma_start3A_233 = arith.constant 0 : i32
      %dma_start3A_234 = tpu.memref_slice %arg10[%dma_start3A_232, %dma_start3A_233] : memref<100096x16xf32, #tpu.memory_space<vmem_shared>> -> memref<100096x16xf32, #tpu.memory_space<vmem_shared>>
      tpu.enqueue_indirect_dma source(%dma_start3A_228 : memref<128x16xf32, #tpu.memory_space<vmem>>) target(%dma_start3A_234 : memref<100096x16xf32, #tpu.memory_space<vmem_shared>>) offsets(%dma_start3A_231 : memref<128xi32, #tpu.memory_space<vmem>>) semaphore(%arg12 : memref<!tpu.dma_semaphore, #tpu.memory_space<semaphore_mem>>) {add = true}
    }
    %scan3A_112 = arith.constant 97 : i32
    tpu.wait_dma2 semaphore(%arg11 : memref<!tpu.dma_semaphore, #tpu.memory_space<semaphore_mem>>) src(%arg2 : memref<4x128x16xf32, #tpu.memory_space<hbm>>) dst(%arg8 : memref<4x128x16xf32, #tpu.memory_space<vmem>>)
    tpu.wait_dma2 semaphore(%arg12 : memref<!tpu.dma_semaphore, #tpu.memory_space<semaphore_mem>>) src(%arg2 : memref<4x128x16xf32, #tpu.memory_space<hbm>>) dst(%arg8 : memref<4x128x16xf32, #tpu.memory_space<vmem>>)
    %barrier3A_113 = arith.constant 0 : index
    tpu.barrier barrier_id(%barrier3A_113)
    %mul3A_114 = arith.constant 6256 : i32
    %mul3A_115 = arith.muli %arg1, %mul3A_114 : i32
    %mul3A_116 = arith.constant 6256 : i32
    %mul3A_117 = arith.muli %arg1, %mul3A_116 : i32
    "tpu.region"() ({
      %run_scoped3A = tpu.sem_alloc : memref<!tpu.dma_semaphore, #tpu.memory_space<semaphore_mem>>
      %dma_start3A_118 = arith.constant 0 : i32
      %dma_start3A_119 = tpu.memref_slice %arg5[%arg0, %mul3A_117, %dma_start3A_118] : memref<2x100096x16xf32, #tpu.memory_space<hbm>> -> memref<1x6256x16xf32, #tpu.memory_space<hbm>>
      %dma_start3A_120 = tpu.memref_squeeze %dma_start3A_119 : memref<1x6256x16xf32, #tpu.memory_space<hbm>> -> memref<6256x16xf32, #tpu.memory_space<hbm>>
      %dma_start3A_121 = arith.constant 0 : i32
      %dma_start3A_122 = tpu.memref_slice %arg10[%mul3A_115, %dma_start3A_121] : memref<100096x16xf32, #tpu.memory_space<vmem_shared>> -> memref<6256x16xf32, #tpu.memory_space<vmem_shared>>
      tpu.enqueue_dma source(%dma_start3A_122 : memref<6256x16xf32, #tpu.memory_space<vmem_shared>>) target(%dma_start3A_120 : memref<6256x16xf32, #tpu.memory_space<hbm>>) target_semaphore(%run_scoped3A : memref<!tpu.dma_semaphore, #tpu.memory_space<semaphore_mem>>)
      %dma_wait3A = arith.constant 0 : i32
      %dma_wait3A_123 = tpu.memref_slice %arg5[%arg0, %mul3A_117, %dma_wait3A] : memref<2x100096x16xf32, #tpu.memory_space<hbm>> -> memref<1x6256x16xf32, #tpu.memory_space<hbm>>
      %dma_wait3A_124 = tpu.memref_squeeze %dma_wait3A_123 : memref<1x6256x16xf32, #tpu.memory_space<hbm>> -> memref<6256x16xf32, #tpu.memory_space<hbm>>
      %dma_wait3A_125 = arith.constant 0 : i32
      %dma_wait3A_126 = tpu.memref_slice %arg10[%mul3A_115, %dma_wait3A_125] : memref<100096x16xf32, #tpu.memory_space<vmem_shared>> -> memref<6256x16xf32, #tpu.memory_space<vmem_shared>>
      tpu.wait_dma2 semaphore(%run_scoped3A : memref<!tpu.dma_semaphore, #tpu.memory_space<semaphore_mem>>) src(%dma_wait3A_126 : memref<6256x16xf32, #tpu.memory_space<vmem_shared>>) dst(%dma_wait3A_124 : memref<6256x16xf32, #tpu.memory_space<hbm>>)
      tpu.yield
    }) : () -> ()
    return
  }
}

#map = affine_map<(d0, d1) -> (0, 0)>
#map1 = affine_map<(d0, d1) -> (0, 0, 0)>
module attributes {stable_mosaic.version = 14 : i64} {
  func.func @body(%arg0: i32, %arg1: i32, %arg2: memref<100000x16xf32, #tpu.memory_space<hbm>>, %arg3: memref<25088x128xi32, #tpu.memory_space<hbm>>, %arg4: memref<25088x128xi32, #tpu.memory_space<hbm>>, %arg5: memref<782x16xf32, #tpu.memory_space<hbm>>, %arg6: memref<4x128x16xf32, #tpu.memory_space<hbm>>, %arg7: memref<2x100096x16xf32, #tpu.memory_space<hbm>>, %arg8: memref<4x128xi32, #tpu.memory_space<vmem>>, %arg9: memref<4x128xi32, #tpu.memory_space<vmem>>, %arg10: memref<4x128xi32, #tpu.memory_space<vmem>>, %arg11: memref<4x128xi32, #tpu.memory_space<vmem>>, %arg12: memref<4x128x16xf32, #tpu.memory_space<vmem>>, %arg13: memref<4x128x16xf32, #tpu.memory_space<vmem>>, %arg14: memref<782x16xf32, #tpu.memory_space<vmem>>, %arg15: memref<100096x16xf32, #tpu.memory_space<vmem_shared>>, %arg16: memref<!tpu.dma_semaphore, #tpu.memory_space<semaphore_mem>>, %arg17: memref<!tpu.dma_semaphore, #tpu.memory_space<semaphore_mem>>, %arg18: memref<!tpu.dma_semaphore, #tpu.memory_space<semaphore_mem>>, %arg19: memref<!tpu.dma_semaphore, #tpu.memory_space<semaphore_mem>>) attributes {dimension_semantics = [#tpu.dimension_semantics<core_parallel>, #tpu.dimension_semantics<subcore_parallel>], iteration_bounds = array<i64: 2, 16>, scalar_prefetch = 0 : i64, scratch_operands = 12 : i64, tpu.core_type = #tpu.core_type<sc_vector_subcore>, window_params = [{transform_indices = #map}, {transform_indices = #map}, {transform_indices = #map}, {transform_indices = #map}, {transform_indices = #map1}, {transform_indices = #map1}]} {
    %mul3A = arith.constant 16 : i32
    %mul3A_0 = arith.muli %arg0, %mul3A : i32
    %add3A = arith.addi %mul3A_0, %arg1 : i32
    "tpu.region"() ({
      %run_scoped3A = tpu.sem_alloc : memref<!tpu.dma_semaphore, #tpu.memory_space<semaphore_mem>>
      tpu.enqueue_dma source(%arg5 : memref<782x16xf32, #tpu.memory_space<hbm>>) target(%arg14 : memref<782x16xf32, #tpu.memory_space<vmem>>) target_semaphore(%run_scoped3A : memref<!tpu.dma_semaphore, #tpu.memory_space<semaphore_mem>>)
      tpu.wait_dma2 semaphore(%run_scoped3A : memref<!tpu.dma_semaphore, #tpu.memory_space<semaphore_mem>>) src(%arg5 : memref<782x16xf32, #tpu.memory_space<hbm>>) dst(%arg14 : memref<782x16xf32, #tpu.memory_space<vmem>>)
      tpu.yield
    }) : () -> ()
    %scan3A = arith.constant 0 : i32
    %scan3A_1 = arith.constant 8 : i32
    %scan3A_2 = arith.addi %scan3A, %scan3A_1 : i32
    %scan3A_3 = arith.constant 1 : i32
    scf.for %scan3A_218 = %scan3A to %scan3A_2 step %scan3A_3  : i32 {
      %mul3A_219 = arith.constant 1 : i32
      %mul3A_220 = arith.muli %scan3A_218, %mul3A_219 : i32
      %add3A_221 = arith.constant 0 : i32
      %add3A_222 = arith.addi %add3A_221, %mul3A_220 : i32
      %mul3A_223 = arith.constant 6256 : i32
      %mul3A_224 = arith.muli %arg1, %mul3A_223 : i32
      %mul3A_225 = arith.constant 782 : i32
      %mul3A_226 = arith.muli %add3A_222, %mul3A_225 : i32
      %add3A_227 = arith.addi %mul3A_224, %mul3A_226 : i32
      "tpu.region"() ({
        %run_scoped3A = tpu.sem_alloc : memref<!tpu.dma_semaphore, #tpu.memory_space<semaphore_mem>>
        %dma_start3A_228 = arith.constant 0 : i32
        %dma_start3A_229 = tpu.memref_slice %arg15[%add3A_227, %dma_start3A_228] : memref<100096x16xf32, #tpu.memory_space<vmem_shared>> -> memref<782x16xf32, #tpu.memory_space<vmem_shared>>
        %dma_start3A_230 = arith.constant 0 : i32
        %dma_start3A_231 = tpu.memref_slice %arg15[%add3A_227, %dma_start3A_230] : memref<100096x16xf32, #tpu.memory_space<vmem_shared>> -> memref<782x16xf32, #tpu.memory_space<vmem_shared>>
        tpu.enqueue_dma source(%arg14 : memref<782x16xf32, #tpu.memory_space<vmem>>) target(%dma_start3A_231 : memref<782x16xf32, #tpu.memory_space<vmem_shared>>) target_semaphore(%run_scoped3A : memref<!tpu.dma_semaphore, #tpu.memory_space<semaphore_mem>>)
        %dma_wait3A = arith.constant 0 : i32
        %dma_wait3A_232 = tpu.memref_slice %arg15[%add3A_227, %dma_wait3A] : memref<100096x16xf32, #tpu.memory_space<vmem_shared>> -> memref<782x16xf32, #tpu.memory_space<vmem_shared>>
        %dma_wait3A_233 = arith.constant 0 : i32
        %dma_wait3A_234 = tpu.memref_slice %arg15[%add3A_227, %dma_wait3A_233] : memref<100096x16xf32, #tpu.memory_space<vmem_shared>> -> memref<782x16xf32, #tpu.memory_space<vmem_shared>>
        tpu.wait_dma2 semaphore(%run_scoped3A : memref<!tpu.dma_semaphore, #tpu.memory_space<semaphore_mem>>) src(%arg14 : memref<782x16xf32, #tpu.memory_space<vmem>>) dst(%dma_wait3A_234 : memref<782x16xf32, #tpu.memory_space<vmem_shared>>)
        tpu.yield
      }) : () -> ()
    }
    %scan3A_4 = arith.constant 8 : i32
    %barrier3A = arith.constant 0 : index
    tpu.barrier barrier_id(%barrier3A)
    %mul3A_5 = arith.constant 196 : i32
    %mul3A_6 = arith.muli %add3A, %mul3A_5 : i32
    %mul3A_7 = arith.constant 4 : i32
    %mul3A_8 = arith.muli %mul3A_6, %mul3A_7 : i32
    %add3A_9 = arith.constant 0 : i32
    %add3A_10 = arith.addi %mul3A_8, %add3A_9 : i32
    "tpu.region"() ({
      %run_scoped3A = tpu.sem_alloc : memref<!tpu.dma_semaphore, #tpu.memory_space<semaphore_mem>>
      %dma_start3A_218 = arith.constant 0 : i32
      %dma_start3A_219 = tpu.memref_slice %arg3[%add3A_10, %dma_start3A_218] : memref<25088x128xi32, #tpu.memory_space<hbm>> -> memref<4x128xi32, #tpu.memory_space<hbm>>
      %dma_start3A_220 = arith.constant 0 : i32
      %dma_start3A_221 = tpu.memref_slice %arg3[%add3A_10, %dma_start3A_220] : memref<25088x128xi32, #tpu.memory_space<hbm>> -> memref<4x128xi32, #tpu.memory_space<hbm>>
      tpu.enqueue_dma source(%dma_start3A_221 : memref<4x128xi32, #tpu.memory_space<hbm>>) target(%arg8 : memref<4x128xi32, #tpu.memory_space<vmem>>) target_semaphore(%run_scoped3A : memref<!tpu.dma_semaphore, #tpu.memory_space<semaphore_mem>>)
      %dma_wait3A = arith.constant 0 : i32
      %dma_wait3A_222 = tpu.memref_slice %arg3[%add3A_10, %dma_wait3A] : memref<25088x128xi32, #tpu.memory_space<hbm>> -> memref<4x128xi32, #tpu.memory_space<hbm>>
      %dma_wait3A_223 = arith.constant 0 : i32
      %dma_wait3A_224 = tpu.memref_slice %arg3[%add3A_10, %dma_wait3A_223] : memref<25088x128xi32, #tpu.memory_space<hbm>> -> memref<4x128xi32, #tpu.memory_space<hbm>>
      tpu.wait_dma2 semaphore(%run_scoped3A : memref<!tpu.dma_semaphore, #tpu.memory_space<semaphore_mem>>) src(%dma_wait3A_224 : memref<4x128xi32, #tpu.memory_space<hbm>>) dst(%arg8 : memref<4x128xi32, #tpu.memory_space<vmem>>)
      tpu.yield
    }) : () -> ()
    %add3A_11 = arith.constant 0 : i32
    %add3A_12 = arith.addi %mul3A_8, %add3A_11 : i32
    "tpu.region"() ({
      %run_scoped3A = tpu.sem_alloc : memref<!tpu.dma_semaphore, #tpu.memory_space<semaphore_mem>>
      %dma_start3A_218 = arith.constant 0 : i32
      %dma_start3A_219 = tpu.memref_slice %arg4[%add3A_12, %dma_start3A_218] : memref<25088x128xi32, #tpu.memory_space<hbm>> -> memref<4x128xi32, #tpu.memory_space<hbm>>
      %dma_start3A_220 = arith.constant 0 : i32
      %dma_start3A_221 = tpu.memref_slice %arg4[%add3A_12, %dma_start3A_220] : memref<25088x128xi32, #tpu.memory_space<hbm>> -> memref<4x128xi32, #tpu.memory_space<hbm>>
      tpu.enqueue_dma source(%dma_start3A_221 : memref<4x128xi32, #tpu.memory_space<hbm>>) target(%arg10 : memref<4x128xi32, #tpu.memory_space<vmem>>) target_semaphore(%run_scoped3A : memref<!tpu.dma_semaphore, #tpu.memory_space<semaphore_mem>>)
      %dma_wait3A = arith.constant 0 : i32
      %dma_wait3A_222 = tpu.memref_slice %arg4[%add3A_12, %dma_wait3A] : memref<25088x128xi32, #tpu.memory_space<hbm>> -> memref<4x128xi32, #tpu.memory_space<hbm>>
      %dma_wait3A_223 = arith.constant 0 : i32
      %dma_wait3A_224 = tpu.memref_slice %arg4[%add3A_12, %dma_wait3A_223] : memref<25088x128xi32, #tpu.memory_space<hbm>> -> memref<4x128xi32, #tpu.memory_space<hbm>>
      tpu.wait_dma2 semaphore(%run_scoped3A : memref<!tpu.dma_semaphore, #tpu.memory_space<semaphore_mem>>) src(%dma_wait3A_224 : memref<4x128xi32, #tpu.memory_space<hbm>>) dst(%arg10 : memref<4x128xi32, #tpu.memory_space<vmem>>)
      tpu.yield
    }) : () -> ()
    %dma_start3A = arith.constant 0 : i32
    %dma_start3A_13 = arith.constant 0 : i32
    %dma_start3A_14 = arith.constant 0 : i32
    %dma_start3A_15 = arith.constant 0 : i32
    %dma_start3A_16 = tpu.memref_slice %arg12[%dma_start3A_13, %dma_start3A_14, %dma_start3A_15] : memref<4x128x16xf32, #tpu.memory_space<vmem>> -> memref<1x128x16xf32, #tpu.memory_space<vmem>>
    %dma_start3A_17 = tpu.memref_squeeze %dma_start3A_16 : memref<1x128x16xf32, #tpu.memory_space<vmem>> -> memref<128x16xf32, #tpu.memory_space<vmem>>
    %dma_start3A_18 = arith.constant 0 : i32
    %dma_start3A_19 = tpu.memref_slice %arg8[%dma_start3A, %dma_start3A_18] : memref<4x128xi32, #tpu.memory_space<vmem>> -> memref<1x128xi32, #tpu.memory_space<vmem>>
    %dma_start3A_20 = tpu.memref_squeeze %dma_start3A_19 : memref<1x128xi32, #tpu.memory_space<vmem>> -> memref<128xi32, #tpu.memory_space<vmem>>
    %dma_start3A_21 = arith.constant 0 : i32
    %dma_start3A_22 = arith.constant 0 : i32
    %dma_start3A_23 = tpu.memref_slice %arg2[%dma_start3A_21, %dma_start3A_22] : memref<100000x16xf32, #tpu.memory_space<hbm>> -> memref<100000x16xf32, #tpu.memory_space<hbm>>
    tpu.enqueue_indirect_dma source(%dma_start3A_23 : memref<100000x16xf32, #tpu.memory_space<hbm>>) target(%dma_start3A_17 : memref<128x16xf32, #tpu.memory_space<vmem>>) offsets(%dma_start3A_20 : memref<128xi32, #tpu.memory_space<vmem>>) semaphore(%arg16 : memref<!tpu.dma_semaphore, #tpu.memory_space<semaphore_mem>>)
    %dma_start3A_24 = arith.constant 1 : i32
    %dma_start3A_25 = arith.constant 1 : i32
    %dma_start3A_26 = arith.constant 0 : i32
    %dma_start3A_27 = arith.constant 0 : i32
    %dma_start3A_28 = tpu.memref_slice %arg12[%dma_start3A_25, %dma_start3A_26, %dma_start3A_27] : memref<4x128x16xf32, #tpu.memory_space<vmem>> -> memref<1x128x16xf32, #tpu.memory_space<vmem>>
    %dma_start3A_29 = tpu.memref_squeeze %dma_start3A_28 : memref<1x128x16xf32, #tpu.memory_space<vmem>> -> memref<128x16xf32, #tpu.memory_space<vmem>>
    %dma_start3A_30 = arith.constant 0 : i32
    %dma_start3A_31 = tpu.memref_slice %arg8[%dma_start3A_24, %dma_start3A_30] : memref<4x128xi32, #tpu.memory_space<vmem>> -> memref<1x128xi32, #tpu.memory_space<vmem>>
    %dma_start3A_32 = tpu.memref_squeeze %dma_start3A_31 : memref<1x128xi32, #tpu.memory_space<vmem>> -> memref<128xi32, #tpu.memory_space<vmem>>
    %dma_start3A_33 = arith.constant 0 : i32
    %dma_start3A_34 = arith.constant 0 : i32
    %dma_start3A_35 = tpu.memref_slice %arg2[%dma_start3A_33, %dma_start3A_34] : memref<100000x16xf32, #tpu.memory_space<hbm>> -> memref<100000x16xf32, #tpu.memory_space<hbm>>
    tpu.enqueue_indirect_dma source(%dma_start3A_35 : memref<100000x16xf32, #tpu.memory_space<hbm>>) target(%dma_start3A_29 : memref<128x16xf32, #tpu.memory_space<vmem>>) offsets(%dma_start3A_32 : memref<128xi32, #tpu.memory_space<vmem>>) semaphore(%arg16 : memref<!tpu.dma_semaphore, #tpu.memory_space<semaphore_mem>>)
    %dma_start3A_36 = arith.constant 2 : i32
    %dma_start3A_37 = arith.constant 2 : i32
    %dma_start3A_38 = arith.constant 0 : i32
    %dma_start3A_39 = arith.constant 0 : i32
    %dma_start3A_40 = tpu.memref_slice %arg12[%dma_start3A_37, %dma_start3A_38, %dma_start3A_39] : memref<4x128x16xf32, #tpu.memory_space<vmem>> -> memref<1x128x16xf32, #tpu.memory_space<vmem>>
    %dma_start3A_41 = tpu.memref_squeeze %dma_start3A_40 : memref<1x128x16xf32, #tpu.memory_space<vmem>> -> memref<128x16xf32, #tpu.memory_space<vmem>>
    %dma_start3A_42 = arith.constant 0 : i32
    %dma_start3A_43 = tpu.memref_slice %arg8[%dma_start3A_36, %dma_start3A_42] : memref<4x128xi32, #tpu.memory_space<vmem>> -> memref<1x128xi32, #tpu.memory_space<vmem>>
    %dma_start3A_44 = tpu.memref_squeeze %dma_start3A_43 : memref<1x128xi32, #tpu.memory_space<vmem>> -> memref<128xi32, #tpu.memory_space<vmem>>
    %dma_start3A_45 = arith.constant 0 : i32
    %dma_start3A_46 = arith.constant 0 : i32
    %dma_start3A_47 = tpu.memref_slice %arg2[%dma_start3A_45, %dma_start3A_46] : memref<100000x16xf32, #tpu.memory_space<hbm>> -> memref<100000x16xf32, #tpu.memory_space<hbm>>
    tpu.enqueue_indirect_dma source(%dma_start3A_47 : memref<100000x16xf32, #tpu.memory_space<hbm>>) target(%dma_start3A_41 : memref<128x16xf32, #tpu.memory_space<vmem>>) offsets(%dma_start3A_44 : memref<128xi32, #tpu.memory_space<vmem>>) semaphore(%arg16 : memref<!tpu.dma_semaphore, #tpu.memory_space<semaphore_mem>>)
    %dma_start3A_48 = arith.constant 3 : i32
    %dma_start3A_49 = arith.constant 3 : i32
    %dma_start3A_50 = arith.constant 0 : i32
    %dma_start3A_51 = arith.constant 0 : i32
    %dma_start3A_52 = tpu.memref_slice %arg12[%dma_start3A_49, %dma_start3A_50, %dma_start3A_51] : memref<4x128x16xf32, #tpu.memory_space<vmem>> -> memref<1x128x16xf32, #tpu.memory_space<vmem>>
    %dma_start3A_53 = tpu.memref_squeeze %dma_start3A_52 : memref<1x128x16xf32, #tpu.memory_space<vmem>> -> memref<128x16xf32, #tpu.memory_space<vmem>>
    %dma_start3A_54 = arith.constant 0 : i32
    %dma_start3A_55 = tpu.memref_slice %arg8[%dma_start3A_48, %dma_start3A_54] : memref<4x128xi32, #tpu.memory_space<vmem>> -> memref<1x128xi32, #tpu.memory_space<vmem>>
    %dma_start3A_56 = tpu.memref_squeeze %dma_start3A_55 : memref<1x128xi32, #tpu.memory_space<vmem>> -> memref<128xi32, #tpu.memory_space<vmem>>
    %dma_start3A_57 = arith.constant 0 : i32
    %dma_start3A_58 = arith.constant 0 : i32
    %dma_start3A_59 = tpu.memref_slice %arg2[%dma_start3A_57, %dma_start3A_58] : memref<100000x16xf32, #tpu.memory_space<hbm>> -> memref<100000x16xf32, #tpu.memory_space<hbm>>
    tpu.enqueue_indirect_dma source(%dma_start3A_59 : memref<100000x16xf32, #tpu.memory_space<hbm>>) target(%dma_start3A_53 : memref<128x16xf32, #tpu.memory_space<vmem>>) offsets(%dma_start3A_56 : memref<128xi32, #tpu.memory_space<vmem>>) semaphore(%arg16 : memref<!tpu.dma_semaphore, #tpu.memory_space<semaphore_mem>>)
    %add3A_60 = arith.constant 4 : i32
    %add3A_61 = arith.addi %mul3A_8, %add3A_60 : i32
    "tpu.region"() ({
      %run_scoped3A = tpu.sem_alloc : memref<!tpu.dma_semaphore, #tpu.memory_space<semaphore_mem>>
      %dma_start3A_218 = arith.constant 0 : i32
      %dma_start3A_219 = tpu.memref_slice %arg3[%add3A_61, %dma_start3A_218] : memref<25088x128xi32, #tpu.memory_space<hbm>> -> memref<4x128xi32, #tpu.memory_space<hbm>>
      %dma_start3A_220 = arith.constant 0 : i32
      %dma_start3A_221 = tpu.memref_slice %arg3[%add3A_61, %dma_start3A_220] : memref<25088x128xi32, #tpu.memory_space<hbm>> -> memref<4x128xi32, #tpu.memory_space<hbm>>
      tpu.enqueue_dma source(%dma_start3A_221 : memref<4x128xi32, #tpu.memory_space<hbm>>) target(%arg9 : memref<4x128xi32, #tpu.memory_space<vmem>>) target_semaphore(%run_scoped3A : memref<!tpu.dma_semaphore, #tpu.memory_space<semaphore_mem>>)
      %dma_wait3A = arith.constant 0 : i32
      %dma_wait3A_222 = tpu.memref_slice %arg3[%add3A_61, %dma_wait3A] : memref<25088x128xi32, #tpu.memory_space<hbm>> -> memref<4x128xi32, #tpu.memory_space<hbm>>
      %dma_wait3A_223 = arith.constant 0 : i32
      %dma_wait3A_224 = tpu.memref_slice %arg3[%add3A_61, %dma_wait3A_223] : memref<25088x128xi32, #tpu.memory_space<hbm>> -> memref<4x128xi32, #tpu.memory_space<hbm>>
      tpu.wait_dma2 semaphore(%run_scoped3A : memref<!tpu.dma_semaphore, #tpu.memory_space<semaphore_mem>>) src(%dma_wait3A_224 : memref<4x128xi32, #tpu.memory_space<hbm>>) dst(%arg9 : memref<4x128xi32, #tpu.memory_space<vmem>>)
      tpu.yield
    }) : () -> ()
    %add3A_62 = arith.constant 4 : i32
    %add3A_63 = arith.addi %mul3A_8, %add3A_62 : i32
    "tpu.region"() ({
      %run_scoped3A = tpu.sem_alloc : memref<!tpu.dma_semaphore, #tpu.memory_space<semaphore_mem>>
      %dma_start3A_218 = arith.constant 0 : i32
      %dma_start3A_219 = tpu.memref_slice %arg4[%add3A_63, %dma_start3A_218] : memref<25088x128xi32, #tpu.memory_space<hbm>> -> memref<4x128xi32, #tpu.memory_space<hbm>>
      %dma_start3A_220 = arith.constant 0 : i32
      %dma_start3A_221 = tpu.memref_slice %arg4[%add3A_63, %dma_start3A_220] : memref<25088x128xi32, #tpu.memory_space<hbm>> -> memref<4x128xi32, #tpu.memory_space<hbm>>
      tpu.enqueue_dma source(%dma_start3A_221 : memref<4x128xi32, #tpu.memory_space<hbm>>) target(%arg11 : memref<4x128xi32, #tpu.memory_space<vmem>>) target_semaphore(%run_scoped3A : memref<!tpu.dma_semaphore, #tpu.memory_space<semaphore_mem>>)
      %dma_wait3A = arith.constant 0 : i32
      %dma_wait3A_222 = tpu.memref_slice %arg4[%add3A_63, %dma_wait3A] : memref<25088x128xi32, #tpu.memory_space<hbm>> -> memref<4x128xi32, #tpu.memory_space<hbm>>
      %dma_wait3A_223 = arith.constant 0 : i32
      %dma_wait3A_224 = tpu.memref_slice %arg4[%add3A_63, %dma_wait3A_223] : memref<25088x128xi32, #tpu.memory_space<hbm>> -> memref<4x128xi32, #tpu.memory_space<hbm>>
      tpu.wait_dma2 semaphore(%run_scoped3A : memref<!tpu.dma_semaphore, #tpu.memory_space<semaphore_mem>>) src(%dma_wait3A_224 : memref<4x128xi32, #tpu.memory_space<hbm>>) dst(%arg11 : memref<4x128xi32, #tpu.memory_space<vmem>>)
      tpu.yield
    }) : () -> ()
    %dma_start3A_64 = arith.constant 0 : i32
    %dma_start3A_65 = arith.constant 0 : i32
    %dma_start3A_66 = arith.constant 0 : i32
    %dma_start3A_67 = arith.constant 0 : i32
    %dma_start3A_68 = tpu.memref_slice %arg13[%dma_start3A_65, %dma_start3A_66, %dma_start3A_67] : memref<4x128x16xf32, #tpu.memory_space<vmem>> -> memref<1x128x16xf32, #tpu.memory_space<vmem>>
    %dma_start3A_69 = tpu.memref_squeeze %dma_start3A_68 : memref<1x128x16xf32, #tpu.memory_space<vmem>> -> memref<128x16xf32, #tpu.memory_space<vmem>>
    %dma_start3A_70 = arith.constant 0 : i32
    %dma_start3A_71 = tpu.memref_slice %arg9[%dma_start3A_64, %dma_start3A_70] : memref<4x128xi32, #tpu.memory_space<vmem>> -> memref<1x128xi32, #tpu.memory_space<vmem>>
    %dma_start3A_72 = tpu.memref_squeeze %dma_start3A_71 : memref<1x128xi32, #tpu.memory_space<vmem>> -> memref<128xi32, #tpu.memory_space<vmem>>
    %dma_start3A_73 = arith.constant 0 : i32
    %dma_start3A_74 = arith.constant 0 : i32
    %dma_start3A_75 = tpu.memref_slice %arg2[%dma_start3A_73, %dma_start3A_74] : memref<100000x16xf32, #tpu.memory_space<hbm>> -> memref<100000x16xf32, #tpu.memory_space<hbm>>
    tpu.enqueue_indirect_dma source(%dma_start3A_75 : memref<100000x16xf32, #tpu.memory_space<hbm>>) target(%dma_start3A_69 : memref<128x16xf32, #tpu.memory_space<vmem>>) offsets(%dma_start3A_72 : memref<128xi32, #tpu.memory_space<vmem>>) semaphore(%arg17 : memref<!tpu.dma_semaphore, #tpu.memory_space<semaphore_mem>>)
    %dma_start3A_76 = arith.constant 1 : i32
    %dma_start3A_77 = arith.constant 1 : i32
    %dma_start3A_78 = arith.constant 0 : i32
    %dma_start3A_79 = arith.constant 0 : i32
    %dma_start3A_80 = tpu.memref_slice %arg13[%dma_start3A_77, %dma_start3A_78, %dma_start3A_79] : memref<4x128x16xf32, #tpu.memory_space<vmem>> -> memref<1x128x16xf32, #tpu.memory_space<vmem>>
    %dma_start3A_81 = tpu.memref_squeeze %dma_start3A_80 : memref<1x128x16xf32, #tpu.memory_space<vmem>> -> memref<128x16xf32, #tpu.memory_space<vmem>>
    %dma_start3A_82 = arith.constant 0 : i32
    %dma_start3A_83 = tpu.memref_slice %arg9[%dma_start3A_76, %dma_start3A_82] : memref<4x128xi32, #tpu.memory_space<vmem>> -> memref<1x128xi32, #tpu.memory_space<vmem>>
    %dma_start3A_84 = tpu.memref_squeeze %dma_start3A_83 : memref<1x128xi32, #tpu.memory_space<vmem>> -> memref<128xi32, #tpu.memory_space<vmem>>
    %dma_start3A_85 = arith.constant 0 : i32
    %dma_start3A_86 = arith.constant 0 : i32
    %dma_start3A_87 = tpu.memref_slice %arg2[%dma_start3A_85, %dma_start3A_86] : memref<100000x16xf32, #tpu.memory_space<hbm>> -> memref<100000x16xf32, #tpu.memory_space<hbm>>
    tpu.enqueue_indirect_dma source(%dma_start3A_87 : memref<100000x16xf32, #tpu.memory_space<hbm>>) target(%dma_start3A_81 : memref<128x16xf32, #tpu.memory_space<vmem>>) offsets(%dma_start3A_84 : memref<128xi32, #tpu.memory_space<vmem>>) semaphore(%arg17 : memref<!tpu.dma_semaphore, #tpu.memory_space<semaphore_mem>>)
    %dma_start3A_88 = arith.constant 2 : i32
    %dma_start3A_89 = arith.constant 2 : i32
    %dma_start3A_90 = arith.constant 0 : i32
    %dma_start3A_91 = arith.constant 0 : i32
    %dma_start3A_92 = tpu.memref_slice %arg13[%dma_start3A_89, %dma_start3A_90, %dma_start3A_91] : memref<4x128x16xf32, #tpu.memory_space<vmem>> -> memref<1x128x16xf32, #tpu.memory_space<vmem>>
    %dma_start3A_93 = tpu.memref_squeeze %dma_start3A_92 : memref<1x128x16xf32, #tpu.memory_space<vmem>> -> memref<128x16xf32, #tpu.memory_space<vmem>>
    %dma_start3A_94 = arith.constant 0 : i32
    %dma_start3A_95 = tpu.memref_slice %arg9[%dma_start3A_88, %dma_start3A_94] : memref<4x128xi32, #tpu.memory_space<vmem>> -> memref<1x128xi32, #tpu.memory_space<vmem>>
    %dma_start3A_96 = tpu.memref_squeeze %dma_start3A_95 : memref<1x128xi32, #tpu.memory_space<vmem>> -> memref<128xi32, #tpu.memory_space<vmem>>
    %dma_start3A_97 = arith.constant 0 : i32
    %dma_start3A_98 = arith.constant 0 : i32
    %dma_start3A_99 = tpu.memref_slice %arg2[%dma_start3A_97, %dma_start3A_98] : memref<100000x16xf32, #tpu.memory_space<hbm>> -> memref<100000x16xf32, #tpu.memory_space<hbm>>
    tpu.enqueue_indirect_dma source(%dma_start3A_99 : memref<100000x16xf32, #tpu.memory_space<hbm>>) target(%dma_start3A_93 : memref<128x16xf32, #tpu.memory_space<vmem>>) offsets(%dma_start3A_96 : memref<128xi32, #tpu.memory_space<vmem>>) semaphore(%arg17 : memref<!tpu.dma_semaphore, #tpu.memory_space<semaphore_mem>>)
    %dma_start3A_100 = arith.constant 3 : i32
    %dma_start3A_101 = arith.constant 3 : i32
    %dma_start3A_102 = arith.constant 0 : i32
    %dma_start3A_103 = arith.constant 0 : i32
    %dma_start3A_104 = tpu.memref_slice %arg13[%dma_start3A_101, %dma_start3A_102, %dma_start3A_103] : memref<4x128x16xf32, #tpu.memory_space<vmem>> -> memref<1x128x16xf32, #tpu.memory_space<vmem>>
    %dma_start3A_105 = tpu.memref_squeeze %dma_start3A_104 : memref<1x128x16xf32, #tpu.memory_space<vmem>> -> memref<128x16xf32, #tpu.memory_space<vmem>>
    %dma_start3A_106 = arith.constant 0 : i32
    %dma_start3A_107 = tpu.memref_slice %arg9[%dma_start3A_100, %dma_start3A_106] : memref<4x128xi32, #tpu.memory_space<vmem>> -> memref<1x128xi32, #tpu.memory_space<vmem>>
    %dma_start3A_108 = tpu.memref_squeeze %dma_start3A_107 : memref<1x128xi32, #tpu.memory_space<vmem>> -> memref<128xi32, #tpu.memory_space<vmem>>
    %dma_start3A_109 = arith.constant 0 : i32
    %dma_start3A_110 = arith.constant 0 : i32
    %dma_start3A_111 = tpu.memref_slice %arg2[%dma_start3A_109, %dma_start3A_110] : memref<100000x16xf32, #tpu.memory_space<hbm>> -> memref<100000x16xf32, #tpu.memory_space<hbm>>
    tpu.enqueue_indirect_dma source(%dma_start3A_111 : memref<100000x16xf32, #tpu.memory_space<hbm>>) target(%dma_start3A_105 : memref<128x16xf32, #tpu.memory_space<vmem>>) offsets(%dma_start3A_108 : memref<128xi32, #tpu.memory_space<vmem>>) semaphore(%arg17 : memref<!tpu.dma_semaphore, #tpu.memory_space<semaphore_mem>>)
    %scan3A_112 = arith.constant 0 : i32
    %scan3A_113 = arith.constant 97 : i32
    %scan3A_114 = arith.addi %scan3A_112, %scan3A_113 : i32
    %scan3A_115 = arith.constant 1 : i32
    scf.for %scan3A_218 = %scan3A_112 to %scan3A_114 step %scan3A_115  : i32 {
      %mul3A_219 = arith.constant 1 : i32
      %mul3A_220 = arith.muli %scan3A_218, %mul3A_219 : i32
      %add3A_221 = arith.constant 0 : i32
      %add3A_222 = arith.addi %add3A_221, %mul3A_220 : i32
      %mul3A_223 = arith.constant 2 : i32
      %mul3A_224 = arith.muli %add3A_222, %mul3A_223 : i32
      tpu.wait_dma2 semaphore(%arg16 : memref<!tpu.dma_semaphore, #tpu.memory_space<semaphore_mem>>) src(%arg6 : memref<4x128x16xf32, #tpu.memory_space<hbm>>) dst(%arg12 : memref<4x128x16xf32, #tpu.memory_space<vmem>>)
      %dma_start3A_225 = arith.constant 0 : i32
      %dma_start3A_226 = arith.constant 0 : i32
      %dma_start3A_227 = arith.constant 0 : i32
      %dma_start3A_228 = arith.constant 0 : i32
      %dma_start3A_229 = tpu.memref_slice %arg12[%dma_start3A_225, %dma_start3A_227, %dma_start3A_228] : memref<4x128x16xf32, #tpu.memory_space<vmem>> -> memref<1x128x16xf32, #tpu.memory_space<vmem>>
      %dma_start3A_230 = tpu.memref_squeeze %dma_start3A_229 : memref<1x128x16xf32, #tpu.memory_space<vmem>> -> memref<128x16xf32, #tpu.memory_space<vmem>>
      %dma_start3A_231 = arith.constant 0 : i32
      %dma_start3A_232 = tpu.memref_slice %arg10[%dma_start3A_226, %dma_start3A_231] : memref<4x128xi32, #tpu.memory_space<vmem>> -> memref<1x128xi32, #tpu.memory_space<vmem>>
      %dma_start3A_233 = tpu.memref_squeeze %dma_start3A_232 : memref<1x128xi32, #tpu.memory_space<vmem>> -> memref<128xi32, #tpu.memory_space<vmem>>
      %dma_start3A_234 = arith.constant 0 : i32
      %dma_start3A_235 = arith.constant 0 : i32
      %dma_start3A_236 = tpu.memref_slice %arg15[%dma_start3A_234, %dma_start3A_235] : memref<100096x16xf32, #tpu.memory_space<vmem_shared>> -> memref<100096x16xf32, #tpu.memory_space<vmem_shared>>
      tpu.enqueue_indirect_dma source(%dma_start3A_230 : memref<128x16xf32, #tpu.memory_space<vmem>>) target(%dma_start3A_236 : memref<100096x16xf32, #tpu.memory_space<vmem_shared>>) offsets(%dma_start3A_233 : memref<128xi32, #tpu.memory_space<vmem>>) semaphore(%arg18 : memref<!tpu.dma_semaphore, #tpu.memory_space<semaphore_mem>>) {add = true}
      %dma_start3A_237 = arith.constant 1 : i32
      %dma_start3A_238 = arith.constant 1 : i32
      %dma_start3A_239 = arith.constant 0 : i32
      %dma_start3A_240 = arith.constant 0 : i32
      %dma_start3A_241 = tpu.memref_slice %arg12[%dma_start3A_237, %dma_start3A_239, %dma_start3A_240] : memref<4x128x16xf32, #tpu.memory_space<vmem>> -> memref<1x128x16xf32, #tpu.memory_space<vmem>>
      %dma_start3A_242 = tpu.memref_squeeze %dma_start3A_241 : memref<1x128x16xf32, #tpu.memory_space<vmem>> -> memref<128x16xf32, #tpu.memory_space<vmem>>
      %dma_start3A_243 = arith.constant 0 : i32
      %dma_start3A_244 = tpu.memref_slice %arg10[%dma_start3A_238, %dma_start3A_243] : memref<4x128xi32, #tpu.memory_space<vmem>> -> memref<1x128xi32, #tpu.memory_space<vmem>>
      %dma_start3A_245 = tpu.memref_squeeze %dma_start3A_244 : memref<1x128xi32, #tpu.memory_space<vmem>> -> memref<128xi32, #tpu.memory_space<vmem>>
      %dma_start3A_246 = arith.constant 0 : i32
      %dma_start3A_247 = arith.constant 0 : i32
      %dma_start3A_248 = tpu.memref_slice %arg15[%dma_start3A_246, %dma_start3A_247] : memref<100096x16xf32, #tpu.memory_space<vmem_shared>> -> memref<100096x16xf32, #tpu.memory_space<vmem_shared>>
      tpu.enqueue_indirect_dma source(%dma_start3A_242 : memref<128x16xf32, #tpu.memory_space<vmem>>) target(%dma_start3A_248 : memref<100096x16xf32, #tpu.memory_space<vmem_shared>>) offsets(%dma_start3A_245 : memref<128xi32, #tpu.memory_space<vmem>>) semaphore(%arg18 : memref<!tpu.dma_semaphore, #tpu.memory_space<semaphore_mem>>) {add = true}
      %dma_start3A_249 = arith.constant 2 : i32
      %dma_start3A_250 = arith.constant 2 : i32
      %dma_start3A_251 = arith.constant 0 : i32
      %dma_start3A_252 = arith.constant 0 : i32
      %dma_start3A_253 = tpu.memref_slice %arg12[%dma_start3A_249, %dma_start3A_251, %dma_start3A_252] : memref<4x128x16xf32, #tpu.memory_space<vmem>> -> memref<1x128x16xf32, #tpu.memory_space<vmem>>
      %dma_start3A_254 = tpu.memref_squeeze %dma_start3A_253 : memref<1x128x16xf32, #tpu.memory_space<vmem>> -> memref<128x16xf32, #tpu.memory_space<vmem>>
      %dma_start3A_255 = arith.constant 0 : i32
      %dma_start3A_256 = tpu.memref_slice %arg10[%dma_start3A_250, %dma_start3A_255] : memref<4x128xi32, #tpu.memory_space<vmem>> -> memref<1x128xi32, #tpu.memory_space<vmem>>
      %dma_start3A_257 = tpu.memref_squeeze %dma_start3A_256 : memref<1x128xi32, #tpu.memory_space<vmem>> -> memref<128xi32, #tpu.memory_space<vmem>>
      %dma_start3A_258 = arith.constant 0 : i32
      %dma_start3A_259 = arith.constant 0 : i32
      %dma_start3A_260 = tpu.memref_slice %arg15[%dma_start3A_258, %dma_start3A_259] : memref<100096x16xf32, #tpu.memory_space<vmem_shared>> -> memref<100096x16xf32, #tpu.memory_space<vmem_shared>>
      tpu.enqueue_indirect_dma source(%dma_start3A_254 : memref<128x16xf32, #tpu.memory_space<vmem>>) target(%dma_start3A_260 : memref<100096x16xf32, #tpu.memory_space<vmem_shared>>) offsets(%dma_start3A_257 : memref<128xi32, #tpu.memory_space<vmem>>) semaphore(%arg18 : memref<!tpu.dma_semaphore, #tpu.memory_space<semaphore_mem>>) {add = true}
      %dma_start3A_261 = arith.constant 3 : i32
      %dma_start3A_262 = arith.constant 3 : i32
      %dma_start3A_263 = arith.constant 0 : i32
      %dma_start3A_264 = arith.constant 0 : i32
      %dma_start3A_265 = tpu.memref_slice %arg12[%dma_start3A_261, %dma_start3A_263, %dma_start3A_264] : memref<4x128x16xf32, #tpu.memory_space<vmem>> -> memref<1x128x16xf32, #tpu.memory_space<vmem>>
      %dma_start3A_266 = tpu.memref_squeeze %dma_start3A_265 : memref<1x128x16xf32, #tpu.memory_space<vmem>> -> memref<128x16xf32, #tpu.memory_space<vmem>>
      %dma_start3A_267 = arith.constant 0 : i32
      %dma_start3A_268 = tpu.memref_slice %arg10[%dma_start3A_262, %dma_start3A_267] : memref<4x128xi32, #tpu.memory_space<vmem>> -> memref<1x128xi32, #tpu.memory_space<vmem>>
      %dma_start3A_269 = tpu.memref_squeeze %dma_start3A_268 : memref<1x128xi32, #tpu.memory_space<vmem>> -> memref<128xi32, #tpu.memory_space<vmem>>
      %dma_start3A_270 = arith.constant 0 : i32
      %dma_start3A_271 = arith.constant 0 : i32
      %dma_start3A_272 = tpu.memref_slice %arg15[%dma_start3A_270, %dma_start3A_271] : memref<100096x16xf32, #tpu.memory_space<vmem_shared>> -> memref<100096x16xf32, #tpu.memory_space<vmem_shared>>
      tpu.enqueue_indirect_dma source(%dma_start3A_266 : memref<128x16xf32, #tpu.memory_space<vmem>>) target(%dma_start3A_272 : memref<100096x16xf32, #tpu.memory_space<vmem_shared>>) offsets(%dma_start3A_269 : memref<128xi32, #tpu.memory_space<vmem>>) semaphore(%arg18 : memref<!tpu.dma_semaphore, #tpu.memory_space<semaphore_mem>>) {add = true}
      tpu.wait_dma2 semaphore(%arg18 : memref<!tpu.dma_semaphore, #tpu.memory_space<semaphore_mem>>) src(%arg6 : memref<4x128x16xf32, #tpu.memory_space<hbm>>) dst(%arg12 : memref<4x128x16xf32, #tpu.memory_space<vmem>>)
      %add3A_273 = arith.constant 2 : i32
      %add3A_274 = arith.addi %mul3A_224, %add3A_273 : i32
      %add3A_275 = arith.constant 0 : i32
      %add3A_276 = arith.addi %add3A_274, %add3A_275 : i32
      %mul3A_277 = arith.constant 4 : i32
      %mul3A_278 = arith.muli %add3A_276, %mul3A_277 : i32
      %add3A_279 = arith.addi %mul3A_8, %mul3A_278 : i32
      "tpu.region"() ({
        %run_scoped3A = tpu.sem_alloc : memref<!tpu.dma_semaphore, #tpu.memory_space<semaphore_mem>>
        %dma_start3A_437 = arith.constant 0 : i32
        %dma_start3A_438 = tpu.memref_slice %arg3[%add3A_279, %dma_start3A_437] : memref<25088x128xi32, #tpu.memory_space<hbm>> -> memref<4x128xi32, #tpu.memory_space<hbm>>
        %dma_start3A_439 = arith.constant 0 : i32
        %dma_start3A_440 = tpu.memref_slice %arg3[%add3A_279, %dma_start3A_439] : memref<25088x128xi32, #tpu.memory_space<hbm>> -> memref<4x128xi32, #tpu.memory_space<hbm>>
        tpu.enqueue_dma source(%dma_start3A_440 : memref<4x128xi32, #tpu.memory_space<hbm>>) target(%arg8 : memref<4x128xi32, #tpu.memory_space<vmem>>) target_semaphore(%run_scoped3A : memref<!tpu.dma_semaphore, #tpu.memory_space<semaphore_mem>>)
        %dma_wait3A = arith.constant 0 : i32
        %dma_wait3A_441 = tpu.memref_slice %arg3[%add3A_279, %dma_wait3A] : memref<25088x128xi32, #tpu.memory_space<hbm>> -> memref<4x128xi32, #tpu.memory_space<hbm>>
        %dma_wait3A_442 = arith.constant 0 : i32
        %dma_wait3A_443 = tpu.memref_slice %arg3[%add3A_279, %dma_wait3A_442] : memref<25088x128xi32, #tpu.memory_space<hbm>> -> memref<4x128xi32, #tpu.memory_space<hbm>>
        tpu.wait_dma2 semaphore(%run_scoped3A : memref<!tpu.dma_semaphore, #tpu.memory_space<semaphore_mem>>) src(%dma_wait3A_443 : memref<4x128xi32, #tpu.memory_space<hbm>>) dst(%arg8 : memref<4x128xi32, #tpu.memory_space<vmem>>)
        tpu.yield
      }) : () -> ()
      %mul3A_280 = arith.constant 4 : i32
      %mul3A_281 = arith.muli %add3A_276, %mul3A_280 : i32
      %add3A_282 = arith.addi %mul3A_8, %mul3A_281 : i32
      "tpu.region"() ({
        %run_scoped3A = tpu.sem_alloc : memref<!tpu.dma_semaphore, #tpu.memory_space<semaphore_mem>>
        %dma_start3A_437 = arith.constant 0 : i32
        %dma_start3A_438 = tpu.memref_slice %arg4[%add3A_282, %dma_start3A_437] : memref<25088x128xi32, #tpu.memory_space<hbm>> -> memref<4x128xi32, #tpu.memory_space<hbm>>
        %dma_start3A_439 = arith.constant 0 : i32
        %dma_start3A_440 = tpu.memref_slice %arg4[%add3A_282, %dma_start3A_439] : memref<25088x128xi32, #tpu.memory_space<hbm>> -> memref<4x128xi32, #tpu.memory_space<hbm>>
        tpu.enqueue_dma source(%dma_start3A_440 : memref<4x128xi32, #tpu.memory_space<hbm>>) target(%arg10 : memref<4x128xi32, #tpu.memory_space<vmem>>) target_semaphore(%run_scoped3A : memref<!tpu.dma_semaphore, #tpu.memory_space<semaphore_mem>>)
        %dma_wait3A = arith.constant 0 : i32
        %dma_wait3A_441 = tpu.memref_slice %arg4[%add3A_282, %dma_wait3A] : memref<25088x128xi32, #tpu.memory_space<hbm>> -> memref<4x128xi32, #tpu.memory_space<hbm>>
        %dma_wait3A_442 = arith.constant 0 : i32
        %dma_wait3A_443 = tpu.memref_slice %arg4[%add3A_282, %dma_wait3A_442] : memref<25088x128xi32, #tpu.memory_space<hbm>> -> memref<4x128xi32, #tpu.memory_space<hbm>>
        tpu.wait_dma2 semaphore(%run_scoped3A : memref<!tpu.dma_semaphore, #tpu.memory_space<semaphore_mem>>) src(%dma_wait3A_443 : memref<4x128xi32, #tpu.memory_space<hbm>>) dst(%arg10 : memref<4x128xi32, #tpu.memory_space<vmem>>)
        tpu.yield
      }) : () -> ()
      %dma_start3A_283 = arith.constant 0 : i32
      %dma_start3A_284 = arith.constant 0 : i32
      %dma_start3A_285 = arith.constant 0 : i32
      %dma_start3A_286 = arith.constant 0 : i32
      %dma_start3A_287 = tpu.memref_slice %arg12[%dma_start3A_284, %dma_start3A_285, %dma_start3A_286] : memref<4x128x16xf32, #tpu.memory_space<vmem>> -> memref<1x128x16xf32, #tpu.memory_space<vmem>>
      %dma_start3A_288 = tpu.memref_squeeze %dma_start3A_287 : memref<1x128x16xf32, #tpu.memory_space<vmem>> -> memref<128x16xf32, #tpu.memory_space<vmem>>
      %dma_start3A_289 = arith.constant 0 : i32
      %dma_start3A_290 = tpu.memref_slice %arg8[%dma_start3A_283, %dma_start3A_289] : memref<4x128xi32, #tpu.memory_space<vmem>> -> memref<1x128xi32, #tpu.memory_space<vmem>>
      %dma_start3A_291 = tpu.memref_squeeze %dma_start3A_290 : memref<1x128xi32, #tpu.memory_space<vmem>> -> memref<128xi32, #tpu.memory_space<vmem>>
      %dma_start3A_292 = arith.constant 0 : i32
      %dma_start3A_293 = arith.constant 0 : i32
      %dma_start3A_294 = tpu.memref_slice %arg2[%dma_start3A_292, %dma_start3A_293] : memref<100000x16xf32, #tpu.memory_space<hbm>> -> memref<100000x16xf32, #tpu.memory_space<hbm>>
      tpu.enqueue_indirect_dma source(%dma_start3A_294 : memref<100000x16xf32, #tpu.memory_space<hbm>>) target(%dma_start3A_288 : memref<128x16xf32, #tpu.memory_space<vmem>>) offsets(%dma_start3A_291 : memref<128xi32, #tpu.memory_space<vmem>>) semaphore(%arg16 : memref<!tpu.dma_semaphore, #tpu.memory_space<semaphore_mem>>)
      %dma_start3A_295 = arith.constant 1 : i32
      %dma_start3A_296 = arith.constant 1 : i32
      %dma_start3A_297 = arith.constant 0 : i32
      %dma_start3A_298 = arith.constant 0 : i32
      %dma_start3A_299 = tpu.memref_slice %arg12[%dma_start3A_296, %dma_start3A_297, %dma_start3A_298] : memref<4x128x16xf32, #tpu.memory_space<vmem>> -> memref<1x128x16xf32, #tpu.memory_space<vmem>>
      %dma_start3A_300 = tpu.memref_squeeze %dma_start3A_299 : memref<1x128x16xf32, #tpu.memory_space<vmem>> -> memref<128x16xf32, #tpu.memory_space<vmem>>
      %dma_start3A_301 = arith.constant 0 : i32
      %dma_start3A_302 = tpu.memref_slice %arg8[%dma_start3A_295, %dma_start3A_301] : memref<4x128xi32, #tpu.memory_space<vmem>> -> memref<1x128xi32, #tpu.memory_space<vmem>>
      %dma_start3A_303 = tpu.memref_squeeze %dma_start3A_302 : memref<1x128xi32, #tpu.memory_space<vmem>> -> memref<128xi32, #tpu.memory_space<vmem>>
      %dma_start3A_304 = arith.constant 0 : i32
      %dma_start3A_305 = arith.constant 0 : i32
      %dma_start3A_306 = tpu.memref_slice %arg2[%dma_start3A_304, %dma_start3A_305] : memref<100000x16xf32, #tpu.memory_space<hbm>> -> memref<100000x16xf32, #tpu.memory_space<hbm>>
      tpu.enqueue_indirect_dma source(%dma_start3A_306 : memref<100000x16xf32, #tpu.memory_space<hbm>>) target(%dma_start3A_300 : memref<128x16xf32, #tpu.memory_space<vmem>>) offsets(%dma_start3A_303 : memref<128xi32, #tpu.memory_space<vmem>>) semaphore(%arg16 : memref<!tpu.dma_semaphore, #tpu.memory_space<semaphore_mem>>)
      %dma_start3A_307 = arith.constant 2 : i32
      %dma_start3A_308 = arith.constant 2 : i32
      %dma_start3A_309 = arith.constant 0 : i32
      %dma_start3A_310 = arith.constant 0 : i32
      %dma_start3A_311 = tpu.memref_slice %arg12[%dma_start3A_308, %dma_start3A_309, %dma_start3A_310] : memref<4x128x16xf32, #tpu.memory_space<vmem>> -> memref<1x128x16xf32, #tpu.memory_space<vmem>>
      %dma_start3A_312 = tpu.memref_squeeze %dma_start3A_311 : memref<1x128x16xf32, #tpu.memory_space<vmem>> -> memref<128x16xf32, #tpu.memory_space<vmem>>
      %dma_start3A_313 = arith.constant 0 : i32
      %dma_start3A_314 = tpu.memref_slice %arg8[%dma_start3A_307, %dma_start3A_313] : memref<4x128xi32, #tpu.memory_space<vmem>> -> memref<1x128xi32, #tpu.memory_space<vmem>>
      %dma_start3A_315 = tpu.memref_squeeze %dma_start3A_314 : memref<1x128xi32, #tpu.memory_space<vmem>> -> memref<128xi32, #tpu.memory_space<vmem>>
      %dma_start3A_316 = arith.constant 0 : i32
      %dma_start3A_317 = arith.constant 0 : i32
      %dma_start3A_318 = tpu.memref_slice %arg2[%dma_start3A_316, %dma_start3A_317] : memref<100000x16xf32, #tpu.memory_space<hbm>> -> memref<100000x16xf32, #tpu.memory_space<hbm>>
      tpu.enqueue_indirect_dma source(%dma_start3A_318 : memref<100000x16xf32, #tpu.memory_space<hbm>>) target(%dma_start3A_312 : memref<128x16xf32, #tpu.memory_space<vmem>>) offsets(%dma_start3A_315 : memref<128xi32, #tpu.memory_space<vmem>>) semaphore(%arg16 : memref<!tpu.dma_semaphore, #tpu.memory_space<semaphore_mem>>)
      %dma_start3A_319 = arith.constant 3 : i32
      %dma_start3A_320 = arith.constant 3 : i32
      %dma_start3A_321 = arith.constant 0 : i32
      %dma_start3A_322 = arith.constant 0 : i32
      %dma_start3A_323 = tpu.memref_slice %arg12[%dma_start3A_320, %dma_start3A_321, %dma_start3A_322] : memref<4x128x16xf32, #tpu.memory_space<vmem>> -> memref<1x128x16xf32, #tpu.memory_space<vmem>>
      %dma_start3A_324 = tpu.memref_squeeze %dma_start3A_323 : memref<1x128x16xf32, #tpu.memory_space<vmem>> -> memref<128x16xf32, #tpu.memory_space<vmem>>
      %dma_start3A_325 = arith.constant 0 : i32
      %dma_start3A_326 = tpu.memref_slice %arg8[%dma_start3A_319, %dma_start3A_325] : memref<4x128xi32, #tpu.memory_space<vmem>> -> memref<1x128xi32, #tpu.memory_space<vmem>>
      %dma_start3A_327 = tpu.memref_squeeze %dma_start3A_326 : memref<1x128xi32, #tpu.memory_space<vmem>> -> memref<128xi32, #tpu.memory_space<vmem>>
      %dma_start3A_328 = arith.constant 0 : i32
      %dma_start3A_329 = arith.constant 0 : i32
      %dma_start3A_330 = tpu.memref_slice %arg2[%dma_start3A_328, %dma_start3A_329] : memref<100000x16xf32, #tpu.memory_space<hbm>> -> memref<100000x16xf32, #tpu.memory_space<hbm>>
      tpu.enqueue_indirect_dma source(%dma_start3A_330 : memref<100000x16xf32, #tpu.memory_space<hbm>>) target(%dma_start3A_324 : memref<128x16xf32, #tpu.memory_space<vmem>>) offsets(%dma_start3A_327 : memref<128xi32, #tpu.memory_space<vmem>>) semaphore(%arg16 : memref<!tpu.dma_semaphore, #tpu.memory_space<semaphore_mem>>)
      tpu.wait_dma2 semaphore(%arg17 : memref<!tpu.dma_semaphore, #tpu.memory_space<semaphore_mem>>) src(%arg6 : memref<4x128x16xf32, #tpu.memory_space<hbm>>) dst(%arg13 : memref<4x128x16xf32, #tpu.memory_space<vmem>>)
      %dma_start3A_331 = arith.constant 0 : i32
      %dma_start3A_332 = arith.constant 0 : i32
      %dma_start3A_333 = arith.constant 0 : i32
      %dma_start3A_334 = arith.constant 0 : i32
      %dma_start3A_335 = tpu.memref_slice %arg13[%dma_start3A_331, %dma_start3A_333, %dma_start3A_334] : memref<4x128x16xf32, #tpu.memory_space<vmem>> -> memref<1x128x16xf32, #tpu.memory_space<vmem>>
      %dma_start3A_336 = tpu.memref_squeeze %dma_start3A_335 : memref<1x128x16xf32, #tpu.memory_space<vmem>> -> memref<128x16xf32, #tpu.memory_space<vmem>>
      %dma_start3A_337 = arith.constant 0 : i32
      %dma_start3A_338 = tpu.memref_slice %arg11[%dma_start3A_332, %dma_start3A_337] : memref<4x128xi32, #tpu.memory_space<vmem>> -> memref<1x128xi32, #tpu.memory_space<vmem>>
      %dma_start3A_339 = tpu.memref_squeeze %dma_start3A_338 : memref<1x128xi32, #tpu.memory_space<vmem>> -> memref<128xi32, #tpu.memory_space<vmem>>
      %dma_start3A_340 = arith.constant 0 : i32
      %dma_start3A_341 = arith.constant 0 : i32
      %dma_start3A_342 = tpu.memref_slice %arg15[%dma_start3A_340, %dma_start3A_341] : memref<100096x16xf32, #tpu.memory_space<vmem_shared>> -> memref<100096x16xf32, #tpu.memory_space<vmem_shared>>
      tpu.enqueue_indirect_dma source(%dma_start3A_336 : memref<128x16xf32, #tpu.memory_space<vmem>>) target(%dma_start3A_342 : memref<100096x16xf32, #tpu.memory_space<vmem_shared>>) offsets(%dma_start3A_339 : memref<128xi32, #tpu.memory_space<vmem>>) semaphore(%arg19 : memref<!tpu.dma_semaphore, #tpu.memory_space<semaphore_mem>>) {add = true}
      %dma_start3A_343 = arith.constant 1 : i32
      %dma_start3A_344 = arith.constant 1 : i32
      %dma_start3A_345 = arith.constant 0 : i32
      %dma_start3A_346 = arith.constant 0 : i32
      %dma_start3A_347 = tpu.memref_slice %arg13[%dma_start3A_343, %dma_start3A_345, %dma_start3A_346] : memref<4x128x16xf32, #tpu.memory_space<vmem>> -> memref<1x128x16xf32, #tpu.memory_space<vmem>>
      %dma_start3A_348 = tpu.memref_squeeze %dma_start3A_347 : memref<1x128x16xf32, #tpu.memory_space<vmem>> -> memref<128x16xf32, #tpu.memory_space<vmem>>
      %dma_start3A_349 = arith.constant 0 : i32
      %dma_start3A_350 = tpu.memref_slice %arg11[%dma_start3A_344, %dma_start3A_349] : memref<4x128xi32, #tpu.memory_space<vmem>> -> memref<1x128xi32, #tpu.memory_space<vmem>>
      %dma_start3A_351 = tpu.memref_squeeze %dma_start3A_350 : memref<1x128xi32, #tpu.memory_space<vmem>> -> memref<128xi32, #tpu.memory_space<vmem>>
      %dma_start3A_352 = arith.constant 0 : i32
      %dma_start3A_353 = arith.constant 0 : i32
      %dma_start3A_354 = tpu.memref_slice %arg15[%dma_start3A_352, %dma_start3A_353] : memref<100096x16xf32, #tpu.memory_space<vmem_shared>> -> memref<100096x16xf32, #tpu.memory_space<vmem_shared>>
      tpu.enqueue_indirect_dma source(%dma_start3A_348 : memref<128x16xf32, #tpu.memory_space<vmem>>) target(%dma_start3A_354 : memref<100096x16xf32, #tpu.memory_space<vmem_shared>>) offsets(%dma_start3A_351 : memref<128xi32, #tpu.memory_space<vmem>>) semaphore(%arg19 : memref<!tpu.dma_semaphore, #tpu.memory_space<semaphore_mem>>) {add = true}
      %dma_start3A_355 = arith.constant 2 : i32
      %dma_start3A_356 = arith.constant 2 : i32
      %dma_start3A_357 = arith.constant 0 : i32
      %dma_start3A_358 = arith.constant 0 : i32
      %dma_start3A_359 = tpu.memref_slice %arg13[%dma_start3A_355, %dma_start3A_357, %dma_start3A_358] : memref<4x128x16xf32, #tpu.memory_space<vmem>> -> memref<1x128x16xf32, #tpu.memory_space<vmem>>
      %dma_start3A_360 = tpu.memref_squeeze %dma_start3A_359 : memref<1x128x16xf32, #tpu.memory_space<vmem>> -> memref<128x16xf32, #tpu.memory_space<vmem>>
      %dma_start3A_361 = arith.constant 0 : i32
      %dma_start3A_362 = tpu.memref_slice %arg11[%dma_start3A_356, %dma_start3A_361] : memref<4x128xi32, #tpu.memory_space<vmem>> -> memref<1x128xi32, #tpu.memory_space<vmem>>
      %dma_start3A_363 = tpu.memref_squeeze %dma_start3A_362 : memref<1x128xi32, #tpu.memory_space<vmem>> -> memref<128xi32, #tpu.memory_space<vmem>>
      %dma_start3A_364 = arith.constant 0 : i32
      %dma_start3A_365 = arith.constant 0 : i32
      %dma_start3A_366 = tpu.memref_slice %arg15[%dma_start3A_364, %dma_start3A_365] : memref<100096x16xf32, #tpu.memory_space<vmem_shared>> -> memref<100096x16xf32, #tpu.memory_space<vmem_shared>>
      tpu.enqueue_indirect_dma source(%dma_start3A_360 : memref<128x16xf32, #tpu.memory_space<vmem>>) target(%dma_start3A_366 : memref<100096x16xf32, #tpu.memory_space<vmem_shared>>) offsets(%dma_start3A_363 : memref<128xi32, #tpu.memory_space<vmem>>) semaphore(%arg19 : memref<!tpu.dma_semaphore, #tpu.memory_space<semaphore_mem>>) {add = true}
      %dma_start3A_367 = arith.constant 3 : i32
      %dma_start3A_368 = arith.constant 3 : i32
      %dma_start3A_369 = arith.constant 0 : i32
      %dma_start3A_370 = arith.constant 0 : i32
      %dma_start3A_371 = tpu.memref_slice %arg13[%dma_start3A_367, %dma_start3A_369, %dma_start3A_370] : memref<4x128x16xf32, #tpu.memory_space<vmem>> -> memref<1x128x16xf32, #tpu.memory_space<vmem>>
      %dma_start3A_372 = tpu.memref_squeeze %dma_start3A_371 : memref<1x128x16xf32, #tpu.memory_space<vmem>> -> memref<128x16xf32, #tpu.memory_space<vmem>>
      %dma_start3A_373 = arith.constant 0 : i32
      %dma_start3A_374 = tpu.memref_slice %arg11[%dma_start3A_368, %dma_start3A_373] : memref<4x128xi32, #tpu.memory_space<vmem>> -> memref<1x128xi32, #tpu.memory_space<vmem>>
      %dma_start3A_375 = tpu.memref_squeeze %dma_start3A_374 : memref<1x128xi32, #tpu.memory_space<vmem>> -> memref<128xi32, #tpu.memory_space<vmem>>
      %dma_start3A_376 = arith.constant 0 : i32
      %dma_start3A_377 = arith.constant 0 : i32
      %dma_start3A_378 = tpu.memref_slice %arg15[%dma_start3A_376, %dma_start3A_377] : memref<100096x16xf32, #tpu.memory_space<vmem_shared>> -> memref<100096x16xf32, #tpu.memory_space<vmem_shared>>
      tpu.enqueue_indirect_dma source(%dma_start3A_372 : memref<128x16xf32, #tpu.memory_space<vmem>>) target(%dma_start3A_378 : memref<100096x16xf32, #tpu.memory_space<vmem_shared>>) offsets(%dma_start3A_375 : memref<128xi32, #tpu.memory_space<vmem>>) semaphore(%arg19 : memref<!tpu.dma_semaphore, #tpu.memory_space<semaphore_mem>>) {add = true}
      tpu.wait_dma2 semaphore(%arg19 : memref<!tpu.dma_semaphore, #tpu.memory_space<semaphore_mem>>) src(%arg6 : memref<4x128x16xf32, #tpu.memory_space<hbm>>) dst(%arg13 : memref<4x128x16xf32, #tpu.memory_space<vmem>>)
      %add3A_379 = arith.constant 2 : i32
      %add3A_380 = arith.addi %mul3A_224, %add3A_379 : i32
      %add3A_381 = arith.constant 1 : i32
      %add3A_382 = arith.addi %add3A_380, %add3A_381 : i32
      %mul3A_383 = arith.constant 4 : i32
      %mul3A_384 = arith.muli %add3A_382, %mul3A_383 : i32
      %add3A_385 = arith.addi %mul3A_8, %mul3A_384 : i32
      "tpu.region"() ({
        %run_scoped3A = tpu.sem_alloc : memref<!tpu.dma_semaphore, #tpu.memory_space<semaphore_mem>>
        %dma_start3A_437 = arith.constant 0 : i32
        %dma_start3A_438 = tpu.memref_slice %arg3[%add3A_385, %dma_start3A_437] : memref<25088x128xi32, #tpu.memory_space<hbm>> -> memref<4x128xi32, #tpu.memory_space<hbm>>
        %dma_start3A_439 = arith.constant 0 : i32
        %dma_start3A_440 = tpu.memref_slice %arg3[%add3A_385, %dma_start3A_439] : memref<25088x128xi32, #tpu.memory_space<hbm>> -> memref<4x128xi32, #tpu.memory_space<hbm>>
        tpu.enqueue_dma source(%dma_start3A_440 : memref<4x128xi32, #tpu.memory_space<hbm>>) target(%arg9 : memref<4x128xi32, #tpu.memory_space<vmem>>) target_semaphore(%run_scoped3A : memref<!tpu.dma_semaphore, #tpu.memory_space<semaphore_mem>>)
        %dma_wait3A = arith.constant 0 : i32
        %dma_wait3A_441 = tpu.memref_slice %arg3[%add3A_385, %dma_wait3A] : memref<25088x128xi32, #tpu.memory_space<hbm>> -> memref<4x128xi32, #tpu.memory_space<hbm>>
        %dma_wait3A_442 = arith.constant 0 : i32
        %dma_wait3A_443 = tpu.memref_slice %arg3[%add3A_385, %dma_wait3A_442] : memref<25088x128xi32, #tpu.memory_space<hbm>> -> memref<4x128xi32, #tpu.memory_space<hbm>>
        tpu.wait_dma2 semaphore(%run_scoped3A : memref<!tpu.dma_semaphore, #tpu.memory_space<semaphore_mem>>) src(%dma_wait3A_443 : memref<4x128xi32, #tpu.memory_space<hbm>>) dst(%arg9 : memref<4x128xi32, #tpu.memory_space<vmem>>)
        tpu.yield
      }) : () -> ()
      %mul3A_386 = arith.constant 4 : i32
      %mul3A_387 = arith.muli %add3A_382, %mul3A_386 : i32
      %add3A_388 = arith.addi %mul3A_8, %mul3A_387 : i32
      "tpu.region"() ({
        %run_scoped3A = tpu.sem_alloc : memref<!tpu.dma_semaphore, #tpu.memory_space<semaphore_mem>>
        %dma_start3A_437 = arith.constant 0 : i32
        %dma_start3A_438 = tpu.memref_slice %arg4[%add3A_388, %dma_start3A_437] : memref<25088x128xi32, #tpu.memory_space<hbm>> -> memref<4x128xi32, #tpu.memory_space<hbm>>
        %dma_start3A_439 = arith.constant 0 : i32
        %dma_start3A_440 = tpu.memref_slice %arg4[%add3A_388, %dma_start3A_439] : memref<25088x128xi32, #tpu.memory_space<hbm>> -> memref<4x128xi32, #tpu.memory_space<hbm>>
        tpu.enqueue_dma source(%dma_start3A_440 : memref<4x128xi32, #tpu.memory_space<hbm>>) target(%arg11 : memref<4x128xi32, #tpu.memory_space<vmem>>) target_semaphore(%run_scoped3A : memref<!tpu.dma_semaphore, #tpu.memory_space<semaphore_mem>>)
        %dma_wait3A = arith.constant 0 : i32
        %dma_wait3A_441 = tpu.memref_slice %arg4[%add3A_388, %dma_wait3A] : memref<25088x128xi32, #tpu.memory_space<hbm>> -> memref<4x128xi32, #tpu.memory_space<hbm>>
        %dma_wait3A_442 = arith.constant 0 : i32
        %dma_wait3A_443 = tpu.memref_slice %arg4[%add3A_388, %dma_wait3A_442] : memref<25088x128xi32, #tpu.memory_space<hbm>> -> memref<4x128xi32, #tpu.memory_space<hbm>>
        tpu.wait_dma2 semaphore(%run_scoped3A : memref<!tpu.dma_semaphore, #tpu.memory_space<semaphore_mem>>) src(%dma_wait3A_443 : memref<4x128xi32, #tpu.memory_space<hbm>>) dst(%arg11 : memref<4x128xi32, #tpu.memory_space<vmem>>)
        tpu.yield
      }) : () -> ()
      %dma_start3A_389 = arith.constant 0 : i32
      %dma_start3A_390 = arith.constant 0 : i32
      %dma_start3A_391 = arith.constant 0 : i32
      %dma_start3A_392 = arith.constant 0 : i32
      %dma_start3A_393 = tpu.memref_slice %arg13[%dma_start3A_390, %dma_start3A_391, %dma_start3A_392] : memref<4x128x16xf32, #tpu.memory_space<vmem>> -> memref<1x128x16xf32, #tpu.memory_space<vmem>>
      %dma_start3A_394 = tpu.memref_squeeze %dma_start3A_393 : memref<1x128x16xf32, #tpu.memory_space<vmem>> -> memref<128x16xf32, #tpu.memory_space<vmem>>
      %dma_start3A_395 = arith.constant 0 : i32
      %dma_start3A_396 = tpu.memref_slice %arg9[%dma_start3A_389, %dma_start3A_395] : memref<4x128xi32, #tpu.memory_space<vmem>> -> memref<1x128xi32, #tpu.memory_space<vmem>>
      %dma_start3A_397 = tpu.memref_squeeze %dma_start3A_396 : memref<1x128xi32, #tpu.memory_space<vmem>> -> memref<128xi32, #tpu.memory_space<vmem>>
      %dma_start3A_398 = arith.constant 0 : i32
      %dma_start3A_399 = arith.constant 0 : i32
      %dma_start3A_400 = tpu.memref_slice %arg2[%dma_start3A_398, %dma_start3A_399] : memref<100000x16xf32, #tpu.memory_space<hbm>> -> memref<100000x16xf32, #tpu.memory_space<hbm>>
      tpu.enqueue_indirect_dma source(%dma_start3A_400 : memref<100000x16xf32, #tpu.memory_space<hbm>>) target(%dma_start3A_394 : memref<128x16xf32, #tpu.memory_space<vmem>>) offsets(%dma_start3A_397 : memref<128xi32, #tpu.memory_space<vmem>>) semaphore(%arg17 : memref<!tpu.dma_semaphore, #tpu.memory_space<semaphore_mem>>)
      %dma_start3A_401 = arith.constant 1 : i32
      %dma_start3A_402 = arith.constant 1 : i32
      %dma_start3A_403 = arith.constant 0 : i32
      %dma_start3A_404 = arith.constant 0 : i32
      %dma_start3A_405 = tpu.memref_slice %arg13[%dma_start3A_402, %dma_start3A_403, %dma_start3A_404] : memref<4x128x16xf32, #tpu.memory_space<vmem>> -> memref<1x128x16xf32, #tpu.memory_space<vmem>>
      %dma_start3A_406 = tpu.memref_squeeze %dma_start3A_405 : memref<1x128x16xf32, #tpu.memory_space<vmem>> -> memref<128x16xf32, #tpu.memory_space<vmem>>
      %dma_start3A_407 = arith.constant 0 : i32
      %dma_start3A_408 = tpu.memref_slice %arg9[%dma_start3A_401, %dma_start3A_407] : memref<4x128xi32, #tpu.memory_space<vmem>> -> memref<1x128xi32, #tpu.memory_space<vmem>>
      %dma_start3A_409 = tpu.memref_squeeze %dma_start3A_408 : memref<1x128xi32, #tpu.memory_space<vmem>> -> memref<128xi32, #tpu.memory_space<vmem>>
      %dma_start3A_410 = arith.constant 0 : i32
      %dma_start3A_411 = arith.constant 0 : i32
      %dma_start3A_412 = tpu.memref_slice %arg2[%dma_start3A_410, %dma_start3A_411] : memref<100000x16xf32, #tpu.memory_space<hbm>> -> memref<100000x16xf32, #tpu.memory_space<hbm>>
      tpu.enqueue_indirect_dma source(%dma_start3A_412 : memref<100000x16xf32, #tpu.memory_space<hbm>>) target(%dma_start3A_406 : memref<128x16xf32, #tpu.memory_space<vmem>>) offsets(%dma_start3A_409 : memref<128xi32, #tpu.memory_space<vmem>>) semaphore(%arg17 : memref<!tpu.dma_semaphore, #tpu.memory_space<semaphore_mem>>)
      %dma_start3A_413 = arith.constant 2 : i32
      %dma_start3A_414 = arith.constant 2 : i32
      %dma_start3A_415 = arith.constant 0 : i32
      %dma_start3A_416 = arith.constant 0 : i32
      %dma_start3A_417 = tpu.memref_slice %arg13[%dma_start3A_414, %dma_start3A_415, %dma_start3A_416] : memref<4x128x16xf32, #tpu.memory_space<vmem>> -> memref<1x128x16xf32, #tpu.memory_space<vmem>>
      %dma_start3A_418 = tpu.memref_squeeze %dma_start3A_417 : memref<1x128x16xf32, #tpu.memory_space<vmem>> -> memref<128x16xf32, #tpu.memory_space<vmem>>
      %dma_start3A_419 = arith.constant 0 : i32
      %dma_start3A_420 = tpu.memref_slice %arg9[%dma_start3A_413, %dma_start3A_419] : memref<4x128xi32, #tpu.memory_space<vmem>> -> memref<1x128xi32, #tpu.memory_space<vmem>>
      %dma_start3A_421 = tpu.memref_squeeze %dma_start3A_420 : memref<1x128xi32, #tpu.memory_space<vmem>> -> memref<128xi32, #tpu.memory_space<vmem>>
      %dma_start3A_422 = arith.constant 0 : i32
      %dma_start3A_423 = arith.constant 0 : i32
      %dma_start3A_424 = tpu.memref_slice %arg2[%dma_start3A_422, %dma_start3A_423] : memref<100000x16xf32, #tpu.memory_space<hbm>> -> memref<100000x16xf32, #tpu.memory_space<hbm>>
      tpu.enqueue_indirect_dma source(%dma_start3A_424 : memref<100000x16xf32, #tpu.memory_space<hbm>>) target(%dma_start3A_418 : memref<128x16xf32, #tpu.memory_space<vmem>>) offsets(%dma_start3A_421 : memref<128xi32, #tpu.memory_space<vmem>>) semaphore(%arg17 : memref<!tpu.dma_semaphore, #tpu.memory_space<semaphore_mem>>)
      %dma_start3A_425 = arith.constant 3 : i32
      %dma_start3A_426 = arith.constant 3 : i32
      %dma_start3A_427 = arith.constant 0 : i32
      %dma_start3A_428 = arith.constant 0 : i32
      %dma_start3A_429 = tpu.memref_slice %arg13[%dma_start3A_426, %dma_start3A_427, %dma_start3A_428] : memref<4x128x16xf32, #tpu.memory_space<vmem>> -> memref<1x128x16xf32, #tpu.memory_space<vmem>>
      %dma_start3A_430 = tpu.memref_squeeze %dma_start3A_429 : memref<1x128x16xf32, #tpu.memory_space<vmem>> -> memref<128x16xf32, #tpu.memory_space<vmem>>
      %dma_start3A_431 = arith.constant 0 : i32
      %dma_start3A_432 = tpu.memref_slice %arg9[%dma_start3A_425, %dma_start3A_431] : memref<4x128xi32, #tpu.memory_space<vmem>> -> memref<1x128xi32, #tpu.memory_space<vmem>>
      %dma_start3A_433 = tpu.memref_squeeze %dma_start3A_432 : memref<1x128xi32, #tpu.memory_space<vmem>> -> memref<128xi32, #tpu.memory_space<vmem>>
      %dma_start3A_434 = arith.constant 0 : i32
      %dma_start3A_435 = arith.constant 0 : i32
      %dma_start3A_436 = tpu.memref_slice %arg2[%dma_start3A_434, %dma_start3A_435] : memref<100000x16xf32, #tpu.memory_space<hbm>> -> memref<100000x16xf32, #tpu.memory_space<hbm>>
      tpu.enqueue_indirect_dma source(%dma_start3A_436 : memref<100000x16xf32, #tpu.memory_space<hbm>>) target(%dma_start3A_430 : memref<128x16xf32, #tpu.memory_space<vmem>>) offsets(%dma_start3A_433 : memref<128xi32, #tpu.memory_space<vmem>>) semaphore(%arg17 : memref<!tpu.dma_semaphore, #tpu.memory_space<semaphore_mem>>)
    }
    %scan3A_116 = arith.constant 97 : i32
    tpu.wait_dma2 semaphore(%arg16 : memref<!tpu.dma_semaphore, #tpu.memory_space<semaphore_mem>>) src(%arg6 : memref<4x128x16xf32, #tpu.memory_space<hbm>>) dst(%arg12 : memref<4x128x16xf32, #tpu.memory_space<vmem>>)
    %dma_start3A_117 = arith.constant 0 : i32
    %dma_start3A_118 = arith.constant 0 : i32
    %dma_start3A_119 = arith.constant 0 : i32
    %dma_start3A_120 = arith.constant 0 : i32
    %dma_start3A_121 = tpu.memref_slice %arg12[%dma_start3A_117, %dma_start3A_119, %dma_start3A_120] : memref<4x128x16xf32, #tpu.memory_space<vmem>> -> memref<1x128x16xf32, #tpu.memory_space<vmem>>
    %dma_start3A_122 = tpu.memref_squeeze %dma_start3A_121 : memref<1x128x16xf32, #tpu.memory_space<vmem>> -> memref<128x16xf32, #tpu.memory_space<vmem>>
    %dma_start3A_123 = arith.constant 0 : i32
    %dma_start3A_124 = tpu.memref_slice %arg10[%dma_start3A_118, %dma_start3A_123] : memref<4x128xi32, #tpu.memory_space<vmem>> -> memref<1x128xi32, #tpu.memory_space<vmem>>
    %dma_start3A_125 = tpu.memref_squeeze %dma_start3A_124 : memref<1x128xi32, #tpu.memory_space<vmem>> -> memref<128xi32, #tpu.memory_space<vmem>>
    %dma_start3A_126 = arith.constant 0 : i32
    %dma_start3A_127 = arith.constant 0 : i32
    %dma_start3A_128 = tpu.memref_slice %arg15[%dma_start3A_126, %dma_start3A_127] : memref<100096x16xf32, #tpu.memory_space<vmem_shared>> -> memref<100096x16xf32, #tpu.memory_space<vmem_shared>>
    tpu.enqueue_indirect_dma source(%dma_start3A_122 : memref<128x16xf32, #tpu.memory_space<vmem>>) target(%dma_start3A_128 : memref<100096x16xf32, #tpu.memory_space<vmem_shared>>) offsets(%dma_start3A_125 : memref<128xi32, #tpu.memory_space<vmem>>) semaphore(%arg18 : memref<!tpu.dma_semaphore, #tpu.memory_space<semaphore_mem>>) {add = true}
    %dma_start3A_129 = arith.constant 1 : i32
    %dma_start3A_130 = arith.constant 1 : i32
    %dma_start3A_131 = arith.constant 0 : i32
    %dma_start3A_132 = arith.constant 0 : i32
    %dma_start3A_133 = tpu.memref_slice %arg12[%dma_start3A_129, %dma_start3A_131, %dma_start3A_132] : memref<4x128x16xf32, #tpu.memory_space<vmem>> -> memref<1x128x16xf32, #tpu.memory_space<vmem>>
    %dma_start3A_134 = tpu.memref_squeeze %dma_start3A_133 : memref<1x128x16xf32, #tpu.memory_space<vmem>> -> memref<128x16xf32, #tpu.memory_space<vmem>>
    %dma_start3A_135 = arith.constant 0 : i32
    %dma_start3A_136 = tpu.memref_slice %arg10[%dma_start3A_130, %dma_start3A_135] : memref<4x128xi32, #tpu.memory_space<vmem>> -> memref<1x128xi32, #tpu.memory_space<vmem>>
    %dma_start3A_137 = tpu.memref_squeeze %dma_start3A_136 : memref<1x128xi32, #tpu.memory_space<vmem>> -> memref<128xi32, #tpu.memory_space<vmem>>
    %dma_start3A_138 = arith.constant 0 : i32
    %dma_start3A_139 = arith.constant 0 : i32
    %dma_start3A_140 = tpu.memref_slice %arg15[%dma_start3A_138, %dma_start3A_139] : memref<100096x16xf32, #tpu.memory_space<vmem_shared>> -> memref<100096x16xf32, #tpu.memory_space<vmem_shared>>
    tpu.enqueue_indirect_dma source(%dma_start3A_134 : memref<128x16xf32, #tpu.memory_space<vmem>>) target(%dma_start3A_140 : memref<100096x16xf32, #tpu.memory_space<vmem_shared>>) offsets(%dma_start3A_137 : memref<128xi32, #tpu.memory_space<vmem>>) semaphore(%arg18 : memref<!tpu.dma_semaphore, #tpu.memory_space<semaphore_mem>>) {add = true}
    %dma_start3A_141 = arith.constant 2 : i32
    %dma_start3A_142 = arith.constant 2 : i32
    %dma_start3A_143 = arith.constant 0 : i32
    %dma_start3A_144 = arith.constant 0 : i32
    %dma_start3A_145 = tpu.memref_slice %arg12[%dma_start3A_141, %dma_start3A_143, %dma_start3A_144] : memref<4x128x16xf32, #tpu.memory_space<vmem>> -> memref<1x128x16xf32, #tpu.memory_space<vmem>>
    %dma_start3A_146 = tpu.memref_squeeze %dma_start3A_145 : memref<1x128x16xf32, #tpu.memory_space<vmem>> -> memref<128x16xf32, #tpu.memory_space<vmem>>
    %dma_start3A_147 = arith.constant 0 : i32
    %dma_start3A_148 = tpu.memref_slice %arg10[%dma_start3A_142, %dma_start3A_147] : memref<4x128xi32, #tpu.memory_space<vmem>> -> memref<1x128xi32, #tpu.memory_space<vmem>>
    %dma_start3A_149 = tpu.memref_squeeze %dma_start3A_148 : memref<1x128xi32, #tpu.memory_space<vmem>> -> memref<128xi32, #tpu.memory_space<vmem>>
    %dma_start3A_150 = arith.constant 0 : i32
    %dma_start3A_151 = arith.constant 0 : i32
    %dma_start3A_152 = tpu.memref_slice %arg15[%dma_start3A_150, %dma_start3A_151] : memref<100096x16xf32, #tpu.memory_space<vmem_shared>> -> memref<100096x16xf32, #tpu.memory_space<vmem_shared>>
    tpu.enqueue_indirect_dma source(%dma_start3A_146 : memref<128x16xf32, #tpu.memory_space<vmem>>) target(%dma_start3A_152 : memref<100096x16xf32, #tpu.memory_space<vmem_shared>>) offsets(%dma_start3A_149 : memref<128xi32, #tpu.memory_space<vmem>>) semaphore(%arg18 : memref<!tpu.dma_semaphore, #tpu.memory_space<semaphore_mem>>) {add = true}
    %dma_start3A_153 = arith.constant 3 : i32
    %dma_start3A_154 = arith.constant 3 : i32
    %dma_start3A_155 = arith.constant 0 : i32
    %dma_start3A_156 = arith.constant 0 : i32
    %dma_start3A_157 = tpu.memref_slice %arg12[%dma_start3A_153, %dma_start3A_155, %dma_start3A_156] : memref<4x128x16xf32, #tpu.memory_space<vmem>> -> memref<1x128x16xf32, #tpu.memory_space<vmem>>
    %dma_start3A_158 = tpu.memref_squeeze %dma_start3A_157 : memref<1x128x16xf32, #tpu.memory_space<vmem>> -> memref<128x16xf32, #tpu.memory_space<vmem>>
    %dma_start3A_159 = arith.constant 0 : i32
    %dma_start3A_160 = tpu.memref_slice %arg10[%dma_start3A_154, %dma_start3A_159] : memref<4x128xi32, #tpu.memory_space<vmem>> -> memref<1x128xi32, #tpu.memory_space<vmem>>
    %dma_start3A_161 = tpu.memref_squeeze %dma_start3A_160 : memref<1x128xi32, #tpu.memory_space<vmem>> -> memref<128xi32, #tpu.memory_space<vmem>>
    %dma_start3A_162 = arith.constant 0 : i32
    %dma_start3A_163 = arith.constant 0 : i32
    %dma_start3A_164 = tpu.memref_slice %arg15[%dma_start3A_162, %dma_start3A_163] : memref<100096x16xf32, #tpu.memory_space<vmem_shared>> -> memref<100096x16xf32, #tpu.memory_space<vmem_shared>>
    tpu.enqueue_indirect_dma source(%dma_start3A_158 : memref<128x16xf32, #tpu.memory_space<vmem>>) target(%dma_start3A_164 : memref<100096x16xf32, #tpu.memory_space<vmem_shared>>) offsets(%dma_start3A_161 : memref<128xi32, #tpu.memory_space<vmem>>) semaphore(%arg18 : memref<!tpu.dma_semaphore, #tpu.memory_space<semaphore_mem>>) {add = true}
    tpu.wait_dma2 semaphore(%arg18 : memref<!tpu.dma_semaphore, #tpu.memory_space<semaphore_mem>>) src(%arg6 : memref<4x128x16xf32, #tpu.memory_space<hbm>>) dst(%arg12 : memref<4x128x16xf32, #tpu.memory_space<vmem>>)
    tpu.wait_dma2 semaphore(%arg17 : memref<!tpu.dma_semaphore, #tpu.memory_space<semaphore_mem>>) src(%arg6 : memref<4x128x16xf32, #tpu.memory_space<hbm>>) dst(%arg13 : memref<4x128x16xf32, #tpu.memory_space<vmem>>)
    %dma_start3A_165 = arith.constant 0 : i32
    %dma_start3A_166 = arith.constant 0 : i32
    %dma_start3A_167 = arith.constant 0 : i32
    %dma_start3A_168 = arith.constant 0 : i32
    %dma_start3A_169 = tpu.memref_slice %arg13[%dma_start3A_165, %dma_start3A_167, %dma_start3A_168] : memref<4x128x16xf32, #tpu.memory_space<vmem>> -> memref<1x128x16xf32, #tpu.memory_space<vmem>>
    %dma_start3A_170 = tpu.memref_squeeze %dma_start3A_169 : memref<1x128x16xf32, #tpu.memory_space<vmem>> -> memref<128x16xf32, #tpu.memory_space<vmem>>
    %dma_start3A_171 = arith.constant 0 : i32
    %dma_start3A_172 = tpu.memref_slice %arg11[%dma_start3A_166, %dma_start3A_171] : memref<4x128xi32, #tpu.memory_space<vmem>> -> memref<1x128xi32, #tpu.memory_space<vmem>>
    %dma_start3A_173 = tpu.memref_squeeze %dma_start3A_172 : memref<1x128xi32, #tpu.memory_space<vmem>> -> memref<128xi32, #tpu.memory_space<vmem>>
    %dma_start3A_174 = arith.constant 0 : i32
    %dma_start3A_175 = arith.constant 0 : i32
    %dma_start3A_176 = tpu.memref_slice %arg15[%dma_start3A_174, %dma_start3A_175] : memref<100096x16xf32, #tpu.memory_space<vmem_shared>> -> memref<100096x16xf32, #tpu.memory_space<vmem_shared>>
    tpu.enqueue_indirect_dma source(%dma_start3A_170 : memref<128x16xf32, #tpu.memory_space<vmem>>) target(%dma_start3A_176 : memref<100096x16xf32, #tpu.memory_space<vmem_shared>>) offsets(%dma_start3A_173 : memref<128xi32, #tpu.memory_space<vmem>>) semaphore(%arg19 : memref<!tpu.dma_semaphore, #tpu.memory_space<semaphore_mem>>) {add = true}
    %dma_start3A_177 = arith.constant 1 : i32
    %dma_start3A_178 = arith.constant 1 : i32
    %dma_start3A_179 = arith.constant 0 : i32
    %dma_start3A_180 = arith.constant 0 : i32
    %dma_start3A_181 = tpu.memref_slice %arg13[%dma_start3A_177, %dma_start3A_179, %dma_start3A_180] : memref<4x128x16xf32, #tpu.memory_space<vmem>> -> memref<1x128x16xf32, #tpu.memory_space<vmem>>
    %dma_start3A_182 = tpu.memref_squeeze %dma_start3A_181 : memref<1x128x16xf32, #tpu.memory_space<vmem>> -> memref<128x16xf32, #tpu.memory_space<vmem>>
    %dma_start3A_183 = arith.constant 0 : i32
    %dma_start3A_184 = tpu.memref_slice %arg11[%dma_start3A_178, %dma_start3A_183] : memref<4x128xi32, #tpu.memory_space<vmem>> -> memref<1x128xi32, #tpu.memory_space<vmem>>
    %dma_start3A_185 = tpu.memref_squeeze %dma_start3A_184 : memref<1x128xi32, #tpu.memory_space<vmem>> -> memref<128xi32, #tpu.memory_space<vmem>>
    %dma_start3A_186 = arith.constant 0 : i32
    %dma_start3A_187 = arith.constant 0 : i32
    %dma_start3A_188 = tpu.memref_slice %arg15[%dma_start3A_186, %dma_start3A_187] : memref<100096x16xf32, #tpu.memory_space<vmem_shared>> -> memref<100096x16xf32, #tpu.memory_space<vmem_shared>>
    tpu.enqueue_indirect_dma source(%dma_start3A_182 : memref<128x16xf32, #tpu.memory_space<vmem>>) target(%dma_start3A_188 : memref<100096x16xf32, #tpu.memory_space<vmem_shared>>) offsets(%dma_start3A_185 : memref<128xi32, #tpu.memory_space<vmem>>) semaphore(%arg19 : memref<!tpu.dma_semaphore, #tpu.memory_space<semaphore_mem>>) {add = true}
    %dma_start3A_189 = arith.constant 2 : i32
    %dma_start3A_190 = arith.constant 2 : i32
    %dma_start3A_191 = arith.constant 0 : i32
    %dma_start3A_192 = arith.constant 0 : i32
    %dma_start3A_193 = tpu.memref_slice %arg13[%dma_start3A_189, %dma_start3A_191, %dma_start3A_192] : memref<4x128x16xf32, #tpu.memory_space<vmem>> -> memref<1x128x16xf32, #tpu.memory_space<vmem>>
    %dma_start3A_194 = tpu.memref_squeeze %dma_start3A_193 : memref<1x128x16xf32, #tpu.memory_space<vmem>> -> memref<128x16xf32, #tpu.memory_space<vmem>>
    %dma_start3A_195 = arith.constant 0 : i32
    %dma_start3A_196 = tpu.memref_slice %arg11[%dma_start3A_190, %dma_start3A_195] : memref<4x128xi32, #tpu.memory_space<vmem>> -> memref<1x128xi32, #tpu.memory_space<vmem>>
    %dma_start3A_197 = tpu.memref_squeeze %dma_start3A_196 : memref<1x128xi32, #tpu.memory_space<vmem>> -> memref<128xi32, #tpu.memory_space<vmem>>
    %dma_start3A_198 = arith.constant 0 : i32
    %dma_start3A_199 = arith.constant 0 : i32
    %dma_start3A_200 = tpu.memref_slice %arg15[%dma_start3A_198, %dma_start3A_199] : memref<100096x16xf32, #tpu.memory_space<vmem_shared>> -> memref<100096x16xf32, #tpu.memory_space<vmem_shared>>
    tpu.enqueue_indirect_dma source(%dma_start3A_194 : memref<128x16xf32, #tpu.memory_space<vmem>>) target(%dma_start3A_200 : memref<100096x16xf32, #tpu.memory_space<vmem_shared>>) offsets(%dma_start3A_197 : memref<128xi32, #tpu.memory_space<vmem>>) semaphore(%arg19 : memref<!tpu.dma_semaphore, #tpu.memory_space<semaphore_mem>>) {add = true}
    %dma_start3A_201 = arith.constant 3 : i32
    %dma_start3A_202 = arith.constant 3 : i32
    %dma_start3A_203 = arith.constant 0 : i32
    %dma_start3A_204 = arith.constant 0 : i32
    %dma_start3A_205 = tpu.memref_slice %arg13[%dma_start3A_201, %dma_start3A_203, %dma_start3A_204] : memref<4x128x16xf32, #tpu.memory_space<vmem>> -> memref<1x128x16xf32, #tpu.memory_space<vmem>>
    %dma_start3A_206 = tpu.memref_squeeze %dma_start3A_205 : memref<1x128x16xf32, #tpu.memory_space<vmem>> -> memref<128x16xf32, #tpu.memory_space<vmem>>
    %dma_start3A_207 = arith.constant 0 : i32
    %dma_start3A_208 = tpu.memref_slice %arg11[%dma_start3A_202, %dma_start3A_207] : memref<4x128xi32, #tpu.memory_space<vmem>> -> memref<1x128xi32, #tpu.memory_space<vmem>>
    %dma_start3A_209 = tpu.memref_squeeze %dma_start3A_208 : memref<1x128xi32, #tpu.memory_space<vmem>> -> memref<128xi32, #tpu.memory_space<vmem>>
    %dma_start3A_210 = arith.constant 0 : i32
    %dma_start3A_211 = arith.constant 0 : i32
    %dma_start3A_212 = tpu.memref_slice %arg15[%dma_start3A_210, %dma_start3A_211] : memref<100096x16xf32, #tpu.memory_space<vmem_shared>> -> memref<100096x16xf32, #tpu.memory_space<vmem_shared>>
    tpu.enqueue_indirect_dma source(%dma_start3A_206 : memref<128x16xf32, #tpu.memory_space<vmem>>) target(%dma_start3A_212 : memref<100096x16xf32, #tpu.memory_space<vmem_shared>>) offsets(%dma_start3A_209 : memref<128xi32, #tpu.memory_space<vmem>>) semaphore(%arg19 : memref<!tpu.dma_semaphore, #tpu.memory_space<semaphore_mem>>) {add = true}
    tpu.wait_dma2 semaphore(%arg19 : memref<!tpu.dma_semaphore, #tpu.memory_space<semaphore_mem>>) src(%arg6 : memref<4x128x16xf32, #tpu.memory_space<hbm>>) dst(%arg13 : memref<4x128x16xf32, #tpu.memory_space<vmem>>)
    %barrier3A_213 = arith.constant 0 : index
    tpu.barrier barrier_id(%barrier3A_213)
    %mul3A_214 = arith.constant 6256 : i32
    %mul3A_215 = arith.muli %arg1, %mul3A_214 : i32
    %mul3A_216 = arith.constant 6256 : i32
    %mul3A_217 = arith.muli %arg1, %mul3A_216 : i32
    "tpu.region"() ({
      %run_scoped3A = tpu.sem_alloc : memref<!tpu.dma_semaphore, #tpu.memory_space<semaphore_mem>>
      %dma_start3A_218 = arith.constant 0 : i32
      %dma_start3A_219 = tpu.memref_slice %arg7[%arg0, %mul3A_217, %dma_start3A_218] : memref<2x100096x16xf32, #tpu.memory_space<hbm>> -> memref<1x6256x16xf32, #tpu.memory_space<hbm>>
      %dma_start3A_220 = tpu.memref_squeeze %dma_start3A_219 : memref<1x6256x16xf32, #tpu.memory_space<hbm>> -> memref<6256x16xf32, #tpu.memory_space<hbm>>
      %dma_start3A_221 = arith.constant 0 : i32
      %dma_start3A_222 = tpu.memref_slice %arg15[%mul3A_215, %dma_start3A_221] : memref<100096x16xf32, #tpu.memory_space<vmem_shared>> -> memref<6256x16xf32, #tpu.memory_space<vmem_shared>>
      tpu.enqueue_dma source(%dma_start3A_222 : memref<6256x16xf32, #tpu.memory_space<vmem_shared>>) target(%dma_start3A_220 : memref<6256x16xf32, #tpu.memory_space<hbm>>) target_semaphore(%run_scoped3A : memref<!tpu.dma_semaphore, #tpu.memory_space<semaphore_mem>>)
      %dma_wait3A = arith.constant 0 : i32
      %dma_wait3A_223 = tpu.memref_slice %arg7[%arg0, %mul3A_217, %dma_wait3A] : memref<2x100096x16xf32, #tpu.memory_space<hbm>> -> memref<1x6256x16xf32, #tpu.memory_space<hbm>>
      %dma_wait3A_224 = tpu.memref_squeeze %dma_wait3A_223 : memref<1x6256x16xf32, #tpu.memory_space<hbm>> -> memref<6256x16xf32, #tpu.memory_space<hbm>>
      %dma_wait3A_225 = arith.constant 0 : i32
      %dma_wait3A_226 = tpu.memref_slice %arg15[%mul3A_215, %dma_wait3A_225] : memref<100096x16xf32, #tpu.memory_space<vmem_shared>> -> memref<6256x16xf32, #tpu.memory_space<vmem_shared>>
      tpu.wait_dma2 semaphore(%run_scoped3A : memref<!tpu.dma_semaphore, #tpu.memory_space<semaphore_mem>>) src(%dma_wait3A_226 : memref<6256x16xf32, #tpu.memory_space<vmem_shared>>) dst(%dma_wait3A_224 : memref<6256x16xf32, #tpu.memory_space<hbm>>)
      tpu.yield
    }) : () -> ()
    return
  }
}

#map = affine_map<(d0, d1) -> (0, 0)>
#map1 = affine_map<(d0, d1) -> (0, 0, 0)>
module attributes {stable_mosaic.version = 14 : i64} {
  func.func @body(%arg0: i32, %arg1: i32, %arg2: memref<100000x16xf32, #tpu.memory_space<hbm>>, %arg3: memref<25088x128xi32, #tpu.memory_space<hbm>>, %arg4: memref<25088x128xi32, #tpu.memory_space<hbm>>, %arg5: memref<782x16xf32, #tpu.memory_space<hbm>>, %arg6: memref<4x128x16xf32, #tpu.memory_space<hbm>>, %arg7: memref<2x100096x16xf32, #tpu.memory_space<hbm>>, %arg8: memref<4x128xi32, #tpu.memory_space<vmem>>, %arg9: memref<4x128xi32, #tpu.memory_space<vmem>>, %arg10: memref<4x128xi32, #tpu.memory_space<vmem>>, %arg11: memref<4x128xi32, #tpu.memory_space<vmem>>, %arg12: memref<4x128x16xf32, #tpu.memory_space<vmem>>, %arg13: memref<4x128x16xf32, #tpu.memory_space<vmem>>, %arg14: memref<782x16xf32, #tpu.memory_space<vmem>>, %arg15: memref<100096x16xf32, #tpu.memory_space<vmem_shared>>, %arg16: memref<!tpu.dma_semaphore, #tpu.memory_space<semaphore_mem>>, %arg17: memref<!tpu.dma_semaphore, #tpu.memory_space<semaphore_mem>>, %arg18: memref<!tpu.dma_semaphore, #tpu.memory_space<semaphore_mem>>, %arg19: memref<!tpu.dma_semaphore, #tpu.memory_space<semaphore_mem>>) attributes {dimension_semantics = [#tpu.dimension_semantics<core_parallel>, #tpu.dimension_semantics<subcore_parallel>], iteration_bounds = array<i64: 2, 16>, scalar_prefetch = 0 : i64, scratch_operands = 12 : i64, tpu.core_type = #tpu.core_type<sc_vector_subcore>, window_params = [{transform_indices = #map}, {transform_indices = #map}, {transform_indices = #map}, {transform_indices = #map}, {transform_indices = #map1}, {transform_indices = #map1}]} {
    %mul3A = arith.constant 16 : i32
    %mul3A_0 = arith.muli %arg0, %mul3A : i32
    %add3A = arith.addi %mul3A_0, %arg1 : i32
    "tpu.region"() ({
      %run_scoped3A = tpu.sem_alloc : memref<!tpu.dma_semaphore, #tpu.memory_space<semaphore_mem>>
      tpu.enqueue_dma source(%arg5 : memref<782x16xf32, #tpu.memory_space<hbm>>) target(%arg14 : memref<782x16xf32, #tpu.memory_space<vmem>>) target_semaphore(%run_scoped3A : memref<!tpu.dma_semaphore, #tpu.memory_space<semaphore_mem>>)
      tpu.wait_dma2 semaphore(%run_scoped3A : memref<!tpu.dma_semaphore, #tpu.memory_space<semaphore_mem>>) src(%arg5 : memref<782x16xf32, #tpu.memory_space<hbm>>) dst(%arg14 : memref<782x16xf32, #tpu.memory_space<vmem>>)
      tpu.yield
    }) : () -> ()
    %scan3A = arith.constant 0 : i32
    %scan3A_1 = arith.constant 8 : i32
    %scan3A_2 = arith.addi %scan3A, %scan3A_1 : i32
    %scan3A_3 = arith.constant 1 : i32
    scf.for %scan3A_218 = %scan3A to %scan3A_2 step %scan3A_3  : i32 {
      %mul3A_219 = arith.constant 1 : i32
      %mul3A_220 = arith.muli %scan3A_218, %mul3A_219 : i32
      %add3A_221 = arith.constant 0 : i32
      %add3A_222 = arith.addi %add3A_221, %mul3A_220 : i32
      %mul3A_223 = arith.constant 6256 : i32
      %mul3A_224 = arith.muli %arg1, %mul3A_223 : i32
      %mul3A_225 = arith.constant 782 : i32
      %mul3A_226 = arith.muli %add3A_222, %mul3A_225 : i32
      %add3A_227 = arith.addi %mul3A_224, %mul3A_226 : i32
      "tpu.region"() ({
        %run_scoped3A = tpu.sem_alloc : memref<!tpu.dma_semaphore, #tpu.memory_space<semaphore_mem>>
        %dma_start3A_228 = arith.constant 0 : i32
        %dma_start3A_229 = tpu.memref_slice %arg15[%add3A_227, %dma_start3A_228] : memref<100096x16xf32, #tpu.memory_space<vmem_shared>> -> memref<782x16xf32, #tpu.memory_space<vmem_shared>>
        %dma_start3A_230 = arith.constant 0 : i32
        %dma_start3A_231 = tpu.memref_slice %arg15[%add3A_227, %dma_start3A_230] : memref<100096x16xf32, #tpu.memory_space<vmem_shared>> -> memref<782x16xf32, #tpu.memory_space<vmem_shared>>
        tpu.enqueue_dma source(%arg14 : memref<782x16xf32, #tpu.memory_space<vmem>>) target(%dma_start3A_231 : memref<782x16xf32, #tpu.memory_space<vmem_shared>>) target_semaphore(%run_scoped3A : memref<!tpu.dma_semaphore, #tpu.memory_space<semaphore_mem>>)
        %dma_wait3A = arith.constant 0 : i32
        %dma_wait3A_232 = tpu.memref_slice %arg15[%add3A_227, %dma_wait3A] : memref<100096x16xf32, #tpu.memory_space<vmem_shared>> -> memref<782x16xf32, #tpu.memory_space<vmem_shared>>
        %dma_wait3A_233 = arith.constant 0 : i32
        %dma_wait3A_234 = tpu.memref_slice %arg15[%add3A_227, %dma_wait3A_233] : memref<100096x16xf32, #tpu.memory_space<vmem_shared>> -> memref<782x16xf32, #tpu.memory_space<vmem_shared>>
        tpu.wait_dma2 semaphore(%run_scoped3A : memref<!tpu.dma_semaphore, #tpu.memory_space<semaphore_mem>>) src(%arg14 : memref<782x16xf32, #tpu.memory_space<vmem>>) dst(%dma_wait3A_234 : memref<782x16xf32, #tpu.memory_space<vmem_shared>>)
        tpu.yield
      }) : () -> ()
    }
    %scan3A_4 = arith.constant 8 : i32
    %barrier3A = arith.constant 0 : index
    tpu.barrier barrier_id(%barrier3A)
    %mul3A_5 = arith.constant 196 : i32
    %mul3A_6 = arith.muli %add3A, %mul3A_5 : i32
    %mul3A_7 = arith.constant 4 : i32
    %mul3A_8 = arith.muli %mul3A_6, %mul3A_7 : i32
    %add3A_9 = arith.constant 0 : i32
    %add3A_10 = arith.addi %mul3A_8, %add3A_9 : i32
    "tpu.region"() ({
      %run_scoped3A = tpu.sem_alloc : memref<!tpu.dma_semaphore, #tpu.memory_space<semaphore_mem>>
      %dma_start3A_218 = arith.constant 0 : i32
      %dma_start3A_219 = tpu.memref_slice %arg3[%add3A_10, %dma_start3A_218] : memref<25088x128xi32, #tpu.memory_space<hbm>> -> memref<4x128xi32, #tpu.memory_space<hbm>>
      %dma_start3A_220 = arith.constant 0 : i32
      %dma_start3A_221 = tpu.memref_slice %arg3[%add3A_10, %dma_start3A_220] : memref<25088x128xi32, #tpu.memory_space<hbm>> -> memref<4x128xi32, #tpu.memory_space<hbm>>
      tpu.enqueue_dma source(%dma_start3A_221 : memref<4x128xi32, #tpu.memory_space<hbm>>) target(%arg8 : memref<4x128xi32, #tpu.memory_space<vmem>>) target_semaphore(%run_scoped3A : memref<!tpu.dma_semaphore, #tpu.memory_space<semaphore_mem>>)
      %dma_wait3A = arith.constant 0 : i32
      %dma_wait3A_222 = tpu.memref_slice %arg3[%add3A_10, %dma_wait3A] : memref<25088x128xi32, #tpu.memory_space<hbm>> -> memref<4x128xi32, #tpu.memory_space<hbm>>
      %dma_wait3A_223 = arith.constant 0 : i32
      %dma_wait3A_224 = tpu.memref_slice %arg3[%add3A_10, %dma_wait3A_223] : memref<25088x128xi32, #tpu.memory_space<hbm>> -> memref<4x128xi32, #tpu.memory_space<hbm>>
      tpu.wait_dma2 semaphore(%run_scoped3A : memref<!tpu.dma_semaphore, #tpu.memory_space<semaphore_mem>>) src(%dma_wait3A_224 : memref<4x128xi32, #tpu.memory_space<hbm>>) dst(%arg8 : memref<4x128xi32, #tpu.memory_space<vmem>>)
      tpu.yield
    }) : () -> ()
    %add3A_11 = arith.constant 0 : i32
    %add3A_12 = arith.addi %mul3A_8, %add3A_11 : i32
    "tpu.region"() ({
      %run_scoped3A = tpu.sem_alloc : memref<!tpu.dma_semaphore, #tpu.memory_space<semaphore_mem>>
      %dma_start3A_218 = arith.constant 0 : i32
      %dma_start3A_219 = tpu.memref_slice %arg4[%add3A_12, %dma_start3A_218] : memref<25088x128xi32, #tpu.memory_space<hbm>> -> memref<4x128xi32, #tpu.memory_space<hbm>>
      %dma_start3A_220 = arith.constant 0 : i32
      %dma_start3A_221 = tpu.memref_slice %arg4[%add3A_12, %dma_start3A_220] : memref<25088x128xi32, #tpu.memory_space<hbm>> -> memref<4x128xi32, #tpu.memory_space<hbm>>
      tpu.enqueue_dma source(%dma_start3A_221 : memref<4x128xi32, #tpu.memory_space<hbm>>) target(%arg10 : memref<4x128xi32, #tpu.memory_space<vmem>>) target_semaphore(%run_scoped3A : memref<!tpu.dma_semaphore, #tpu.memory_space<semaphore_mem>>)
      %dma_wait3A = arith.constant 0 : i32
      %dma_wait3A_222 = tpu.memref_slice %arg4[%add3A_12, %dma_wait3A] : memref<25088x128xi32, #tpu.memory_space<hbm>> -> memref<4x128xi32, #tpu.memory_space<hbm>>
      %dma_wait3A_223 = arith.constant 0 : i32
      %dma_wait3A_224 = tpu.memref_slice %arg4[%add3A_12, %dma_wait3A_223] : memref<25088x128xi32, #tpu.memory_space<hbm>> -> memref<4x128xi32, #tpu.memory_space<hbm>>
      tpu.wait_dma2 semaphore(%run_scoped3A : memref<!tpu.dma_semaphore, #tpu.memory_space<semaphore_mem>>) src(%dma_wait3A_224 : memref<4x128xi32, #tpu.memory_space<hbm>>) dst(%arg10 : memref<4x128xi32, #tpu.memory_space<vmem>>)
      tpu.yield
    }) : () -> ()
    %dma_start3A = arith.constant 0 : i32
    %dma_start3A_13 = arith.constant 0 : i32
    %dma_start3A_14 = arith.constant 0 : i32
    %dma_start3A_15 = arith.constant 0 : i32
    %dma_start3A_16 = tpu.memref_slice %arg12[%dma_start3A_13, %dma_start3A_14, %dma_start3A_15] : memref<4x128x16xf32, #tpu.memory_space<vmem>> -> memref<1x128x16xf32, #tpu.memory_space<vmem>>
    %dma_start3A_17 = tpu.memref_squeeze %dma_start3A_16 : memref<1x128x16xf32, #tpu.memory_space<vmem>> -> memref<128x16xf32, #tpu.memory_space<vmem>>
    %dma_start3A_18 = arith.constant 0 : i32
    %dma_start3A_19 = tpu.memref_slice %arg8[%dma_start3A, %dma_start3A_18] : memref<4x128xi32, #tpu.memory_space<vmem>> -> memref<1x128xi32, #tpu.memory_space<vmem>>
    %dma_start3A_20 = tpu.memref_squeeze %dma_start3A_19 : memref<1x128xi32, #tpu.memory_space<vmem>> -> memref<128xi32, #tpu.memory_space<vmem>>
    %dma_start3A_21 = arith.constant 0 : i32
    %dma_start3A_22 = arith.constant 0 : i32
    %dma_start3A_23 = tpu.memref_slice %arg2[%dma_start3A_21, %dma_start3A_22] : memref<100000x16xf32, #tpu.memory_space<hbm>> -> memref<100000x16xf32, #tpu.memory_space<hbm>>
    tpu.enqueue_indirect_dma source(%dma_start3A_23 : memref<100000x16xf32, #tpu.memory_space<hbm>>) target(%dma_start3A_17 : memref<128x16xf32, #tpu.memory_space<vmem>>) offsets(%dma_start3A_20 : memref<128xi32, #tpu.memory_space<vmem>>) semaphore(%arg16 : memref<!tpu.dma_semaphore, #tpu.memory_space<semaphore_mem>>)
    %dma_start3A_24 = arith.constant 1 : i32
    %dma_start3A_25 = arith.constant 1 : i32
    %dma_start3A_26 = arith.constant 0 : i32
    %dma_start3A_27 = arith.constant 0 : i32
    %dma_start3A_28 = tpu.memref_slice %arg12[%dma_start3A_25, %dma_start3A_26, %dma_start3A_27] : memref<4x128x16xf32, #tpu.memory_space<vmem>> -> memref<1x128x16xf32, #tpu.memory_space<vmem>>
    %dma_start3A_29 = tpu.memref_squeeze %dma_start3A_28 : memref<1x128x16xf32, #tpu.memory_space<vmem>> -> memref<128x16xf32, #tpu.memory_space<vmem>>
    %dma_start3A_30 = arith.constant 0 : i32
    %dma_start3A_31 = tpu.memref_slice %arg8[%dma_start3A_24, %dma_start3A_30] : memref<4x128xi32, #tpu.memory_space<vmem>> -> memref<1x128xi32, #tpu.memory_space<vmem>>
    %dma_start3A_32 = tpu.memref_squeeze %dma_start3A_31 : memref<1x128xi32, #tpu.memory_space<vmem>> -> memref<128xi32, #tpu.memory_space<vmem>>
    %dma_start3A_33 = arith.constant 0 : i32
    %dma_start3A_34 = arith.constant 0 : i32
    %dma_start3A_35 = tpu.memref_slice %arg2[%dma_start3A_33, %dma_start3A_34] : memref<100000x16xf32, #tpu.memory_space<hbm>> -> memref<100000x16xf32, #tpu.memory_space<hbm>>
    tpu.enqueue_indirect_dma source(%dma_start3A_35 : memref<100000x16xf32, #tpu.memory_space<hbm>>) target(%dma_start3A_29 : memref<128x16xf32, #tpu.memory_space<vmem>>) offsets(%dma_start3A_32 : memref<128xi32, #tpu.memory_space<vmem>>) semaphore(%arg16 : memref<!tpu.dma_semaphore, #tpu.memory_space<semaphore_mem>>)
    %dma_start3A_36 = arith.constant 2 : i32
    %dma_start3A_37 = arith.constant 2 : i32
    %dma_start3A_38 = arith.constant 0 : i32
    %dma_start3A_39 = arith.constant 0 : i32
    %dma_start3A_40 = tpu.memref_slice %arg12[%dma_start3A_37, %dma_start3A_38, %dma_start3A_39] : memref<4x128x16xf32, #tpu.memory_space<vmem>> -> memref<1x128x16xf32, #tpu.memory_space<vmem>>
    %dma_start3A_41 = tpu.memref_squeeze %dma_start3A_40 : memref<1x128x16xf32, #tpu.memory_space<vmem>> -> memref<128x16xf32, #tpu.memory_space<vmem>>
    %dma_start3A_42 = arith.constant 0 : i32
    %dma_start3A_43 = tpu.memref_slice %arg8[%dma_start3A_36, %dma_start3A_42] : memref<4x128xi32, #tpu.memory_space<vmem>> -> memref<1x128xi32, #tpu.memory_space<vmem>>
    %dma_start3A_44 = tpu.memref_squeeze %dma_start3A_43 : memref<1x128xi32, #tpu.memory_space<vmem>> -> memref<128xi32, #tpu.memory_space<vmem>>
    %dma_start3A_45 = arith.constant 0 : i32
    %dma_start3A_46 = arith.constant 0 : i32
    %dma_start3A_47 = tpu.memref_slice %arg2[%dma_start3A_45, %dma_start3A_46] : memref<100000x16xf32, #tpu.memory_space<hbm>> -> memref<100000x16xf32, #tpu.memory_space<hbm>>
    tpu.enqueue_indirect_dma source(%dma_start3A_47 : memref<100000x16xf32, #tpu.memory_space<hbm>>) target(%dma_start3A_41 : memref<128x16xf32, #tpu.memory_space<vmem>>) offsets(%dma_start3A_44 : memref<128xi32, #tpu.memory_space<vmem>>) semaphore(%arg16 : memref<!tpu.dma_semaphore, #tpu.memory_space<semaphore_mem>>)
    %dma_start3A_48 = arith.constant 3 : i32
    %dma_start3A_49 = arith.constant 3 : i32
    %dma_start3A_50 = arith.constant 0 : i32
    %dma_start3A_51 = arith.constant 0 : i32
    %dma_start3A_52 = tpu.memref_slice %arg12[%dma_start3A_49, %dma_start3A_50, %dma_start3A_51] : memref<4x128x16xf32, #tpu.memory_space<vmem>> -> memref<1x128x16xf32, #tpu.memory_space<vmem>>
    %dma_start3A_53 = tpu.memref_squeeze %dma_start3A_52 : memref<1x128x16xf32, #tpu.memory_space<vmem>> -> memref<128x16xf32, #tpu.memory_space<vmem>>
    %dma_start3A_54 = arith.constant 0 : i32
    %dma_start3A_55 = tpu.memref_slice %arg8[%dma_start3A_48, %dma_start3A_54] : memref<4x128xi32, #tpu.memory_space<vmem>> -> memref<1x128xi32, #tpu.memory_space<vmem>>
    %dma_start3A_56 = tpu.memref_squeeze %dma_start3A_55 : memref<1x128xi32, #tpu.memory_space<vmem>> -> memref<128xi32, #tpu.memory_space<vmem>>
    %dma_start3A_57 = arith.constant 0 : i32
    %dma_start3A_58 = arith.constant 0 : i32
    %dma_start3A_59 = tpu.memref_slice %arg2[%dma_start3A_57, %dma_start3A_58] : memref<100000x16xf32, #tpu.memory_space<hbm>> -> memref<100000x16xf32, #tpu.memory_space<hbm>>
    tpu.enqueue_indirect_dma source(%dma_start3A_59 : memref<100000x16xf32, #tpu.memory_space<hbm>>) target(%dma_start3A_53 : memref<128x16xf32, #tpu.memory_space<vmem>>) offsets(%dma_start3A_56 : memref<128xi32, #tpu.memory_space<vmem>>) semaphore(%arg16 : memref<!tpu.dma_semaphore, #tpu.memory_space<semaphore_mem>>)
    %add3A_60 = arith.constant 4 : i32
    %add3A_61 = arith.addi %mul3A_8, %add3A_60 : i32
    "tpu.region"() ({
      %run_scoped3A = tpu.sem_alloc : memref<!tpu.dma_semaphore, #tpu.memory_space<semaphore_mem>>
      %dma_start3A_218 = arith.constant 0 : i32
      %dma_start3A_219 = tpu.memref_slice %arg3[%add3A_61, %dma_start3A_218] : memref<25088x128xi32, #tpu.memory_space<hbm>> -> memref<4x128xi32, #tpu.memory_space<hbm>>
      %dma_start3A_220 = arith.constant 0 : i32
      %dma_start3A_221 = tpu.memref_slice %arg3[%add3A_61, %dma_start3A_220] : memref<25088x128xi32, #tpu.memory_space<hbm>> -> memref<4x128xi32, #tpu.memory_space<hbm>>
      tpu.enqueue_dma source(%dma_start3A_221 : memref<4x128xi32, #tpu.memory_space<hbm>>) target(%arg9 : memref<4x128xi32, #tpu.memory_space<vmem>>) target_semaphore(%run_scoped3A : memref<!tpu.dma_semaphore, #tpu.memory_space<semaphore_mem>>)
      %dma_wait3A = arith.constant 0 : i32
      %dma_wait3A_222 = tpu.memref_slice %arg3[%add3A_61, %dma_wait3A] : memref<25088x128xi32, #tpu.memory_space<hbm>> -> memref<4x128xi32, #tpu.memory_space<hbm>>
      %dma_wait3A_223 = arith.constant 0 : i32
      %dma_wait3A_224 = tpu.memref_slice %arg3[%add3A_61, %dma_wait3A_223] : memref<25088x128xi32, #tpu.memory_space<hbm>> -> memref<4x128xi32, #tpu.memory_space<hbm>>
      tpu.wait_dma2 semaphore(%run_scoped3A : memref<!tpu.dma_semaphore, #tpu.memory_space<semaphore_mem>>) src(%dma_wait3A_224 : memref<4x128xi32, #tpu.memory_space<hbm>>) dst(%arg9 : memref<4x128xi32, #tpu.memory_space<vmem>>)
      tpu.yield
    }) : () -> ()
    %add3A_62 = arith.constant 4 : i32
    %add3A_63 = arith.addi %mul3A_8, %add3A_62 : i32
    "tpu.region"() ({
      %run_scoped3A = tpu.sem_alloc : memref<!tpu.dma_semaphore, #tpu.memory_space<semaphore_mem>>
      %dma_start3A_218 = arith.constant 0 : i32
      %dma_start3A_219 = tpu.memref_slice %arg4[%add3A_63, %dma_start3A_218] : memref<25088x128xi32, #tpu.memory_space<hbm>> -> memref<4x128xi32, #tpu.memory_space<hbm>>
      %dma_start3A_220 = arith.constant 0 : i32
      %dma_start3A_221 = tpu.memref_slice %arg4[%add3A_63, %dma_start3A_220] : memref<25088x128xi32, #tpu.memory_space<hbm>> -> memref<4x128xi32, #tpu.memory_space<hbm>>
      tpu.enqueue_dma source(%dma_start3A_221 : memref<4x128xi32, #tpu.memory_space<hbm>>) target(%arg11 : memref<4x128xi32, #tpu.memory_space<vmem>>) target_semaphore(%run_scoped3A : memref<!tpu.dma_semaphore, #tpu.memory_space<semaphore_mem>>)
      %dma_wait3A = arith.constant 0 : i32
      %dma_wait3A_222 = tpu.memref_slice %arg4[%add3A_63, %dma_wait3A] : memref<25088x128xi32, #tpu.memory_space<hbm>> -> memref<4x128xi32, #tpu.memory_space<hbm>>
      %dma_wait3A_223 = arith.constant 0 : i32
      %dma_wait3A_224 = tpu.memref_slice %arg4[%add3A_63, %dma_wait3A_223] : memref<25088x128xi32, #tpu.memory_space<hbm>> -> memref<4x128xi32, #tpu.memory_space<hbm>>
      tpu.wait_dma2 semaphore(%run_scoped3A : memref<!tpu.dma_semaphore, #tpu.memory_space<semaphore_mem>>) src(%dma_wait3A_224 : memref<4x128xi32, #tpu.memory_space<hbm>>) dst(%arg11 : memref<4x128xi32, #tpu.memory_space<vmem>>)
      tpu.yield
    }) : () -> ()
    %dma_start3A_64 = arith.constant 0 : i32
    %dma_start3A_65 = arith.constant 0 : i32
    %dma_start3A_66 = arith.constant 0 : i32
    %dma_start3A_67 = arith.constant 0 : i32
    %dma_start3A_68 = tpu.memref_slice %arg13[%dma_start3A_65, %dma_start3A_66, %dma_start3A_67] : memref<4x128x16xf32, #tpu.memory_space<vmem>> -> memref<1x128x16xf32, #tpu.memory_space<vmem>>
    %dma_start3A_69 = tpu.memref_squeeze %dma_start3A_68 : memref<1x128x16xf32, #tpu.memory_space<vmem>> -> memref<128x16xf32, #tpu.memory_space<vmem>>
    %dma_start3A_70 = arith.constant 0 : i32
    %dma_start3A_71 = tpu.memref_slice %arg9[%dma_start3A_64, %dma_start3A_70] : memref<4x128xi32, #tpu.memory_space<vmem>> -> memref<1x128xi32, #tpu.memory_space<vmem>>
    %dma_start3A_72 = tpu.memref_squeeze %dma_start3A_71 : memref<1x128xi32, #tpu.memory_space<vmem>> -> memref<128xi32, #tpu.memory_space<vmem>>
    %dma_start3A_73 = arith.constant 0 : i32
    %dma_start3A_74 = arith.constant 0 : i32
    %dma_start3A_75 = tpu.memref_slice %arg2[%dma_start3A_73, %dma_start3A_74] : memref<100000x16xf32, #tpu.memory_space<hbm>> -> memref<100000x16xf32, #tpu.memory_space<hbm>>
    tpu.enqueue_indirect_dma source(%dma_start3A_75 : memref<100000x16xf32, #tpu.memory_space<hbm>>) target(%dma_start3A_69 : memref<128x16xf32, #tpu.memory_space<vmem>>) offsets(%dma_start3A_72 : memref<128xi32, #tpu.memory_space<vmem>>) semaphore(%arg17 : memref<!tpu.dma_semaphore, #tpu.memory_space<semaphore_mem>>)
    %dma_start3A_76 = arith.constant 1 : i32
    %dma_start3A_77 = arith.constant 1 : i32
    %dma_start3A_78 = arith.constant 0 : i32
    %dma_start3A_79 = arith.constant 0 : i32
    %dma_start3A_80 = tpu.memref_slice %arg13[%dma_start3A_77, %dma_start3A_78, %dma_start3A_79] : memref<4x128x16xf32, #tpu.memory_space<vmem>> -> memref<1x128x16xf32, #tpu.memory_space<vmem>>
    %dma_start3A_81 = tpu.memref_squeeze %dma_start3A_80 : memref<1x128x16xf32, #tpu.memory_space<vmem>> -> memref<128x16xf32, #tpu.memory_space<vmem>>
    %dma_start3A_82 = arith.constant 0 : i32
    %dma_start3A_83 = tpu.memref_slice %arg9[%dma_start3A_76, %dma_start3A_82] : memref<4x128xi32, #tpu.memory_space<vmem>> -> memref<1x128xi32, #tpu.memory_space<vmem>>
    %dma_start3A_84 = tpu.memref_squeeze %dma_start3A_83 : memref<1x128xi32, #tpu.memory_space<vmem>> -> memref<128xi32, #tpu.memory_space<vmem>>
    %dma_start3A_85 = arith.constant 0 : i32
    %dma_start3A_86 = arith.constant 0 : i32
    %dma_start3A_87 = tpu.memref_slice %arg2[%dma_start3A_85, %dma_start3A_86] : memref<100000x16xf32, #tpu.memory_space<hbm>> -> memref<100000x16xf32, #tpu.memory_space<hbm>>
    tpu.enqueue_indirect_dma source(%dma_start3A_87 : memref<100000x16xf32, #tpu.memory_space<hbm>>) target(%dma_start3A_81 : memref<128x16xf32, #tpu.memory_space<vmem>>) offsets(%dma_start3A_84 : memref<128xi32, #tpu.memory_space<vmem>>) semaphore(%arg17 : memref<!tpu.dma_semaphore, #tpu.memory_space<semaphore_mem>>)
    %dma_start3A_88 = arith.constant 2 : i32
    %dma_start3A_89 = arith.constant 2 : i32
    %dma_start3A_90 = arith.constant 0 : i32
    %dma_start3A_91 = arith.constant 0 : i32
    %dma_start3A_92 = tpu.memref_slice %arg13[%dma_start3A_89, %dma_start3A_90, %dma_start3A_91] : memref<4x128x16xf32, #tpu.memory_space<vmem>> -> memref<1x128x16xf32, #tpu.memory_space<vmem>>
    %dma_start3A_93 = tpu.memref_squeeze %dma_start3A_92 : memref<1x128x16xf32, #tpu.memory_space<vmem>> -> memref<128x16xf32, #tpu.memory_space<vmem>>
    %dma_start3A_94 = arith.constant 0 : i32
    %dma_start3A_95 = tpu.memref_slice %arg9[%dma_start3A_88, %dma_start3A_94] : memref<4x128xi32, #tpu.memory_space<vmem>> -> memref<1x128xi32, #tpu.memory_space<vmem>>
    %dma_start3A_96 = tpu.memref_squeeze %dma_start3A_95 : memref<1x128xi32, #tpu.memory_space<vmem>> -> memref<128xi32, #tpu.memory_space<vmem>>
    %dma_start3A_97 = arith.constant 0 : i32
    %dma_start3A_98 = arith.constant 0 : i32
    %dma_start3A_99 = tpu.memref_slice %arg2[%dma_start3A_97, %dma_start3A_98] : memref<100000x16xf32, #tpu.memory_space<hbm>> -> memref<100000x16xf32, #tpu.memory_space<hbm>>
    tpu.enqueue_indirect_dma source(%dma_start3A_99 : memref<100000x16xf32, #tpu.memory_space<hbm>>) target(%dma_start3A_93 : memref<128x16xf32, #tpu.memory_space<vmem>>) offsets(%dma_start3A_96 : memref<128xi32, #tpu.memory_space<vmem>>) semaphore(%arg17 : memref<!tpu.dma_semaphore, #tpu.memory_space<semaphore_mem>>)
    %dma_start3A_100 = arith.constant 3 : i32
    %dma_start3A_101 = arith.constant 3 : i32
    %dma_start3A_102 = arith.constant 0 : i32
    %dma_start3A_103 = arith.constant 0 : i32
    %dma_start3A_104 = tpu.memref_slice %arg13[%dma_start3A_101, %dma_start3A_102, %dma_start3A_103] : memref<4x128x16xf32, #tpu.memory_space<vmem>> -> memref<1x128x16xf32, #tpu.memory_space<vmem>>
    %dma_start3A_105 = tpu.memref_squeeze %dma_start3A_104 : memref<1x128x16xf32, #tpu.memory_space<vmem>> -> memref<128x16xf32, #tpu.memory_space<vmem>>
    %dma_start3A_106 = arith.constant 0 : i32
    %dma_start3A_107 = tpu.memref_slice %arg9[%dma_start3A_100, %dma_start3A_106] : memref<4x128xi32, #tpu.memory_space<vmem>> -> memref<1x128xi32, #tpu.memory_space<vmem>>
    %dma_start3A_108 = tpu.memref_squeeze %dma_start3A_107 : memref<1x128xi32, #tpu.memory_space<vmem>> -> memref<128xi32, #tpu.memory_space<vmem>>
    %dma_start3A_109 = arith.constant 0 : i32
    %dma_start3A_110 = arith.constant 0 : i32
    %dma_start3A_111 = tpu.memref_slice %arg2[%dma_start3A_109, %dma_start3A_110] : memref<100000x16xf32, #tpu.memory_space<hbm>> -> memref<100000x16xf32, #tpu.memory_space<hbm>>
    tpu.enqueue_indirect_dma source(%dma_start3A_111 : memref<100000x16xf32, #tpu.memory_space<hbm>>) target(%dma_start3A_105 : memref<128x16xf32, #tpu.memory_space<vmem>>) offsets(%dma_start3A_108 : memref<128xi32, #tpu.memory_space<vmem>>) semaphore(%arg17 : memref<!tpu.dma_semaphore, #tpu.memory_space<semaphore_mem>>)
    %scan3A_112 = arith.constant 0 : i32
    %scan3A_113 = arith.constant 97 : i32
    %scan3A_114 = arith.addi %scan3A_112, %scan3A_113 : i32
    %scan3A_115 = arith.constant 1 : i32
    scf.for %scan3A_218 = %scan3A_112 to %scan3A_114 step %scan3A_115  : i32 {
      %mul3A_219 = arith.constant 1 : i32
      %mul3A_220 = arith.muli %scan3A_218, %mul3A_219 : i32
      %add3A_221 = arith.constant 0 : i32
      %add3A_222 = arith.addi %add3A_221, %mul3A_220 : i32
      %mul3A_223 = arith.constant 2 : i32
      %mul3A_224 = arith.muli %add3A_222, %mul3A_223 : i32
      tpu.wait_dma2 semaphore(%arg16 : memref<!tpu.dma_semaphore, #tpu.memory_space<semaphore_mem>>) src(%arg6 : memref<4x128x16xf32, #tpu.memory_space<hbm>>) dst(%arg12 : memref<4x128x16xf32, #tpu.memory_space<vmem>>)
      %dma_start3A_225 = arith.constant 0 : i32
      %dma_start3A_226 = arith.constant 0 : i32
      %dma_start3A_227 = arith.constant 0 : i32
      %dma_start3A_228 = arith.constant 0 : i32
      %dma_start3A_229 = tpu.memref_slice %arg12[%dma_start3A_225, %dma_start3A_227, %dma_start3A_228] : memref<4x128x16xf32, #tpu.memory_space<vmem>> -> memref<1x128x16xf32, #tpu.memory_space<vmem>>
      %dma_start3A_230 = tpu.memref_squeeze %dma_start3A_229 : memref<1x128x16xf32, #tpu.memory_space<vmem>> -> memref<128x16xf32, #tpu.memory_space<vmem>>
      %dma_start3A_231 = arith.constant 0 : i32
      %dma_start3A_232 = tpu.memref_slice %arg10[%dma_start3A_226, %dma_start3A_231] : memref<4x128xi32, #tpu.memory_space<vmem>> -> memref<1x128xi32, #tpu.memory_space<vmem>>
      %dma_start3A_233 = tpu.memref_squeeze %dma_start3A_232 : memref<1x128xi32, #tpu.memory_space<vmem>> -> memref<128xi32, #tpu.memory_space<vmem>>
      %dma_start3A_234 = arith.constant 0 : i32
      %dma_start3A_235 = arith.constant 0 : i32
      %dma_start3A_236 = tpu.memref_slice %arg15[%dma_start3A_234, %dma_start3A_235] : memref<100096x16xf32, #tpu.memory_space<vmem_shared>> -> memref<100096x16xf32, #tpu.memory_space<vmem_shared>>
      tpu.enqueue_indirect_dma source(%dma_start3A_230 : memref<128x16xf32, #tpu.memory_space<vmem>>) target(%dma_start3A_236 : memref<100096x16xf32, #tpu.memory_space<vmem_shared>>) offsets(%dma_start3A_233 : memref<128xi32, #tpu.memory_space<vmem>>) semaphore(%arg18 : memref<!tpu.dma_semaphore, #tpu.memory_space<semaphore_mem>>) {add = true}
      %dma_start3A_237 = arith.constant 1 : i32
      %dma_start3A_238 = arith.constant 1 : i32
      %dma_start3A_239 = arith.constant 0 : i32
      %dma_start3A_240 = arith.constant 0 : i32
      %dma_start3A_241 = tpu.memref_slice %arg12[%dma_start3A_237, %dma_start3A_239, %dma_start3A_240] : memref<4x128x16xf32, #tpu.memory_space<vmem>> -> memref<1x128x16xf32, #tpu.memory_space<vmem>>
      %dma_start3A_242 = tpu.memref_squeeze %dma_start3A_241 : memref<1x128x16xf32, #tpu.memory_space<vmem>> -> memref<128x16xf32, #tpu.memory_space<vmem>>
      %dma_start3A_243 = arith.constant 0 : i32
      %dma_start3A_244 = tpu.memref_slice %arg10[%dma_start3A_238, %dma_start3A_243] : memref<4x128xi32, #tpu.memory_space<vmem>> -> memref<1x128xi32, #tpu.memory_space<vmem>>
      %dma_start3A_245 = tpu.memref_squeeze %dma_start3A_244 : memref<1x128xi32, #tpu.memory_space<vmem>> -> memref<128xi32, #tpu.memory_space<vmem>>
      %dma_start3A_246 = arith.constant 0 : i32
      %dma_start3A_247 = arith.constant 0 : i32
      %dma_start3A_248 = tpu.memref_slice %arg15[%dma_start3A_246, %dma_start3A_247] : memref<100096x16xf32, #tpu.memory_space<vmem_shared>> -> memref<100096x16xf32, #tpu.memory_space<vmem_shared>>
      tpu.enqueue_indirect_dma source(%dma_start3A_242 : memref<128x16xf32, #tpu.memory_space<vmem>>) target(%dma_start3A_248 : memref<100096x16xf32, #tpu.memory_space<vmem_shared>>) offsets(%dma_start3A_245 : memref<128xi32, #tpu.memory_space<vmem>>) semaphore(%arg18 : memref<!tpu.dma_semaphore, #tpu.memory_space<semaphore_mem>>) {add = true}
      %dma_start3A_249 = arith.constant 2 : i32
      %dma_start3A_250 = arith.constant 2 : i32
      %dma_start3A_251 = arith.constant 0 : i32
      %dma_start3A_252 = arith.constant 0 : i32
      %dma_start3A_253 = tpu.memref_slice %arg12[%dma_start3A_249, %dma_start3A_251, %dma_start3A_252] : memref<4x128x16xf32, #tpu.memory_space<vmem>> -> memref<1x128x16xf32, #tpu.memory_space<vmem>>
      %dma_start3A_254 = tpu.memref_squeeze %dma_start3A_253 : memref<1x128x16xf32, #tpu.memory_space<vmem>> -> memref<128x16xf32, #tpu.memory_space<vmem>>
      %dma_start3A_255 = arith.constant 0 : i32
      %dma_start3A_256 = tpu.memref_slice %arg10[%dma_start3A_250, %dma_start3A_255] : memref<4x128xi32, #tpu.memory_space<vmem>> -> memref<1x128xi32, #tpu.memory_space<vmem>>
      %dma_start3A_257 = tpu.memref_squeeze %dma_start3A_256 : memref<1x128xi32, #tpu.memory_space<vmem>> -> memref<128xi32, #tpu.memory_space<vmem>>
      %dma_start3A_258 = arith.constant 0 : i32
      %dma_start3A_259 = arith.constant 0 : i32
      %dma_start3A_260 = tpu.memref_slice %arg15[%dma_start3A_258, %dma_start3A_259] : memref<100096x16xf32, #tpu.memory_space<vmem_shared>> -> memref<100096x16xf32, #tpu.memory_space<vmem_shared>>
      tpu.enqueue_indirect_dma source(%dma_start3A_254 : memref<128x16xf32, #tpu.memory_space<vmem>>) target(%dma_start3A_260 : memref<100096x16xf32, #tpu.memory_space<vmem_shared>>) offsets(%dma_start3A_257 : memref<128xi32, #tpu.memory_space<vmem>>) semaphore(%arg18 : memref<!tpu.dma_semaphore, #tpu.memory_space<semaphore_mem>>) {add = true}
      %dma_start3A_261 = arith.constant 3 : i32
      %dma_start3A_262 = arith.constant 3 : i32
      %dma_start3A_263 = arith.constant 0 : i32
      %dma_start3A_264 = arith.constant 0 : i32
      %dma_start3A_265 = tpu.memref_slice %arg12[%dma_start3A_261, %dma_start3A_263, %dma_start3A_264] : memref<4x128x16xf32, #tpu.memory_space<vmem>> -> memref<1x128x16xf32, #tpu.memory_space<vmem>>
      %dma_start3A_266 = tpu.memref_squeeze %dma_start3A_265 : memref<1x128x16xf32, #tpu.memory_space<vmem>> -> memref<128x16xf32, #tpu.memory_space<vmem>>
      %dma_start3A_267 = arith.constant 0 : i32
      %dma_start3A_268 = tpu.memref_slice %arg10[%dma_start3A_262, %dma_start3A_267] : memref<4x128xi32, #tpu.memory_space<vmem>> -> memref<1x128xi32, #tpu.memory_space<vmem>>
      %dma_start3A_269 = tpu.memref_squeeze %dma_start3A_268 : memref<1x128xi32, #tpu.memory_space<vmem>> -> memref<128xi32, #tpu.memory_space<vmem>>
      %dma_start3A_270 = arith.constant 0 : i32
      %dma_start3A_271 = arith.constant 0 : i32
      %dma_start3A_272 = tpu.memref_slice %arg15[%dma_start3A_270, %dma_start3A_271] : memref<100096x16xf32, #tpu.memory_space<vmem_shared>> -> memref<100096x16xf32, #tpu.memory_space<vmem_shared>>
      tpu.enqueue_indirect_dma source(%dma_start3A_266 : memref<128x16xf32, #tpu.memory_space<vmem>>) target(%dma_start3A_272 : memref<100096x16xf32, #tpu.memory_space<vmem_shared>>) offsets(%dma_start3A_269 : memref<128xi32, #tpu.memory_space<vmem>>) semaphore(%arg18 : memref<!tpu.dma_semaphore, #tpu.memory_space<semaphore_mem>>) {add = true}
      tpu.wait_dma2 semaphore(%arg18 : memref<!tpu.dma_semaphore, #tpu.memory_space<semaphore_mem>>) src(%arg6 : memref<4x128x16xf32, #tpu.memory_space<hbm>>) dst(%arg12 : memref<4x128x16xf32, #tpu.memory_space<vmem>>)
      %add3A_273 = arith.constant 2 : i32
      %add3A_274 = arith.addi %mul3A_224, %add3A_273 : i32
      %add3A_275 = arith.constant 0 : i32
      %add3A_276 = arith.addi %add3A_274, %add3A_275 : i32
      %mul3A_277 = arith.constant 4 : i32
      %mul3A_278 = arith.muli %add3A_276, %mul3A_277 : i32
      %add3A_279 = arith.addi %mul3A_8, %mul3A_278 : i32
      "tpu.region"() ({
        %run_scoped3A = tpu.sem_alloc : memref<!tpu.dma_semaphore, #tpu.memory_space<semaphore_mem>>
        %dma_start3A_437 = arith.constant 0 : i32
        %dma_start3A_438 = tpu.memref_slice %arg3[%add3A_279, %dma_start3A_437] : memref<25088x128xi32, #tpu.memory_space<hbm>> -> memref<4x128xi32, #tpu.memory_space<hbm>>
        %dma_start3A_439 = arith.constant 0 : i32
        %dma_start3A_440 = tpu.memref_slice %arg3[%add3A_279, %dma_start3A_439] : memref<25088x128xi32, #tpu.memory_space<hbm>> -> memref<4x128xi32, #tpu.memory_space<hbm>>
        tpu.enqueue_dma source(%dma_start3A_440 : memref<4x128xi32, #tpu.memory_space<hbm>>) target(%arg8 : memref<4x128xi32, #tpu.memory_space<vmem>>) target_semaphore(%run_scoped3A : memref<!tpu.dma_semaphore, #tpu.memory_space<semaphore_mem>>)
        %dma_wait3A = arith.constant 0 : i32
        %dma_wait3A_441 = tpu.memref_slice %arg3[%add3A_279, %dma_wait3A] : memref<25088x128xi32, #tpu.memory_space<hbm>> -> memref<4x128xi32, #tpu.memory_space<hbm>>
        %dma_wait3A_442 = arith.constant 0 : i32
        %dma_wait3A_443 = tpu.memref_slice %arg3[%add3A_279, %dma_wait3A_442] : memref<25088x128xi32, #tpu.memory_space<hbm>> -> memref<4x128xi32, #tpu.memory_space<hbm>>
        tpu.wait_dma2 semaphore(%run_scoped3A : memref<!tpu.dma_semaphore, #tpu.memory_space<semaphore_mem>>) src(%dma_wait3A_443 : memref<4x128xi32, #tpu.memory_space<hbm>>) dst(%arg8 : memref<4x128xi32, #tpu.memory_space<vmem>>)
        tpu.yield
      }) : () -> ()
      %mul3A_280 = arith.constant 4 : i32
      %mul3A_281 = arith.muli %add3A_276, %mul3A_280 : i32
      %add3A_282 = arith.addi %mul3A_8, %mul3A_281 : i32
      "tpu.region"() ({
        %run_scoped3A = tpu.sem_alloc : memref<!tpu.dma_semaphore, #tpu.memory_space<semaphore_mem>>
        %dma_start3A_437 = arith.constant 0 : i32
        %dma_start3A_438 = tpu.memref_slice %arg4[%add3A_282, %dma_start3A_437] : memref<25088x128xi32, #tpu.memory_space<hbm>> -> memref<4x128xi32, #tpu.memory_space<hbm>>
        %dma_start3A_439 = arith.constant 0 : i32
        %dma_start3A_440 = tpu.memref_slice %arg4[%add3A_282, %dma_start3A_439] : memref<25088x128xi32, #tpu.memory_space<hbm>> -> memref<4x128xi32, #tpu.memory_space<hbm>>
        tpu.enqueue_dma source(%dma_start3A_440 : memref<4x128xi32, #tpu.memory_space<hbm>>) target(%arg10 : memref<4x128xi32, #tpu.memory_space<vmem>>) target_semaphore(%run_scoped3A : memref<!tpu.dma_semaphore, #tpu.memory_space<semaphore_mem>>)
        %dma_wait3A = arith.constant 0 : i32
        %dma_wait3A_441 = tpu.memref_slice %arg4[%add3A_282, %dma_wait3A] : memref<25088x128xi32, #tpu.memory_space<hbm>> -> memref<4x128xi32, #tpu.memory_space<hbm>>
        %dma_wait3A_442 = arith.constant 0 : i32
        %dma_wait3A_443 = tpu.memref_slice %arg4[%add3A_282, %dma_wait3A_442] : memref<25088x128xi32, #tpu.memory_space<hbm>> -> memref<4x128xi32, #tpu.memory_space<hbm>>
        tpu.wait_dma2 semaphore(%run_scoped3A : memref<!tpu.dma_semaphore, #tpu.memory_space<semaphore_mem>>) src(%dma_wait3A_443 : memref<4x128xi32, #tpu.memory_space<hbm>>) dst(%arg10 : memref<4x128xi32, #tpu.memory_space<vmem>>)
        tpu.yield
      }) : () -> ()
      %dma_start3A_283 = arith.constant 0 : i32
      %dma_start3A_284 = arith.constant 0 : i32
      %dma_start3A_285 = arith.constant 0 : i32
      %dma_start3A_286 = arith.constant 0 : i32
      %dma_start3A_287 = tpu.memref_slice %arg12[%dma_start3A_284, %dma_start3A_285, %dma_start3A_286] : memref<4x128x16xf32, #tpu.memory_space<vmem>> -> memref<1x128x16xf32, #tpu.memory_space<vmem>>
      %dma_start3A_288 = tpu.memref_squeeze %dma_start3A_287 : memref<1x128x16xf32, #tpu.memory_space<vmem>> -> memref<128x16xf32, #tpu.memory_space<vmem>>
      %dma_start3A_289 = arith.constant 0 : i32
      %dma_start3A_290 = tpu.memref_slice %arg8[%dma_start3A_283, %dma_start3A_289] : memref<4x128xi32, #tpu.memory_space<vmem>> -> memref<1x128xi32, #tpu.memory_space<vmem>>
      %dma_start3A_291 = tpu.memref_squeeze %dma_start3A_290 : memref<1x128xi32, #tpu.memory_space<vmem>> -> memref<128xi32, #tpu.memory_space<vmem>>
      %dma_start3A_292 = arith.constant 0 : i32
      %dma_start3A_293 = arith.constant 0 : i32
      %dma_start3A_294 = tpu.memref_slice %arg2[%dma_start3A_292, %dma_start3A_293] : memref<100000x16xf32, #tpu.memory_space<hbm>> -> memref<100000x16xf32, #tpu.memory_space<hbm>>
      tpu.enqueue_indirect_dma source(%dma_start3A_294 : memref<100000x16xf32, #tpu.memory_space<hbm>>) target(%dma_start3A_288 : memref<128x16xf32, #tpu.memory_space<vmem>>) offsets(%dma_start3A_291 : memref<128xi32, #tpu.memory_space<vmem>>) semaphore(%arg16 : memref<!tpu.dma_semaphore, #tpu.memory_space<semaphore_mem>>)
      %dma_start3A_295 = arith.constant 1 : i32
      %dma_start3A_296 = arith.constant 1 : i32
      %dma_start3A_297 = arith.constant 0 : i32
      %dma_start3A_298 = arith.constant 0 : i32
      %dma_start3A_299 = tpu.memref_slice %arg12[%dma_start3A_296, %dma_start3A_297, %dma_start3A_298] : memref<4x128x16xf32, #tpu.memory_space<vmem>> -> memref<1x128x16xf32, #tpu.memory_space<vmem>>
      %dma_start3A_300 = tpu.memref_squeeze %dma_start3A_299 : memref<1x128x16xf32, #tpu.memory_space<vmem>> -> memref<128x16xf32, #tpu.memory_space<vmem>>
      %dma_start3A_301 = arith.constant 0 : i32
      %dma_start3A_302 = tpu.memref_slice %arg8[%dma_start3A_295, %dma_start3A_301] : memref<4x128xi32, #tpu.memory_space<vmem>> -> memref<1x128xi32, #tpu.memory_space<vmem>>
      %dma_start3A_303 = tpu.memref_squeeze %dma_start3A_302 : memref<1x128xi32, #tpu.memory_space<vmem>> -> memref<128xi32, #tpu.memory_space<vmem>>
      %dma_start3A_304 = arith.constant 0 : i32
      %dma_start3A_305 = arith.constant 0 : i32
      %dma_start3A_306 = tpu.memref_slice %arg2[%dma_start3A_304, %dma_start3A_305] : memref<100000x16xf32, #tpu.memory_space<hbm>> -> memref<100000x16xf32, #tpu.memory_space<hbm>>
      tpu.enqueue_indirect_dma source(%dma_start3A_306 : memref<100000x16xf32, #tpu.memory_space<hbm>>) target(%dma_start3A_300 : memref<128x16xf32, #tpu.memory_space<vmem>>) offsets(%dma_start3A_303 : memref<128xi32, #tpu.memory_space<vmem>>) semaphore(%arg16 : memref<!tpu.dma_semaphore, #tpu.memory_space<semaphore_mem>>)
      %dma_start3A_307 = arith.constant 2 : i32
      %dma_start3A_308 = arith.constant 2 : i32
      %dma_start3A_309 = arith.constant 0 : i32
      %dma_start3A_310 = arith.constant 0 : i32
      %dma_start3A_311 = tpu.memref_slice %arg12[%dma_start3A_308, %dma_start3A_309, %dma_start3A_310] : memref<4x128x16xf32, #tpu.memory_space<vmem>> -> memref<1x128x16xf32, #tpu.memory_space<vmem>>
      %dma_start3A_312 = tpu.memref_squeeze %dma_start3A_311 : memref<1x128x16xf32, #tpu.memory_space<vmem>> -> memref<128x16xf32, #tpu.memory_space<vmem>>
      %dma_start3A_313 = arith.constant 0 : i32
      %dma_start3A_314 = tpu.memref_slice %arg8[%dma_start3A_307, %dma_start3A_313] : memref<4x128xi32, #tpu.memory_space<vmem>> -> memref<1x128xi32, #tpu.memory_space<vmem>>
      %dma_start3A_315 = tpu.memref_squeeze %dma_start3A_314 : memref<1x128xi32, #tpu.memory_space<vmem>> -> memref<128xi32, #tpu.memory_space<vmem>>
      %dma_start3A_316 = arith.constant 0 : i32
      %dma_start3A_317 = arith.constant 0 : i32
      %dma_start3A_318 = tpu.memref_slice %arg2[%dma_start3A_316, %dma_start3A_317] : memref<100000x16xf32, #tpu.memory_space<hbm>> -> memref<100000x16xf32, #tpu.memory_space<hbm>>
      tpu.enqueue_indirect_dma source(%dma_start3A_318 : memref<100000x16xf32, #tpu.memory_space<hbm>>) target(%dma_start3A_312 : memref<128x16xf32, #tpu.memory_space<vmem>>) offsets(%dma_start3A_315 : memref<128xi32, #tpu.memory_space<vmem>>) semaphore(%arg16 : memref<!tpu.dma_semaphore, #tpu.memory_space<semaphore_mem>>)
      %dma_start3A_319 = arith.constant 3 : i32
      %dma_start3A_320 = arith.constant 3 : i32
      %dma_start3A_321 = arith.constant 0 : i32
      %dma_start3A_322 = arith.constant 0 : i32
      %dma_start3A_323 = tpu.memref_slice %arg12[%dma_start3A_320, %dma_start3A_321, %dma_start3A_322] : memref<4x128x16xf32, #tpu.memory_space<vmem>> -> memref<1x128x16xf32, #tpu.memory_space<vmem>>
      %dma_start3A_324 = tpu.memref_squeeze %dma_start3A_323 : memref<1x128x16xf32, #tpu.memory_space<vmem>> -> memref<128x16xf32, #tpu.memory_space<vmem>>
      %dma_start3A_325 = arith.constant 0 : i32
      %dma_start3A_326 = tpu.memref_slice %arg8[%dma_start3A_319, %dma_start3A_325] : memref<4x128xi32, #tpu.memory_space<vmem>> -> memref<1x128xi32, #tpu.memory_space<vmem>>
      %dma_start3A_327 = tpu.memref_squeeze %dma_start3A_326 : memref<1x128xi32, #tpu.memory_space<vmem>> -> memref<128xi32, #tpu.memory_space<vmem>>
      %dma_start3A_328 = arith.constant 0 : i32
      %dma_start3A_329 = arith.constant 0 : i32
      %dma_start3A_330 = tpu.memref_slice %arg2[%dma_start3A_328, %dma_start3A_329] : memref<100000x16xf32, #tpu.memory_space<hbm>> -> memref<100000x16xf32, #tpu.memory_space<hbm>>
      tpu.enqueue_indirect_dma source(%dma_start3A_330 : memref<100000x16xf32, #tpu.memory_space<hbm>>) target(%dma_start3A_324 : memref<128x16xf32, #tpu.memory_space<vmem>>) offsets(%dma_start3A_327 : memref<128xi32, #tpu.memory_space<vmem>>) semaphore(%arg16 : memref<!tpu.dma_semaphore, #tpu.memory_space<semaphore_mem>>)
      tpu.wait_dma2 semaphore(%arg17 : memref<!tpu.dma_semaphore, #tpu.memory_space<semaphore_mem>>) src(%arg6 : memref<4x128x16xf32, #tpu.memory_space<hbm>>) dst(%arg13 : memref<4x128x16xf32, #tpu.memory_space<vmem>>)
      %dma_start3A_331 = arith.constant 0 : i32
      %dma_start3A_332 = arith.constant 0 : i32
      %dma_start3A_333 = arith.constant 0 : i32
      %dma_start3A_334 = arith.constant 0 : i32
      %dma_start3A_335 = tpu.memref_slice %arg13[%dma_start3A_331, %dma_start3A_333, %dma_start3A_334] : memref<4x128x16xf32, #tpu.memory_space<vmem>> -> memref<1x128x16xf32, #tpu.memory_space<vmem>>
      %dma_start3A_336 = tpu.memref_squeeze %dma_start3A_335 : memref<1x128x16xf32, #tpu.memory_space<vmem>> -> memref<128x16xf32, #tpu.memory_space<vmem>>
      %dma_start3A_337 = arith.constant 0 : i32
      %dma_start3A_338 = tpu.memref_slice %arg11[%dma_start3A_332, %dma_start3A_337] : memref<4x128xi32, #tpu.memory_space<vmem>> -> memref<1x128xi32, #tpu.memory_space<vmem>>
      %dma_start3A_339 = tpu.memref_squeeze %dma_start3A_338 : memref<1x128xi32, #tpu.memory_space<vmem>> -> memref<128xi32, #tpu.memory_space<vmem>>
      %dma_start3A_340 = arith.constant 0 : i32
      %dma_start3A_341 = arith.constant 0 : i32
      %dma_start3A_342 = tpu.memref_slice %arg15[%dma_start3A_340, %dma_start3A_341] : memref<100096x16xf32, #tpu.memory_space<vmem_shared>> -> memref<100096x16xf32, #tpu.memory_space<vmem_shared>>
      tpu.enqueue_indirect_dma source(%dma_start3A_336 : memref<128x16xf32, #tpu.memory_space<vmem>>) target(%dma_start3A_342 : memref<100096x16xf32, #tpu.memory_space<vmem_shared>>) offsets(%dma_start3A_339 : memref<128xi32, #tpu.memory_space<vmem>>) semaphore(%arg19 : memref<!tpu.dma_semaphore, #tpu.memory_space<semaphore_mem>>) {add = true}
      %dma_start3A_343 = arith.constant 1 : i32
      %dma_start3A_344 = arith.constant 1 : i32
      %dma_start3A_345 = arith.constant 0 : i32
      %dma_start3A_346 = arith.constant 0 : i32
      %dma_start3A_347 = tpu.memref_slice %arg13[%dma_start3A_343, %dma_start3A_345, %dma_start3A_346] : memref<4x128x16xf32, #tpu.memory_space<vmem>> -> memref<1x128x16xf32, #tpu.memory_space<vmem>>
      %dma_start3A_348 = tpu.memref_squeeze %dma_start3A_347 : memref<1x128x16xf32, #tpu.memory_space<vmem>> -> memref<128x16xf32, #tpu.memory_space<vmem>>
      %dma_start3A_349 = arith.constant 0 : i32
      %dma_start3A_350 = tpu.memref_slice %arg11[%dma_start3A_344, %dma_start3A_349] : memref<4x128xi32, #tpu.memory_space<vmem>> -> memref<1x128xi32, #tpu.memory_space<vmem>>
      %dma_start3A_351 = tpu.memref_squeeze %dma_start3A_350 : memref<1x128xi32, #tpu.memory_space<vmem>> -> memref<128xi32, #tpu.memory_space<vmem>>
      %dma_start3A_352 = arith.constant 0 : i32
      %dma_start3A_353 = arith.constant 0 : i32
      %dma_start3A_354 = tpu.memref_slice %arg15[%dma_start3A_352, %dma_start3A_353] : memref<100096x16xf32, #tpu.memory_space<vmem_shared>> -> memref<100096x16xf32, #tpu.memory_space<vmem_shared>>
      tpu.enqueue_indirect_dma source(%dma_start3A_348 : memref<128x16xf32, #tpu.memory_space<vmem>>) target(%dma_start3A_354 : memref<100096x16xf32, #tpu.memory_space<vmem_shared>>) offsets(%dma_start3A_351 : memref<128xi32, #tpu.memory_space<vmem>>) semaphore(%arg19 : memref<!tpu.dma_semaphore, #tpu.memory_space<semaphore_mem>>) {add = true}
      %dma_start3A_355 = arith.constant 2 : i32
      %dma_start3A_356 = arith.constant 2 : i32
      %dma_start3A_357 = arith.constant 0 : i32
      %dma_start3A_358 = arith.constant 0 : i32
      %dma_start3A_359 = tpu.memref_slice %arg13[%dma_start3A_355, %dma_start3A_357, %dma_start3A_358] : memref<4x128x16xf32, #tpu.memory_space<vmem>> -> memref<1x128x16xf32, #tpu.memory_space<vmem>>
      %dma_start3A_360 = tpu.memref_squeeze %dma_start3A_359 : memref<1x128x16xf32, #tpu.memory_space<vmem>> -> memref<128x16xf32, #tpu.memory_space<vmem>>
      %dma_start3A_361 = arith.constant 0 : i32
      %dma_start3A_362 = tpu.memref_slice %arg11[%dma_start3A_356, %dma_start3A_361] : memref<4x128xi32, #tpu.memory_space<vmem>> -> memref<1x128xi32, #tpu.memory_space<vmem>>
      %dma_start3A_363 = tpu.memref_squeeze %dma_start3A_362 : memref<1x128xi32, #tpu.memory_space<vmem>> -> memref<128xi32, #tpu.memory_space<vmem>>
      %dma_start3A_364 = arith.constant 0 : i32
      %dma_start3A_365 = arith.constant 0 : i32
      %dma_start3A_366 = tpu.memref_slice %arg15[%dma_start3A_364, %dma_start3A_365] : memref<100096x16xf32, #tpu.memory_space<vmem_shared>> -> memref<100096x16xf32, #tpu.memory_space<vmem_shared>>
      tpu.enqueue_indirect_dma source(%dma_start3A_360 : memref<128x16xf32, #tpu.memory_space<vmem>>) target(%dma_start3A_366 : memref<100096x16xf32, #tpu.memory_space<vmem_shared>>) offsets(%dma_start3A_363 : memref<128xi32, #tpu.memory_space<vmem>>) semaphore(%arg19 : memref<!tpu.dma_semaphore, #tpu.memory_space<semaphore_mem>>) {add = true}
      %dma_start3A_367 = arith.constant 3 : i32
      %dma_start3A_368 = arith.constant 3 : i32
      %dma_start3A_369 = arith.constant 0 : i32
      %dma_start3A_370 = arith.constant 0 : i32
      %dma_start3A_371 = tpu.memref_slice %arg13[%dma_start3A_367, %dma_start3A_369, %dma_start3A_370] : memref<4x128x16xf32, #tpu.memory_space<vmem>> -> memref<1x128x16xf32, #tpu.memory_space<vmem>>
      %dma_start3A_372 = tpu.memref_squeeze %dma_start3A_371 : memref<1x128x16xf32, #tpu.memory_space<vmem>> -> memref<128x16xf32, #tpu.memory_space<vmem>>
      %dma_start3A_373 = arith.constant 0 : i32
      %dma_start3A_374 = tpu.memref_slice %arg11[%dma_start3A_368, %dma_start3A_373] : memref<4x128xi32, #tpu.memory_space<vmem>> -> memref<1x128xi32, #tpu.memory_space<vmem>>
      %dma_start3A_375 = tpu.memref_squeeze %dma_start3A_374 : memref<1x128xi32, #tpu.memory_space<vmem>> -> memref<128xi32, #tpu.memory_space<vmem>>
      %dma_start3A_376 = arith.constant 0 : i32
      %dma_start3A_377 = arith.constant 0 : i32
      %dma_start3A_378 = tpu.memref_slice %arg15[%dma_start3A_376, %dma_start3A_377] : memref<100096x16xf32, #tpu.memory_space<vmem_shared>> -> memref<100096x16xf32, #tpu.memory_space<vmem_shared>>
      tpu.enqueue_indirect_dma source(%dma_start3A_372 : memref<128x16xf32, #tpu.memory_space<vmem>>) target(%dma_start3A_378 : memref<100096x16xf32, #tpu.memory_space<vmem_shared>>) offsets(%dma_start3A_375 : memref<128xi32, #tpu.memory_space<vmem>>) semaphore(%arg19 : memref<!tpu.dma_semaphore, #tpu.memory_space<semaphore_mem>>) {add = true}
      tpu.wait_dma2 semaphore(%arg19 : memref<!tpu.dma_semaphore, #tpu.memory_space<semaphore_mem>>) src(%arg6 : memref<4x128x16xf32, #tpu.memory_space<hbm>>) dst(%arg13 : memref<4x128x16xf32, #tpu.memory_space<vmem>>)
      %add3A_379 = arith.constant 2 : i32
      %add3A_380 = arith.addi %mul3A_224, %add3A_379 : i32
      %add3A_381 = arith.constant 1 : i32
      %add3A_382 = arith.addi %add3A_380, %add3A_381 : i32
      %mul3A_383 = arith.constant 4 : i32
      %mul3A_384 = arith.muli %add3A_382, %mul3A_383 : i32
      %add3A_385 = arith.addi %mul3A_8, %mul3A_384 : i32
      "tpu.region"() ({
        %run_scoped3A = tpu.sem_alloc : memref<!tpu.dma_semaphore, #tpu.memory_space<semaphore_mem>>
        %dma_start3A_437 = arith.constant 0 : i32
        %dma_start3A_438 = tpu.memref_slice %arg3[%add3A_385, %dma_start3A_437] : memref<25088x128xi32, #tpu.memory_space<hbm>> -> memref<4x128xi32, #tpu.memory_space<hbm>>
        %dma_start3A_439 = arith.constant 0 : i32
        %dma_start3A_440 = tpu.memref_slice %arg3[%add3A_385, %dma_start3A_439] : memref<25088x128xi32, #tpu.memory_space<hbm>> -> memref<4x128xi32, #tpu.memory_space<hbm>>
        tpu.enqueue_dma source(%dma_start3A_440 : memref<4x128xi32, #tpu.memory_space<hbm>>) target(%arg9 : memref<4x128xi32, #tpu.memory_space<vmem>>) target_semaphore(%run_scoped3A : memref<!tpu.dma_semaphore, #tpu.memory_space<semaphore_mem>>)
        %dma_wait3A = arith.constant 0 : i32
        %dma_wait3A_441 = tpu.memref_slice %arg3[%add3A_385, %dma_wait3A] : memref<25088x128xi32, #tpu.memory_space<hbm>> -> memref<4x128xi32, #tpu.memory_space<hbm>>
        %dma_wait3A_442 = arith.constant 0 : i32
        %dma_wait3A_443 = tpu.memref_slice %arg3[%add3A_385, %dma_wait3A_442] : memref<25088x128xi32, #tpu.memory_space<hbm>> -> memref<4x128xi32, #tpu.memory_space<hbm>>
        tpu.wait_dma2 semaphore(%run_scoped3A : memref<!tpu.dma_semaphore, #tpu.memory_space<semaphore_mem>>) src(%dma_wait3A_443 : memref<4x128xi32, #tpu.memory_space<hbm>>) dst(%arg9 : memref<4x128xi32, #tpu.memory_space<vmem>>)
        tpu.yield
      }) : () -> ()
      %mul3A_386 = arith.constant 4 : i32
      %mul3A_387 = arith.muli %add3A_382, %mul3A_386 : i32
      %add3A_388 = arith.addi %mul3A_8, %mul3A_387 : i32
      "tpu.region"() ({
        %run_scoped3A = tpu.sem_alloc : memref<!tpu.dma_semaphore, #tpu.memory_space<semaphore_mem>>
        %dma_start3A_437 = arith.constant 0 : i32
        %dma_start3A_438 = tpu.memref_slice %arg4[%add3A_388, %dma_start3A_437] : memref<25088x128xi32, #tpu.memory_space<hbm>> -> memref<4x128xi32, #tpu.memory_space<hbm>>
        %dma_start3A_439 = arith.constant 0 : i32
        %dma_start3A_440 = tpu.memref_slice %arg4[%add3A_388, %dma_start3A_439] : memref<25088x128xi32, #tpu.memory_space<hbm>> -> memref<4x128xi32, #tpu.memory_space<hbm>>
        tpu.enqueue_dma source(%dma_start3A_440 : memref<4x128xi32, #tpu.memory_space<hbm>>) target(%arg11 : memref<4x128xi32, #tpu.memory_space<vmem>>) target_semaphore(%run_scoped3A : memref<!tpu.dma_semaphore, #tpu.memory_space<semaphore_mem>>)
        %dma_wait3A = arith.constant 0 : i32
        %dma_wait3A_441 = tpu.memref_slice %arg4[%add3A_388, %dma_wait3A] : memref<25088x128xi32, #tpu.memory_space<hbm>> -> memref<4x128xi32, #tpu.memory_space<hbm>>
        %dma_wait3A_442 = arith.constant 0 : i32
        %dma_wait3A_443 = tpu.memref_slice %arg4[%add3A_388, %dma_wait3A_442] : memref<25088x128xi32, #tpu.memory_space<hbm>> -> memref<4x128xi32, #tpu.memory_space<hbm>>
        tpu.wait_dma2 semaphore(%run_scoped3A : memref<!tpu.dma_semaphore, #tpu.memory_space<semaphore_mem>>) src(%dma_wait3A_443 : memref<4x128xi32, #tpu.memory_space<hbm>>) dst(%arg11 : memref<4x128xi32, #tpu.memory_space<vmem>>)
        tpu.yield
      }) : () -> ()
      %dma_start3A_389 = arith.constant 0 : i32
      %dma_start3A_390 = arith.constant 0 : i32
      %dma_start3A_391 = arith.constant 0 : i32
      %dma_start3A_392 = arith.constant 0 : i32
      %dma_start3A_393 = tpu.memref_slice %arg13[%dma_start3A_390, %dma_start3A_391, %dma_start3A_392] : memref<4x128x16xf32, #tpu.memory_space<vmem>> -> memref<1x128x16xf32, #tpu.memory_space<vmem>>
      %dma_start3A_394 = tpu.memref_squeeze %dma_start3A_393 : memref<1x128x16xf32, #tpu.memory_space<vmem>> -> memref<128x16xf32, #tpu.memory_space<vmem>>
      %dma_start3A_395 = arith.constant 0 : i32
      %dma_start3A_396 = tpu.memref_slice %arg9[%dma_start3A_389, %dma_start3A_395] : memref<4x128xi32, #tpu.memory_space<vmem>> -> memref<1x128xi32, #tpu.memory_space<vmem>>
      %dma_start3A_397 = tpu.memref_squeeze %dma_start3A_396 : memref<1x128xi32, #tpu.memory_space<vmem>> -> memref<128xi32, #tpu.memory_space<vmem>>
      %dma_start3A_398 = arith.constant 0 : i32
      %dma_start3A_399 = arith.constant 0 : i32
      %dma_start3A_400 = tpu.memref_slice %arg2[%dma_start3A_398, %dma_start3A_399] : memref<100000x16xf32, #tpu.memory_space<hbm>> -> memref<100000x16xf32, #tpu.memory_space<hbm>>
      tpu.enqueue_indirect_dma source(%dma_start3A_400 : memref<100000x16xf32, #tpu.memory_space<hbm>>) target(%dma_start3A_394 : memref<128x16xf32, #tpu.memory_space<vmem>>) offsets(%dma_start3A_397 : memref<128xi32, #tpu.memory_space<vmem>>) semaphore(%arg17 : memref<!tpu.dma_semaphore, #tpu.memory_space<semaphore_mem>>)
      %dma_start3A_401 = arith.constant 1 : i32
      %dma_start3A_402 = arith.constant 1 : i32
      %dma_start3A_403 = arith.constant 0 : i32
      %dma_start3A_404 = arith.constant 0 : i32
      %dma_start3A_405 = tpu.memref_slice %arg13[%dma_start3A_402, %dma_start3A_403, %dma_start3A_404] : memref<4x128x16xf32, #tpu.memory_space<vmem>> -> memref<1x128x16xf32, #tpu.memory_space<vmem>>
      %dma_start3A_406 = tpu.memref_squeeze %dma_start3A_405 : memref<1x128x16xf32, #tpu.memory_space<vmem>> -> memref<128x16xf32, #tpu.memory_space<vmem>>
      %dma_start3A_407 = arith.constant 0 : i32
      %dma_start3A_408 = tpu.memref_slice %arg9[%dma_start3A_401, %dma_start3A_407] : memref<4x128xi32, #tpu.memory_space<vmem>> -> memref<1x128xi32, #tpu.memory_space<vmem>>
      %dma_start3A_409 = tpu.memref_squeeze %dma_start3A_408 : memref<1x128xi32, #tpu.memory_space<vmem>> -> memref<128xi32, #tpu.memory_space<vmem>>
      %dma_start3A_410 = arith.constant 0 : i32
      %dma_start3A_411 = arith.constant 0 : i32
      %dma_start3A_412 = tpu.memref_slice %arg2[%dma_start3A_410, %dma_start3A_411] : memref<100000x16xf32, #tpu.memory_space<hbm>> -> memref<100000x16xf32, #tpu.memory_space<hbm>>
      tpu.enqueue_indirect_dma source(%dma_start3A_412 : memref<100000x16xf32, #tpu.memory_space<hbm>>) target(%dma_start3A_406 : memref<128x16xf32, #tpu.memory_space<vmem>>) offsets(%dma_start3A_409 : memref<128xi32, #tpu.memory_space<vmem>>) semaphore(%arg17 : memref<!tpu.dma_semaphore, #tpu.memory_space<semaphore_mem>>)
      %dma_start3A_413 = arith.constant 2 : i32
      %dma_start3A_414 = arith.constant 2 : i32
      %dma_start3A_415 = arith.constant 0 : i32
      %dma_start3A_416 = arith.constant 0 : i32
      %dma_start3A_417 = tpu.memref_slice %arg13[%dma_start3A_414, %dma_start3A_415, %dma_start3A_416] : memref<4x128x16xf32, #tpu.memory_space<vmem>> -> memref<1x128x16xf32, #tpu.memory_space<vmem>>
      %dma_start3A_418 = tpu.memref_squeeze %dma_start3A_417 : memref<1x128x16xf32, #tpu.memory_space<vmem>> -> memref<128x16xf32, #tpu.memory_space<vmem>>
      %dma_start3A_419 = arith.constant 0 : i32
      %dma_start3A_420 = tpu.memref_slice %arg9[%dma_start3A_413, %dma_start3A_419] : memref<4x128xi32, #tpu.memory_space<vmem>> -> memref<1x128xi32, #tpu.memory_space<vmem>>
      %dma_start3A_421 = tpu.memref_squeeze %dma_start3A_420 : memref<1x128xi32, #tpu.memory_space<vmem>> -> memref<128xi32, #tpu.memory_space<vmem>>
      %dma_start3A_422 = arith.constant 0 : i32
      %dma_start3A_423 = arith.constant 0 : i32
      %dma_start3A_424 = tpu.memref_slice %arg2[%dma_start3A_422, %dma_start3A_423] : memref<100000x16xf32, #tpu.memory_space<hbm>> -> memref<100000x16xf32, #tpu.memory_space<hbm>>
      tpu.enqueue_indirect_dma source(%dma_start3A_424 : memref<100000x16xf32, #tpu.memory_space<hbm>>) target(%dma_start3A_418 : memref<128x16xf32, #tpu.memory_space<vmem>>) offsets(%dma_start3A_421 : memref<128xi32, #tpu.memory_space<vmem>>) semaphore(%arg17 : memref<!tpu.dma_semaphore, #tpu.memory_space<semaphore_mem>>)
      %dma_start3A_425 = arith.constant 3 : i32
      %dma_start3A_426 = arith.constant 3 : i32
      %dma_start3A_427 = arith.constant 0 : i32
      %dma_start3A_428 = arith.constant 0 : i32
      %dma_start3A_429 = tpu.memref_slice %arg13[%dma_start3A_426, %dma_start3A_427, %dma_start3A_428] : memref<4x128x16xf32, #tpu.memory_space<vmem>> -> memref<1x128x16xf32, #tpu.memory_space<vmem>>
      %dma_start3A_430 = tpu.memref_squeeze %dma_start3A_429 : memref<1x128x16xf32, #tpu.memory_space<vmem>> -> memref<128x16xf32, #tpu.memory_space<vmem>>
      %dma_start3A_431 = arith.constant 0 : i32
      %dma_start3A_432 = tpu.memref_slice %arg9[%dma_start3A_425, %dma_start3A_431] : memref<4x128xi32, #tpu.memory_space<vmem>> -> memref<1x128xi32, #tpu.memory_space<vmem>>
      %dma_start3A_433 = tpu.memref_squeeze %dma_start3A_432 : memref<1x128xi32, #tpu.memory_space<vmem>> -> memref<128xi32, #tpu.memory_space<vmem>>
      %dma_start3A_434 = arith.constant 0 : i32
      %dma_start3A_435 = arith.constant 0 : i32
      %dma_start3A_436 = tpu.memref_slice %arg2[%dma_start3A_434, %dma_start3A_435] : memref<100000x16xf32, #tpu.memory_space<hbm>> -> memref<100000x16xf32, #tpu.memory_space<hbm>>
      tpu.enqueue_indirect_dma source(%dma_start3A_436 : memref<100000x16xf32, #tpu.memory_space<hbm>>) target(%dma_start3A_430 : memref<128x16xf32, #tpu.memory_space<vmem>>) offsets(%dma_start3A_433 : memref<128xi32, #tpu.memory_space<vmem>>) semaphore(%arg17 : memref<!tpu.dma_semaphore, #tpu.memory_space<semaphore_mem>>)
    }
    %scan3A_116 = arith.constant 97 : i32
    tpu.wait_dma2 semaphore(%arg16 : memref<!tpu.dma_semaphore, #tpu.memory_space<semaphore_mem>>) src(%arg6 : memref<4x128x16xf32, #tpu.memory_space<hbm>>) dst(%arg12 : memref<4x128x16xf32, #tpu.memory_space<vmem>>)
    %dma_start3A_117 = arith.constant 0 : i32
    %dma_start3A_118 = arith.constant 0 : i32
    %dma_start3A_119 = arith.constant 0 : i32
    %dma_start3A_120 = arith.constant 0 : i32
    %dma_start3A_121 = tpu.memref_slice %arg12[%dma_start3A_117, %dma_start3A_119, %dma_start3A_120] : memref<4x128x16xf32, #tpu.memory_space<vmem>> -> memref<1x128x16xf32, #tpu.memory_space<vmem>>
    %dma_start3A_122 = tpu.memref_squeeze %dma_start3A_121 : memref<1x128x16xf32, #tpu.memory_space<vmem>> -> memref<128x16xf32, #tpu.memory_space<vmem>>
    %dma_start3A_123 = arith.constant 0 : i32
    %dma_start3A_124 = tpu.memref_slice %arg10[%dma_start3A_118, %dma_start3A_123] : memref<4x128xi32, #tpu.memory_space<vmem>> -> memref<1x128xi32, #tpu.memory_space<vmem>>
    %dma_start3A_125 = tpu.memref_squeeze %dma_start3A_124 : memref<1x128xi32, #tpu.memory_space<vmem>> -> memref<128xi32, #tpu.memory_space<vmem>>
    %dma_start3A_126 = arith.constant 0 : i32
    %dma_start3A_127 = arith.constant 0 : i32
    %dma_start3A_128 = tpu.memref_slice %arg15[%dma_start3A_126, %dma_start3A_127] : memref<100096x16xf32, #tpu.memory_space<vmem_shared>> -> memref<100096x16xf32, #tpu.memory_space<vmem_shared>>
    tpu.enqueue_indirect_dma source(%dma_start3A_122 : memref<128x16xf32, #tpu.memory_space<vmem>>) target(%dma_start3A_128 : memref<100096x16xf32, #tpu.memory_space<vmem_shared>>) offsets(%dma_start3A_125 : memref<128xi32, #tpu.memory_space<vmem>>) semaphore(%arg18 : memref<!tpu.dma_semaphore, #tpu.memory_space<semaphore_mem>>) {add = true}
    %dma_start3A_129 = arith.constant 1 : i32
    %dma_start3A_130 = arith.constant 1 : i32
    %dma_start3A_131 = arith.constant 0 : i32
    %dma_start3A_132 = arith.constant 0 : i32
    %dma_start3A_133 = tpu.memref_slice %arg12[%dma_start3A_129, %dma_start3A_131, %dma_start3A_132] : memref<4x128x16xf32, #tpu.memory_space<vmem>> -> memref<1x128x16xf32, #tpu.memory_space<vmem>>
    %dma_start3A_134 = tpu.memref_squeeze %dma_start3A_133 : memref<1x128x16xf32, #tpu.memory_space<vmem>> -> memref<128x16xf32, #tpu.memory_space<vmem>>
    %dma_start3A_135 = arith.constant 0 : i32
    %dma_start3A_136 = tpu.memref_slice %arg10[%dma_start3A_130, %dma_start3A_135] : memref<4x128xi32, #tpu.memory_space<vmem>> -> memref<1x128xi32, #tpu.memory_space<vmem>>
    %dma_start3A_137 = tpu.memref_squeeze %dma_start3A_136 : memref<1x128xi32, #tpu.memory_space<vmem>> -> memref<128xi32, #tpu.memory_space<vmem>>
    %dma_start3A_138 = arith.constant 0 : i32
    %dma_start3A_139 = arith.constant 0 : i32
    %dma_start3A_140 = tpu.memref_slice %arg15[%dma_start3A_138, %dma_start3A_139] : memref<100096x16xf32, #tpu.memory_space<vmem_shared>> -> memref<100096x16xf32, #tpu.memory_space<vmem_shared>>
    tpu.enqueue_indirect_dma source(%dma_start3A_134 : memref<128x16xf32, #tpu.memory_space<vmem>>) target(%dma_start3A_140 : memref<100096x16xf32, #tpu.memory_space<vmem_shared>>) offsets(%dma_start3A_137 : memref<128xi32, #tpu.memory_space<vmem>>) semaphore(%arg18 : memref<!tpu.dma_semaphore, #tpu.memory_space<semaphore_mem>>) {add = true}
    %dma_start3A_141 = arith.constant 2 : i32
    %dma_start3A_142 = arith.constant 2 : i32
    %dma_start3A_143 = arith.constant 0 : i32
    %dma_start3A_144 = arith.constant 0 : i32
    %dma_start3A_145 = tpu.memref_slice %arg12[%dma_start3A_141, %dma_start3A_143, %dma_start3A_144] : memref<4x128x16xf32, #tpu.memory_space<vmem>> -> memref<1x128x16xf32, #tpu.memory_space<vmem>>
    %dma_start3A_146 = tpu.memref_squeeze %dma_start3A_145 : memref<1x128x16xf32, #tpu.memory_space<vmem>> -> memref<128x16xf32, #tpu.memory_space<vmem>>
    %dma_start3A_147 = arith.constant 0 : i32
    %dma_start3A_148 = tpu.memref_slice %arg10[%dma_start3A_142, %dma_start3A_147] : memref<4x128xi32, #tpu.memory_space<vmem>> -> memref<1x128xi32, #tpu.memory_space<vmem>>
    %dma_start3A_149 = tpu.memref_squeeze %dma_start3A_148 : memref<1x128xi32, #tpu.memory_space<vmem>> -> memref<128xi32, #tpu.memory_space<vmem>>
    %dma_start3A_150 = arith.constant 0 : i32
    %dma_start3A_151 = arith.constant 0 : i32
    %dma_start3A_152 = tpu.memref_slice %arg15[%dma_start3A_150, %dma_start3A_151] : memref<100096x16xf32, #tpu.memory_space<vmem_shared>> -> memref<100096x16xf32, #tpu.memory_space<vmem_shared>>
    tpu.enqueue_indirect_dma source(%dma_start3A_146 : memref<128x16xf32, #tpu.memory_space<vmem>>) target(%dma_start3A_152 : memref<100096x16xf32, #tpu.memory_space<vmem_shared>>) offsets(%dma_start3A_149 : memref<128xi32, #tpu.memory_space<vmem>>) semaphore(%arg18 : memref<!tpu.dma_semaphore, #tpu.memory_space<semaphore_mem>>) {add = true}
    %dma_start3A_153 = arith.constant 3 : i32
    %dma_start3A_154 = arith.constant 3 : i32
    %dma_start3A_155 = arith.constant 0 : i32
    %dma_start3A_156 = arith.constant 0 : i32
    %dma_start3A_157 = tpu.memref_slice %arg12[%dma_start3A_153, %dma_start3A_155, %dma_start3A_156] : memref<4x128x16xf32, #tpu.memory_space<vmem>> -> memref<1x128x16xf32, #tpu.memory_space<vmem>>
    %dma_start3A_158 = tpu.memref_squeeze %dma_start3A_157 : memref<1x128x16xf32, #tpu.memory_space<vmem>> -> memref<128x16xf32, #tpu.memory_space<vmem>>
    %dma_start3A_159 = arith.constant 0 : i32
    %dma_start3A_160 = tpu.memref_slice %arg10[%dma_start3A_154, %dma_start3A_159] : memref<4x128xi32, #tpu.memory_space<vmem>> -> memref<1x128xi32, #tpu.memory_space<vmem>>
    %dma_start3A_161 = tpu.memref_squeeze %dma_start3A_160 : memref<1x128xi32, #tpu.memory_space<vmem>> -> memref<128xi32, #tpu.memory_space<vmem>>
    %dma_start3A_162 = arith.constant 0 : i32
    %dma_start3A_163 = arith.constant 0 : i32
    %dma_start3A_164 = tpu.memref_slice %arg15[%dma_start3A_162, %dma_start3A_163] : memref<100096x16xf32, #tpu.memory_space<vmem_shared>> -> memref<100096x16xf32, #tpu.memory_space<vmem_shared>>
    tpu.enqueue_indirect_dma source(%dma_start3A_158 : memref<128x16xf32, #tpu.memory_space<vmem>>) target(%dma_start3A_164 : memref<100096x16xf32, #tpu.memory_space<vmem_shared>>) offsets(%dma_start3A_161 : memref<128xi32, #tpu.memory_space<vmem>>) semaphore(%arg18 : memref<!tpu.dma_semaphore, #tpu.memory_space<semaphore_mem>>) {add = true}
    tpu.wait_dma2 semaphore(%arg18 : memref<!tpu.dma_semaphore, #tpu.memory_space<semaphore_mem>>) src(%arg6 : memref<4x128x16xf32, #tpu.memory_space<hbm>>) dst(%arg12 : memref<4x128x16xf32, #tpu.memory_space<vmem>>)
    tpu.wait_dma2 semaphore(%arg17 : memref<!tpu.dma_semaphore, #tpu.memory_space<semaphore_mem>>) src(%arg6 : memref<4x128x16xf32, #tpu.memory_space<hbm>>) dst(%arg13 : memref<4x128x16xf32, #tpu.memory_space<vmem>>)
    %dma_start3A_165 = arith.constant 0 : i32
    %dma_start3A_166 = arith.constant 0 : i32
    %dma_start3A_167 = arith.constant 0 : i32
    %dma_start3A_168 = arith.constant 0 : i32
    %dma_start3A_169 = tpu.memref_slice %arg13[%dma_start3A_165, %dma_start3A_167, %dma_start3A_168] : memref<4x128x16xf32, #tpu.memory_space<vmem>> -> memref<1x128x16xf32, #tpu.memory_space<vmem>>
    %dma_start3A_170 = tpu.memref_squeeze %dma_start3A_169 : memref<1x128x16xf32, #tpu.memory_space<vmem>> -> memref<128x16xf32, #tpu.memory_space<vmem>>
    %dma_start3A_171 = arith.constant 0 : i32
    %dma_start3A_172 = tpu.memref_slice %arg11[%dma_start3A_166, %dma_start3A_171] : memref<4x128xi32, #tpu.memory_space<vmem>> -> memref<1x128xi32, #tpu.memory_space<vmem>>
    %dma_start3A_173 = tpu.memref_squeeze %dma_start3A_172 : memref<1x128xi32, #tpu.memory_space<vmem>> -> memref<128xi32, #tpu.memory_space<vmem>>
    %dma_start3A_174 = arith.constant 0 : i32
    %dma_start3A_175 = arith.constant 0 : i32
    %dma_start3A_176 = tpu.memref_slice %arg15[%dma_start3A_174, %dma_start3A_175] : memref<100096x16xf32, #tpu.memory_space<vmem_shared>> -> memref<100096x16xf32, #tpu.memory_space<vmem_shared>>
    tpu.enqueue_indirect_dma source(%dma_start3A_170 : memref<128x16xf32, #tpu.memory_space<vmem>>) target(%dma_start3A_176 : memref<100096x16xf32, #tpu.memory_space<vmem_shared>>) offsets(%dma_start3A_173 : memref<128xi32, #tpu.memory_space<vmem>>) semaphore(%arg19 : memref<!tpu.dma_semaphore, #tpu.memory_space<semaphore_mem>>) {add = true}
    %dma_start3A_177 = arith.constant 1 : i32
    %dma_start3A_178 = arith.constant 1 : i32
    %dma_start3A_179 = arith.constant 0 : i32
    %dma_start3A_180 = arith.constant 0 : i32
    %dma_start3A_181 = tpu.memref_slice %arg13[%dma_start3A_177, %dma_start3A_179, %dma_start3A_180] : memref<4x128x16xf32, #tpu.memory_space<vmem>> -> memref<1x128x16xf32, #tpu.memory_space<vmem>>
    %dma_start3A_182 = tpu.memref_squeeze %dma_start3A_181 : memref<1x128x16xf32, #tpu.memory_space<vmem>> -> memref<128x16xf32, #tpu.memory_space<vmem>>
    %dma_start3A_183 = arith.constant 0 : i32
    %dma_start3A_184 = tpu.memref_slice %arg11[%dma_start3A_178, %dma_start3A_183] : memref<4x128xi32, #tpu.memory_space<vmem>> -> memref<1x128xi32, #tpu.memory_space<vmem>>
    %dma_start3A_185 = tpu.memref_squeeze %dma_start3A_184 : memref<1x128xi32, #tpu.memory_space<vmem>> -> memref<128xi32, #tpu.memory_space<vmem>>
    %dma_start3A_186 = arith.constant 0 : i32
    %dma_start3A_187 = arith.constant 0 : i32
    %dma_start3A_188 = tpu.memref_slice %arg15[%dma_start3A_186, %dma_start3A_187] : memref<100096x16xf32, #tpu.memory_space<vmem_shared>> -> memref<100096x16xf32, #tpu.memory_space<vmem_shared>>
    tpu.enqueue_indirect_dma source(%dma_start3A_182 : memref<128x16xf32, #tpu.memory_space<vmem>>) target(%dma_start3A_188 : memref<100096x16xf32, #tpu.memory_space<vmem_shared>>) offsets(%dma_start3A_185 : memref<128xi32, #tpu.memory_space<vmem>>) semaphore(%arg19 : memref<!tpu.dma_semaphore, #tpu.memory_space<semaphore_mem>>) {add = true}
    %dma_start3A_189 = arith.constant 2 : i32
    %dma_start3A_190 = arith.constant 2 : i32
    %dma_start3A_191 = arith.constant 0 : i32
    %dma_start3A_192 = arith.constant 0 : i32
    %dma_start3A_193 = tpu.memref_slice %arg13[%dma_start3A_189, %dma_start3A_191, %dma_start3A_192] : memref<4x128x16xf32, #tpu.memory_space<vmem>> -> memref<1x128x16xf32, #tpu.memory_space<vmem>>
    %dma_start3A_194 = tpu.memref_squeeze %dma_start3A_193 : memref<1x128x16xf32, #tpu.memory_space<vmem>> -> memref<128x16xf32, #tpu.memory_space<vmem>>
    %dma_start3A_195 = arith.constant 0 : i32
    %dma_start3A_196 = tpu.memref_slice %arg11[%dma_start3A_190, %dma_start3A_195] : memref<4x128xi32, #tpu.memory_space<vmem>> -> memref<1x128xi32, #tpu.memory_space<vmem>>
    %dma_start3A_197 = tpu.memref_squeeze %dma_start3A_196 : memref<1x128xi32, #tpu.memory_space<vmem>> -> memref<128xi32, #tpu.memory_space<vmem>>
    %dma_start3A_198 = arith.constant 0 : i32
    %dma_start3A_199 = arith.constant 0 : i32
    %dma_start3A_200 = tpu.memref_slice %arg15[%dma_start3A_198, %dma_start3A_199] : memref<100096x16xf32, #tpu.memory_space<vmem_shared>> -> memref<100096x16xf32, #tpu.memory_space<vmem_shared>>
    tpu.enqueue_indirect_dma source(%dma_start3A_194 : memref<128x16xf32, #tpu.memory_space<vmem>>) target(%dma_start3A_200 : memref<100096x16xf32, #tpu.memory_space<vmem_shared>>) offsets(%dma_start3A_197 : memref<128xi32, #tpu.memory_space<vmem>>) semaphore(%arg19 : memref<!tpu.dma_semaphore, #tpu.memory_space<semaphore_mem>>) {add = true}
    %dma_start3A_201 = arith.constant 3 : i32
    %dma_start3A_202 = arith.constant 3 : i32
    %dma_start3A_203 = arith.constant 0 : i32
    %dma_start3A_204 = arith.constant 0 : i32
    %dma_start3A_205 = tpu.memref_slice %arg13[%dma_start3A_201, %dma_start3A_203, %dma_start3A_204] : memref<4x128x16xf32, #tpu.memory_space<vmem>> -> memref<1x128x16xf32, #tpu.memory_space<vmem>>
    %dma_start3A_206 = tpu.memref_squeeze %dma_start3A_205 : memref<1x128x16xf32, #tpu.memory_space<vmem>> -> memref<128x16xf32, #tpu.memory_space<vmem>>
    %dma_start3A_207 = arith.constant 0 : i32
    %dma_start3A_208 = tpu.memref_slice %arg11[%dma_start3A_202, %dma_start3A_207] : memref<4x128xi32, #tpu.memory_space<vmem>> -> memref<1x128xi32, #tpu.memory_space<vmem>>
    %dma_start3A_209 = tpu.memref_squeeze %dma_start3A_208 : memref<1x128xi32, #tpu.memory_space<vmem>> -> memref<128xi32, #tpu.memory_space<vmem>>
    %dma_start3A_210 = arith.constant 0 : i32
    %dma_start3A_211 = arith.constant 0 : i32
    %dma_start3A_212 = tpu.memref_slice %arg15[%dma_start3A_210, %dma_start3A_211] : memref<100096x16xf32, #tpu.memory_space<vmem_shared>> -> memref<100096x16xf32, #tpu.memory_space<vmem_shared>>
    tpu.enqueue_indirect_dma source(%dma_start3A_206 : memref<128x16xf32, #tpu.memory_space<vmem>>) target(%dma_start3A_212 : memref<100096x16xf32, #tpu.memory_space<vmem_shared>>) offsets(%dma_start3A_209 : memref<128xi32, #tpu.memory_space<vmem>>) semaphore(%arg19 : memref<!tpu.dma_semaphore, #tpu.memory_space<semaphore_mem>>) {add = true}
    tpu.wait_dma2 semaphore(%arg19 : memref<!tpu.dma_semaphore, #tpu.memory_space<semaphore_mem>>) src(%arg6 : memref<4x128x16xf32, #tpu.memory_space<hbm>>) dst(%arg13 : memref<4x128x16xf32, #tpu.memory_space<vmem>>)
    %barrier3A_213 = arith.constant 0 : index
    tpu.barrier barrier_id(%barrier3A_213)
    %mul3A_214 = arith.constant 6256 : i32
    %mul3A_215 = arith.muli %arg1, %mul3A_214 : i32
    %mul3A_216 = arith.constant 6256 : i32
    %mul3A_217 = arith.muli %arg1, %mul3A_216 : i32
    "tpu.region"() ({
      %run_scoped3A = tpu.sem_alloc : memref<!tpu.dma_semaphore, #tpu.memory_space<semaphore_mem>>
      %dma_start3A_218 = arith.constant 0 : i32
      %dma_start3A_219 = tpu.memref_slice %arg7[%arg0, %mul3A_217, %dma_start3A_218] : memref<2x100096x16xf32, #tpu.memory_space<hbm>> -> memref<1x6256x16xf32, #tpu.memory_space<hbm>>
      %dma_start3A_220 = tpu.memref_squeeze %dma_start3A_219 : memref<1x6256x16xf32, #tpu.memory_space<hbm>> -> memref<6256x16xf32, #tpu.memory_space<hbm>>
      %dma_start3A_221 = arith.constant 0 : i32
      %dma_start3A_222 = tpu.memref_slice %arg15[%mul3A_215, %dma_start3A_221] : memref<100096x16xf32, #tpu.memory_space<vmem_shared>> -> memref<6256x16xf32, #tpu.memory_space<vmem_shared>>
      tpu.enqueue_dma source(%dma_start3A_222 : memref<6256x16xf32, #tpu.memory_space<vmem_shared>>) target(%dma_start3A_220 : memref<6256x16xf32, #tpu.memory_space<hbm>>) target_semaphore(%run_scoped3A : memref<!tpu.dma_semaphore, #tpu.memory_space<semaphore_mem>>)
      %dma_wait3A = arith.constant 0 : i32
      %dma_wait3A_223 = tpu.memref_slice %arg7[%arg0, %mul3A_217, %dma_wait3A] : memref<2x100096x16xf32, #tpu.memory_space<hbm>> -> memref<1x6256x16xf32, #tpu.memory_space<hbm>>
      %dma_wait3A_224 = tpu.memref_squeeze %dma_wait3A_223 : memref<1x6256x16xf32, #tpu.memory_space<hbm>> -> memref<6256x16xf32, #tpu.memory_space<hbm>>
      %dma_wait3A_225 = arith.constant 0 : i32
      %dma_wait3A_226 = tpu.memref_slice %arg15[%mul3A_215, %dma_wait3A_225] : memref<100096x16xf32, #tpu.memory_space<vmem_shared>> -> memref<6256x16xf32, #tpu.memory_space<vmem_shared>>
      tpu.wait_dma2 semaphore(%run_scoped3A : memref<!tpu.dma_semaphore, #tpu.memory_space<semaphore_mem>>) src(%dma_wait3A_226 : memref<6256x16xf32, #tpu.memory_space<vmem_shared>>) dst(%dma_wait3A_224 : memref<6256x16xf32, #tpu.memory_space<hbm>>)
      tpu.yield
    }) : () -> ()
    return
  }
}

module attributes {stable_mosaic.version = 14 : i64} {
  func.func @_tc1_body(%arg0: i32, %arg1: memref<2x1000x128xf32, #tpu.memory_space<vmem>>, %arg2: memref<2x1000x128xf32, #tpu.memory_space<vmem>>, %arg3: memref<1000x128xf32, #tpu.memory_space<vmem>>, %arg4: memref<128x256xf32, #tpu.memory_space<vmem>>, %arg5: memref<1x256xf32, #tpu.memory_space<vmem>>, %arg6: memref<128x256xf32, #tpu.memory_space<vmem>>, %arg7: memref<256x128xf32, #tpu.memory_space<vmem>>, %arg8: memref<1000x256xf32, #tpu.memory_space<vmem>>, %arg9: memref<1000x128xf32, #tpu.memory_space<vmem>>) attributes {dimension_semantics = [#tpu.dimension_semantics<arbitrary>], iteration_bounds = array<i64: 13>, scalar_prefetch = 0 : i64, scratch_operands = 0 : i64, tpu.core_type = #tpu.core_type<tc>, window_params = [{transform_indices = @transform_0, window_bounds = array<i64: 2, 1000, 128>}, {transform_indices = @transform_1, window_bounds = array<i64: 2, 1000, 128>}, {transform_indices = @transform_2, window_bounds = array<i64: 1000, 128>}, {pipeline_mode = #tpu.pipeline_mode<synchronous>, transform_indices = @transform_3, window_bounds = array<i64: 128, 256>}, {pipeline_mode = #tpu.pipeline_mode<synchronous>, transform_indices = @transform_4, window_bounds = array<i64: 1, 256>}, {pipeline_mode = #tpu.pipeline_mode<synchronous>, transform_indices = @transform_5, window_bounds = array<i64: 128, 256>}, {pipeline_mode = #tpu.pipeline_mode<synchronous>, transform_indices = @transform_6, window_bounds = array<i64: 256, 128>}, {transform_indices = @transform_7, window_bounds = array<i64: 1000, 256>}, {transform_indices = @transform_8, window_bounds = array<i64: 1000, 128>}]} {
    %get3A = arith.constant 0 : index
    %get3A_0 = arith.constant 0 : index
    %get3A_1 = arith.constant 0 : index
    %get3A_2 = vector.load %arg1[%get3A, %get3A_0, %get3A_1] : memref<2x1000x128xf32, #tpu.memory_space<vmem>>, vector<1x1000x128xf32>
    %get3A_3 = vector.shape_cast %get3A_2 : vector<1x1000x128xf32> to vector<1000x128xf32>
    %get3A_4 = arith.constant 1 : index
    %get3A_5 = arith.constant 0 : index
    %get3A_6 = arith.constant 0 : index
    %get3A_7 = vector.load %arg1[%get3A_4, %get3A_5, %get3A_6] : memref<2x1000x128xf32, #tpu.memory_space<vmem>>, vector<1x1000x128xf32>
    %get3A_8 = vector.shape_cast %get3A_7 : vector<1x1000x128xf32> to vector<1000x128xf32>
    %add3A = arith.addf %get3A_3, %get3A_8 : vector<1000x128xf32>
    %get3A_9 = arith.constant 0 : index
    %get3A_10 = arith.constant 0 : index
    %get3A_11 = arith.constant 0 : index
    %get3A_12 = vector.load %arg2[%get3A_9, %get3A_10, %get3A_11] : memref<2x1000x128xf32, #tpu.memory_space<vmem>>, vector<1x1000x128xf32>
    %get3A_13 = vector.shape_cast %get3A_12 : vector<1x1000x128xf32> to vector<1000x128xf32>
    %get3A_14 = arith.constant 1 : index
    %get3A_15 = arith.constant 0 : index
    %get3A_16 = arith.constant 0 : index
    %get3A_17 = vector.load %arg2[%get3A_14, %get3A_15, %get3A_16] : memref<2x1000x128xf32, #tpu.memory_space<vmem>>, vector<1x1000x128xf32>
    %get3A_18 = vector.shape_cast %get3A_17 : vector<1x1000x128xf32> to vector<1000x128xf32>
    %add3A_19 = arith.addf %get3A_13, %get3A_18 : vector<1000x128xf32>
    %max3A = arith.constant 1.000000e+00 : f32
    %max3A_20 = vector.broadcast %max3A : f32 to vector<1000x128xf32>
    %max3A_21 = arith.maximumf %add3A_19, %max3A_20 : vector<1000x128xf32>
    %div3A = arith.divf %add3A, %max3A_21 : vector<1000x128xf32>
    %get3A_22 = arith.constant 0 : index
    %get3A_23 = arith.constant 0 : index
    %get3A_24 = vector.load %arg4[%get3A_22, %get3A_23] : memref<128x256xf32, #tpu.memory_space<vmem>>, vector<128x256xf32>
    %dot_general3A = arith.constant dense<0.000000e+00> : vector<1000x256xf32>
    %dot_general3A_25 = tpu.matmul %div3A, %get3A_24, %dot_general3A {dimension_numbers = #tpu.dot_dimension_numbers<[1], [0], [0], [1], [0, 0, 1, 1], [], []>, transpose_lhs_hint = false} : vector<1000x128xf32>, vector<128x256xf32>, vector<1000x256xf32> -> vector<1000x256xf32>
    %get3A_26 = arith.constant 0 : index
    %get3A_27 = arith.constant 0 : index
    %get3A_28 = vector.load %arg5[%get3A_26, %get3A_27] : memref<1x256xf32, #tpu.memory_space<vmem>>, vector<1x256xf32>
    %add3A_29 = vector.broadcast %get3A_28 : vector<1x256xf32> to vector<1000x256xf32>
    %add3A_30 = arith.addf %dot_general3A_25, %add3A_29 : vector<1000x256xf32>
    %get3A_31 = arith.constant 0 : index
    %get3A_32 = arith.constant 0 : index
    %get3A_33 = vector.load %arg3[%get3A_31, %get3A_32] : memref<1000x128xf32, #tpu.memory_space<vmem>>, vector<1000x128xf32>
    %get3A_34 = arith.constant 0 : index
    %get3A_35 = arith.constant 0 : index
    %get3A_36 = vector.load %arg6[%get3A_34, %get3A_35] : memref<128x256xf32, #tpu.memory_space<vmem>>, vector<128x256xf32>
    %dot_general3A_37 = arith.constant dense<0.000000e+00> : vector<1000x256xf32>
    %dot_general3A_38 = tpu.matmul %get3A_33, %get3A_36, %dot_general3A_37 {dimension_numbers = #tpu.dot_dimension_numbers<[1], [0], [0], [1], [0, 0, 1, 1], [], []>, transpose_lhs_hint = false} : vector<1000x128xf32>, vector<128x256xf32>, vector<1000x256xf32> -> vector<1000x256xf32>
    %add3A_39 = arith.addf %add3A_30, %dot_general3A_38 : vector<1000x256xf32>
    %max3A_40 = arith.constant 0.000000e+00 : f32
    %max3A_41 = vector.broadcast %max3A_40 : f32 to vector<1000x256xf32>
    %max3A_42 = arith.maximumf %add3A_39, %max3A_41 : vector<1000x256xf32>
    %swap3A = arith.constant 0 : index
    %swap3A_43 = arith.constant 0 : index
    %swap3A_44 = vector.load %arg8[%swap3A, %swap3A_43] : memref<1000x256xf32, #tpu.memory_space<vmem>>, vector<1000x256xf32>
    tpu.vector_store %arg8[%swap3A, %swap3A_43], %max3A_42 {strides = array<i32>} : memref<1000x256xf32, #tpu.memory_space<vmem>>, vector<1000x256xf32>,
    %get3A_45 = arith.constant 0 : index
    %get3A_46 = arith.constant 0 : index
    %get3A_47 = vector.load %arg7[%get3A_45, %get3A_46] : memref<256x128xf32, #tpu.memory_space<vmem>>, vector<256x128xf32>
    %dot_general3A_48 = arith.constant dense<0.000000e+00> : vector<1000x128xf32>
    %dot_general3A_49 = tpu.matmul %max3A_42, %get3A_47, %dot_general3A_48 {dimension_numbers = #tpu.dot_dimension_numbers<[1], [0], [0], [1], [0, 0, 1, 1], [], []>, transpose_lhs_hint = false} : vector<1000x256xf32>, vector<256x128xf32>, vector<1000x128xf32> -> vector<1000x128xf32>
    %swap3A_50 = arith.constant 0 : index
    %swap3A_51 = arith.constant 0 : index
    %swap3A_52 = vector.load %arg9[%swap3A_50, %swap3A_51] : memref<1000x128xf32, #tpu.memory_space<vmem>>, vector<1000x128xf32>
    tpu.vector_store %arg9[%swap3A_50, %swap3A_51], %dot_general3A_49 {strides = array<i32>} : memref<1000x128xf32, #tpu.memory_space<vmem>>, vector<1000x128xf32>,
    return
  }
  func.func @transform_0(%arg0: i32) -> (i32, i32, i32) {
    %c0_i32 = arith.constant 0 : i32
    %c0_i32_0 = arith.constant 0 : i32
    %c0_i32_1 = arith.constant 0 : i32
    return %c0_i32, %arg0, %c0_i32_0 : i32, i32, i32
  }
  func.func @transform_1(%arg0: i32) -> (i32, i32, i32) {
    %c0_i32 = arith.constant 0 : i32
    %c0_i32_0 = arith.constant 0 : i32
    %c0_i32_1 = arith.constant 0 : i32
    return %c0_i32, %arg0, %c0_i32_0 : i32, i32, i32
  }
  func.func @transform_2(%arg0: i32) -> (i32, i32) {
    %c0_i32 = arith.constant 0 : i32
    %c0_i32_0 = arith.constant 0 : i32
    return %arg0, %c0_i32 : i32, i32
  }
  func.func @transform_3(%arg0: i32) -> (i32, i32) {
    %c0_i32 = arith.constant 0 : i32
    %c0_i32_0 = arith.constant 0 : i32
    %c0_i32_1 = arith.constant 0 : i32
    return %c0_i32, %c0_i32_0 : i32, i32
  }
  func.func @transform_4(%arg0: i32) -> (i32, i32) {
    %c0_i32 = arith.constant 0 : i32
    %c0_i32_0 = arith.constant 0 : i32
    %c0_i32_1 = arith.constant 0 : i32
    return %c0_i32, %c0_i32_0 : i32, i32
  }
  func.func @transform_5(%arg0: i32) -> (i32, i32) {
    %c0_i32 = arith.constant 0 : i32
    %c0_i32_0 = arith.constant 0 : i32
    %c0_i32_1 = arith.constant 0 : i32
    return %c0_i32, %c0_i32_0 : i32, i32
  }
  func.func @transform_6(%arg0: i32) -> (i32, i32) {
    %c0_i32 = arith.constant 0 : i32
    %c0_i32_0 = arith.constant 0 : i32
    %c0_i32_1 = arith.constant 0 : i32
    return %c0_i32, %c0_i32_0 : i32, i32
  }
  func.func @transform_7(%arg0: i32) -> (i32, i32) {
    %c0_i32 = arith.constant 0 : i32
    %c0_i32_0 = arith.constant 0 : i32
    return %arg0, %c0_i32 : i32, i32
  }
  func.func @transform_8(%arg0: i32) -> (i32, i32) {
    %c0_i32 = arith.constant 0 : i32
    %c0_i32_0 = arith.constant 0 : i32
    return %arg0, %c0_i32 : i32, i32
  }
}

module attributes {stable_mosaic.version = 14 : i64} {
  func.func @_tc2_body(%arg0: i32, %arg1: memref<2x1000x128xf32, #tpu.memory_space<vmem>>, %arg2: memref<2x1000x128xf32, #tpu.memory_space<vmem>>, %arg3: memref<1000x256xf32, #tpu.memory_space<vmem>>, %arg4: memref<256x128xf32, #tpu.memory_space<vmem>>, %arg5: memref<1x128xf32, #tpu.memory_space<vmem>>, %arg6: memref<1000x128xf32, #tpu.memory_space<vmem>>) attributes {dimension_semantics = [#tpu.dimension_semantics<arbitrary>], iteration_bounds = array<i64: 13>, scalar_prefetch = 0 : i64, scratch_operands = 0 : i64, tpu.core_type = #tpu.core_type<tc>, window_params = [{transform_indices = @transform_0, window_bounds = array<i64: 2, 1000, 128>}, {transform_indices = @transform_1, window_bounds = array<i64: 2, 1000, 128>}, {transform_indices = @transform_2, window_bounds = array<i64: 1000, 256>}, {pipeline_mode = #tpu.pipeline_mode<synchronous>, transform_indices = @transform_3, window_bounds = array<i64: 256, 128>}, {pipeline_mode = #tpu.pipeline_mode<synchronous>, transform_indices = @transform_4, window_bounds = array<i64: 1, 128>}, {transform_indices = @transform_5, window_bounds = array<i64: 1000, 128>}]} {
    %get3A = arith.constant 0 : index
    %get3A_0 = arith.constant 0 : index
    %get3A_1 = arith.constant 0 : index
    %get3A_2 = vector.load %arg1[%get3A, %get3A_0, %get3A_1] : memref<2x1000x128xf32, #tpu.memory_space<vmem>>, vector<1x1000x128xf32>
    %get3A_3 = vector.shape_cast %get3A_2 : vector<1x1000x128xf32> to vector<1000x128xf32>
    %get3A_4 = arith.constant 1 : index
    %get3A_5 = arith.constant 0 : index
    %get3A_6 = arith.constant 0 : index
    %get3A_7 = vector.load %arg1[%get3A_4, %get3A_5, %get3A_6] : memref<2x1000x128xf32, #tpu.memory_space<vmem>>, vector<1x1000x128xf32>
    %get3A_8 = vector.shape_cast %get3A_7 : vector<1x1000x128xf32> to vector<1000x128xf32>
    %add3A = arith.addf %get3A_3, %get3A_8 : vector<1000x128xf32>
    %get3A_9 = arith.constant 0 : index
    %get3A_10 = arith.constant 0 : index
    %get3A_11 = arith.constant 0 : index
    %get3A_12 = vector.load %arg2[%get3A_9, %get3A_10, %get3A_11] : memref<2x1000x128xf32, #tpu.memory_space<vmem>>, vector<1x1000x128xf32>
    %get3A_13 = vector.shape_cast %get3A_12 : vector<1x1000x128xf32> to vector<1000x128xf32>
    %get3A_14 = arith.constant 1 : index
    %get3A_15 = arith.constant 0 : index
    %get3A_16 = arith.constant 0 : index
    %get3A_17 = vector.load %arg2[%get3A_14, %get3A_15, %get3A_16] : memref<2x1000x128xf32, #tpu.memory_space<vmem>>, vector<1x1000x128xf32>
    %get3A_18 = vector.shape_cast %get3A_17 : vector<1x1000x128xf32> to vector<1000x128xf32>
    %add3A_19 = arith.addf %get3A_13, %get3A_18 : vector<1000x128xf32>
    %max3A = arith.constant 1.000000e+00 : f32
    %max3A_20 = vector.broadcast %max3A : f32 to vector<1000x128xf32>
    %max3A_21 = arith.maximumf %add3A_19, %max3A_20 : vector<1000x128xf32>
    %div3A = arith.divf %add3A, %max3A_21 : vector<1000x128xf32>
    %get3A_22 = arith.constant 0 : index
    %get3A_23 = arith.constant 0 : index
    %get3A_24 = vector.load %arg5[%get3A_22, %get3A_23] : memref<1x128xf32, #tpu.memory_space<vmem>>, vector<1x128xf32>
    %add3A_25 = vector.broadcast %get3A_24 : vector<1x128xf32> to vector<1000x128xf32>
    %add3A_26 = arith.addf %div3A, %add3A_25 : vector<1000x128xf32>
    %get3A_27 = arith.constant 0 : index
    %get3A_28 = arith.constant 0 : index
    %get3A_29 = vector.load %arg3[%get3A_27, %get3A_28] : memref<1000x256xf32, #tpu.memory_space<vmem>>, vector<1000x256xf32>
    %get3A_30 = arith.constant 0 : index
    %get3A_31 = arith.constant 0 : index
    %get3A_32 = vector.load %arg4[%get3A_30, %get3A_31] : memref<256x128xf32, #tpu.memory_space<vmem>>, vector<256x128xf32>
    %dot_general3A = arith.constant dense<0.000000e+00> : vector<1000x128xf32>
    %dot_general3A_33 = tpu.matmul %get3A_29, %get3A_32, %dot_general3A {dimension_numbers = #tpu.dot_dimension_numbers<[1], [0], [0], [1], [0, 0, 1, 1], [], []>, transpose_lhs_hint = false} : vector<1000x256xf32>, vector<256x128xf32>, vector<1000x128xf32> -> vector<1000x128xf32>
    %add3A_34 = arith.addf %add3A_26, %dot_general3A_33 : vector<1000x128xf32>
    %swap3A = arith.constant 0 : index
    %swap3A_35 = arith.constant 0 : index
    %swap3A_36 = vector.load %arg6[%swap3A, %swap3A_35] : memref<1000x128xf32, #tpu.memory_space<vmem>>, vector<1000x128xf32>
    tpu.vector_store %arg6[%swap3A, %swap3A_35], %add3A_34 {strides = array<i32>} : memref<1000x128xf32, #tpu.memory_space<vmem>>, vector<1000x128xf32>,
    return
  }
  func.func @transform_0(%arg0: i32) -> (i32, i32, i32) {
    %c0_i32 = arith.constant 0 : i32
    %c0_i32_0 = arith.constant 0 : i32
    %c0_i32_1 = arith.constant 0 : i32
    return %c0_i32, %arg0, %c0_i32_0 : i32, i32, i32
  }
  func.func @transform_1(%arg0: i32) -> (i32, i32, i32) {
    %c0_i32 = arith.constant 0 : i32
    %c0_i32_0 = arith.constant 0 : i32
    %c0_i32_1 = arith.constant 0 : i32
    return %c0_i32, %arg0, %c0_i32_0 : i32, i32, i32
  }
  func.func @transform_2(%arg0: i32) -> (i32, i32) {
    %c0_i32 = arith.constant 0 : i32
    %c0_i32_0 = arith.constant 0 : i32
    return %arg0, %c0_i32 : i32, i32
  }
  func.func @transform_3(%arg0: i32) -> (i32, i32) {
    %c0_i32 = arith.constant 0 : i32
    %c0_i32_0 = arith.constant 0 : i32
    %c0_i32_1 = arith.constant 0 : i32
    return %c0_i32, %c0_i32_0 : i32, i32
  }
  func.func @transform_4(%arg0: i32) -> (i32, i32) {
    %c0_i32 = arith.constant 0 : i32
    %c0_i32_0 = arith.constant 0 : i32
    %c0_i32_1 = arith.constant 0 : i32
    return %c0_i32, %c0_i32_0 : i32, i32
  }
  func.func @transform_5(%arg0: i32) -> (i32, i32) {
    %c0_i32 = arith.constant 0 : i32
    %c0_i32_0 = arith.constant 0 : i32
    return %arg0, %c0_i32 : i32, i32
  }
}

</mosaic_0001>

<sc_bundles>
// kernel: kernel.10.cloned.1.call-start
scs
__scs_entry_jumppad:
0x0: {  	(pc) =	sbr.rel $0x88, $3  }
0x1: {  	(tag) =	ssettag $0x0;
	lr =	simm.s32 $0x1  }
0x2: {  	[smem:$0x3F99] =	sst lr;
	_ =	strace $0xD0000000  }
0x3: {  	_ = 	snop  }
0x4: {  	_ = 	snop  }
0x5: {  	_ = 	snop  }
0x6: {  	_ = 	snop  }
0x7: {  	_ = 	snop  }
__scs_overlays_trampoline_lowered:
0x8: {  	[smem:$0x3FA8] =	sst s0  }
0x9: {  	[smem:$0x3FA9] =	sst s1  }
0xa: {  	[smem:$0x3FAA] =	sst s2  }
0xb: {  	[smem:$0x3FAB] =	sst s3  }
0xc: {  	[smem:$0x3FAC] =	sst s4  }
0xd: {  	[smem:$0x3FAD] =	sst s5  }
0xe: {  	[smem:$0x3FAE] =	sst s6  }
0xf: {  	[smem:$0x3FAF] =	sst s7  }
0x10: {  	[smem:$0x3FB0] =	sst s8  }
0x11: {  	[smem:$0x3FB1] =	sst s9;
	s0 =	simm.s32 @!p0 $0x0  }
0x12: {  	s1 =	sld [smem:$0x3F97];
	s0 =	simm.s32 @p0 $0x1  }
0x13: {  	[smem:$0x3FB2] =	sst s0;
	s0 =	simm.s32 @!p1 $0x0  }
0x14: {  	s2 =	sld [smem:$0x3F96];
	s0 =	simm.s32 @p1 $0x1  }
0x15: {  	[smem:$0x3FB3] =	sst s0;
	s0 =	simm.s32 @!p2 $0x0  }
0x16: {  	s3 =	sld [smem:$0x3FDB];
	s0 =	simm.s32 @p2 $0x1  }
0x17: {  	s4 =	simm.s32 $0x1BF5;
	[smem:$0x3FB5] =	sst s0  }
0x18: {  	s0 =	sld [smem:$0x3F98];
	_ =	swait.ge [sflag:s4], $0x0  }
0x19: {  	s7 =	sld [smem:$0x3F99]  }
0x1a: {  	s8 =	sadd.s32 $0xFFFFE003, lr  }
0x1b: {  	s9 =	sadd.s32 $0xFFFFFEF7, lr;
	s5 =	simm.s32 $0xFFFFFFFF;
	p2 =	slt.u32 s8, $0xFFFFF086  }
0x1c: {  	p1 =	slt.u32 s9, $0xF7A;
	s5 =	simm.s32 @!p2 $0x0  }
0x1d: {  	s5 =	simm.s32 @p1 $0x1;
	p0 =	seq.s32 s7, s2  }
0x1e: {  	s7 =	smul.u32 @!p0 $0xF7A, s2;
	p2 =	seq.s32 @!p0 s5, $0x0  }
0x1f: {  	s9 =	smul.u32 $0xF7A, s1;
	s8 =	simm.s32 @!p0 $0x1BF5;
	p2 =	por !p2, p0  }
0x20: {  	[sflag:s8] =	ssyncset.s32 @!p0 $0xFFFFF086;
	s6 =	sadd.s32 @!p0 s3, s7;
	s7 =	simm.s32 @!p0 $0x108  }
0x21: {  	s3 =	sadd.s32 s3, s9;
	s6 =	sadd.s32 @!p0 $0x88, s6;
	s7 =	simm.s32 @p2 $0x1082  }
0x22: {  	[simem:s7], [sflag:s8] =	dma.local @!p0 [hbm:s6], $0xF7A  }
0x23: {  	s9 =	sor.u32 $0xD0000000, s2;
	s6 =	simm.s32 $0x108;
	_ =	swait.ge @!p0 [sflag:s8], $0x0  }
0x24: {  	s3 =	sadd.s32 $0x88, s3;
	s6 =	simm.s32 @!p1 $0x1082;
	[sflag:s4] =	ssyncset.s32 $0xFFFFF086  }
0x25: {  	[simem:s6], [sflag:s4] =	dma.local [hbm:s3], $0xF7A  }
0x26: {  	[smem:$0x3F99] =	sst s1;
	(tag) =	ssettag s2;
	_ =	strace s9  }
0x27: {  	s1 =	sld [smem:$0x3FA9]  }
0x28: {  	s2 =	sld [smem:$0x3FAA]  }
0x29: {  	s4 =	sld [smem:$0x3FAC]  }
0x2a: {  	p0 =	seq.s32 s5, $0x0;
	s5 =	sld [smem:$0x3FAD]  }
0x2b: {  	s6 =	sld [smem:$0x3FAE]  }
0x2c: {  	s7 =	sld [smem:$0x3FAF]  }
0x2d: {  	s3 =	simm.s32 $0x108;
	s8 =	sld [smem:$0x3FB0]  }
0x2e: {  	s3 =	simm.s32 @!p0 $0x1082;
	s9 =	sld [smem:$0x3FB1]  }
0x2f: {  	lr =	sadd.s32 s0, s3;
	s0 =	sld [smem:$0x3FA8]  }
0x30: {  	s3 =	sld [smem:$0x3FAB]  }
0x31: {  	[smem:$0x3FB4] =	sst s10  }
0x32: {  	s10 =	sld [smem:$0x3FB2];
	_ =	sdelay $0x3  }
0x33: {  	p0 =	seq.s32 s10, $0x1;
	s10 =	sld [smem:$0x3FB4];
	_ =	sdelay $0x3  }
0x34: {  	[smem:$0x3FB4] =	sst s10  }
0x35: {  	s10 =	sld [smem:$0x3FB3];
	_ =	sdelay $0x3  }
0x36: {  	p1 =	seq.s32 s10, $0x1;
	s10 =	sld [smem:$0x3FB4];
	_ =	sdelay $0x3  }
0x37: {  	[smem:$0x3FB4] =	sst s10  }
0x38: {  	s10 =	sld [smem:$0x3FB5]  }
0x39: {  	_ = 	snop;
	(pc) =	sbr.ind lr, $3  }
0x3a: {  	_ = 	snop  }
0x3b: {  	_ = 	snop  }
0x3c: {  	p2 =	seq.s32 s10, $0x1;
	s10 =	sld [smem:$0x3FB4]  }
0x3d: {  	_ =	shalt  }
0x3e: {  	_ =	shalt  }
0x3f: {  	_ =	shalt  }
0x40: {  	_ =	shalt  }
0x41: {  	_ =	shalt  }
0x42: {  	_ =	shalt  }
0x43: {  	_ =	shalt  }
0x44: {  	_ =	shalt  }
0x45: {  	_ =	shalt  }
0x46: {  	_ =	shalt  }
0x47: {  	_ =	shalt  }
0x48: {  	_ =	shalt  }
0x49: {  	_ =	shalt  }
0x4a: {  	_ =	shalt  }
0x4b: {  	_ =	shalt  }
0x4c: {  	_ =	shalt  }
0x4d: {  	_ =	shalt  }
0x4e: {  	_ =	shalt  }
0x4f: {  	_ =	shalt  }
0x50: {  	_ =	shalt  }
0x51: {  	_ =	shalt  }
0x52: {  	_ =	shalt  }
0x53: {  	_ =	shalt  }
0x54: {  	_ =	shalt  }
0x55: {  	_ =	shalt  }
0x56: {  	_ =	shalt  }
0x57: {  	_ =	shalt  }
0x58: {  	_ =	shalt  }
0x59: {  	_ =	shalt  }
0x5a: {  	_ =	shalt  }
0x5b: {  	_ =	shalt  }
0x5c: {  	_ =	shalt  }
0x5d: {  	_ =	shalt  }
0x5e: {  	_ =	shalt  }
0x5f: {  	_ =	shalt  }
0x60: {  	_ =	shalt  }
0x61: {  	_ =	shalt  }
0x62: {  	_ =	shalt  }
0x63: {  	_ =	shalt  }
0x64: {  	_ =	shalt  }
0x65: {  	_ =	shalt  }
0x66: {  	_ =	shalt  }
0x67: {  	_ =	shalt  }
0x68: {  	_ =	shalt  }
0x69: {  	_ =	shalt  }
0x6a: {  	_ =	shalt  }
0x6b: {  	_ =	shalt  }
0x6c: {  	_ =	shalt  }
0x6d: {  	_ =	shalt  }
0x6e: {  	_ =	shalt  }
0x6f: {  	_ =	shalt  }
0x70: {  	_ =	shalt  }
0x71: {  	_ =	shalt  }
0x72: {  	_ =	shalt  }
0x73: {  	_ =	shalt  }
0x74: {  	_ =	shalt  }
0x75: {  	_ =	shalt  }
0x76: {  	_ =	shalt  }
0x77: {  	_ =	shalt  }
0x78: {  	_ =	shalt  }
0x79: {  	_ =	shalt  }
0x7a: {  	_ =	shalt  }
0x7b: {  	_ =	shalt  }
0x7c: {  	_ =	shalt  }
0x7d: {  	_ =	shalt  }
0x7e: {  	_ =	shalt  }
0x7f: {  	_ =	shalt  }
0x80: {  	_ =	shalt  }
0x81: {  	_ =	shalt  }
0x82: {  	_ =	shalt  }
0x83: {  	_ =	shalt  }
0x84: {  	_ =	shalt  }
0x85: {  	_ =	shalt  }
0x86: {  	_ =	shalt  }
0x87: {  	_ =	shalt  }
.Lfunc_end0:
.L_simem_size_0:
called_computation.1_lowered:
.L_overlay_start_0:
0x88: {  	s2 =	sld [smem:$0x3FD9]  }
0x89: {  	s3 =	sld [smem:$0x3FFE];
	_ =	sdelay $0x1  }
0x8a: {  	s1 =	srdreg.scid  }
0x8b: {  	s0 =	sand.u32 $0x1, s1  }
0x8c: {  	s17 =	sshll.u32 s0, $0xA;
	s2 =	sadd.s32 s3, s2  }
0x8d: {  	s2 =	sadd.s32 s2, s17  }
0x8e: {  	[smem:$0x3FC0] =	sst s2  }
0x8f: {  	_ = 	snop  }
0x90: {  	s18 =	sld [smem:$0x3FD0];
	(tm) =	ssettm $0x1  }
0x91: {  	s19 =	sld [smem:$0x3FFB];
	_ =	sdelay $0x3  }
0x92: {  	_ =	strace s19  }
0x93: {  	s2 =	sld [smem:$0x3FFC];
	_ =	sdelay $0x3  }
0x94: {  	_ =	strace s2  }
0x95: {  	s2 =	sld [smem:$0x3FFD];
	_ =	sdelay $0x3  }
0x96: {  	_ =	strace s2  }
0x97: {  	_ =	strace $0x8FFFFFFF  }
0x98: {  	s20 =	sld [smem:$0x3FDB];
	_ =	sdelay $0x1  }
0x99: {  	s4 =	simm.s32 $_scs_section_size  }
0x9a: {  	s5 =	simm.s32 $_size__tile_overlayer_lowered;
	s6 =	simm.s32 $_tile_overlayer_lowered  }
0x9b: {  	s7 =	simm.s32 $0x1BFF;
	s21 =	sshll.u32 s6, $0x1;
	s4 =	sadd.s32 s4, s20  }
0x9c: {  	s22 =	simm.s32 $0x0;
	s5 =	sshll.u32 s5, $0x1;
	s6 =	sadd.s32 s21, s4  }
0x9d: {  	[timem:s22], [sflag:s7] =	dma.local [hbm:s6], s5  }
0x9e: {  	_ =	swait.ge [sflag:s7], s5  }
0x9f: {  	s5 =	ssub.s32 $0x0, s5;
	[sflag:s7] =	ssyncset.done $0x0  }
0xa0: {  	[sflag:s7] =	ssyncadd.s32 s5;
	_ =	sdelay $0x1  }
0xa1: {  	s23 =	simm.s32 $0x1B8B  }
0xa2: {  	_ =	swait.ge [sflag:s23], $0x1  }
0xa3: {  	[sflag:s23] =	ssyncset.done $0x0  }
0xa4: {  	[sflag:s23] =	ssyncadd.s32 $0xFFFFFFFF  }
0xa5: {  	s5 =	sld [smem:$0x0]  }
0xa6: {  	s6 =	sand.u32 $0xFFFFFFFE, s1  }
0xa7: {  	p0 =	sne.s32 s1, s6  }
0xa8: {  	s6 =	sshll.u32 @p0 s6, $0xE  }
0xa9: {  	s6 =	sadd.s32 @p0 $0x11B8D, s6;
	s7 =	sshll.u32 @p0 s5, $0x11  }
0xaa: {  	s6 =	sor.u32 @p0 s7, s6  }
0xab: {  	[sflag:s6] =	ssyncadd.remote.s32 @p0 $0x1;
	_ =	sdelay $0x1  }
0xac: {  	s6 =	simm.s32 @p0 $0x1B8D  }
0xad: {  	_ =	swait.eq @p0 [sflag:s6], $0x1  }
0xae: {  	[sflag:s6] =	ssyncadd.s32 @p0 $0xFFFFFFFF  }
0xaf: {  	s7 =	sshll.u32 @!p0 s1, $0xE  }
0xb0: {  	s7 =	sor.u32 @!p0 $0x4000, s7;
	s6 =	simm.s32 @!p0 $0x1B8D  }
0xb1: {  	s5 =	sshll.u32 @!p0 s5, $0x11;
	s7 =	sadd.s32 @!p0 $0x11B8D, s7;
	_ =	swait.eq @!p0 [sflag:s6], $0x1  }
0xb2: {  	s5 =	sor.u32 @!p0 s5, s7;
	[sflag:s6] =	ssyncadd.s32 @!p0 $0xFFFFFFFF  }
0xb3: {  	s25 =	simm.s32 $0x1B8E;
	s24 =	sld [smem:$0x3FFE];
	[sflag:s5] =	ssyncadd.remote.s32 @!p0 $0x1  }
0xb4: {  	s26 =	simm.s32 $execute0_lowered;
	[smem:$0x3FD2] =	sst s25  }
0xb5: {  	s6 =	sshll.u32 s26, $0x1;
	_ =	strace $0x80000049;
	[dreg:$0x1] =	wrdreg $0xFFFFFFFF  }
0xb6: {  	s28 =	simm.s32 $_size_execute0_lowered;
	s4 =	sadd.s32 s4, s6;
	[dreg:$0x0] =	wrdreg $0x0  }
0xb7: {  	s6 =	sshll.u32 s28, $0x1;
	[dreg:$0x2] =	wrdreg s4  }
0xb8: {  	[dreg:$0x3] =	wrdreg s6  }
0xb9: {  	[dreg:$0x4] =	wrdreg $0xC0  }
0xba: {  	_ =	task [dreg:s22], $0x5FFFF  }
0xbb: {  	[dreg:$0x1] =	wrdreg $0xFFFFFFFF  }
0xbc: {  	[dreg:$0x0] =	wrdreg $0x60  }
0xbd: {  	[dreg:$0x2] =	wrdreg s18  }
0xbe: {  	[dreg:$0x3] =	wrdreg s24  }
0xbf: {  	[dreg:$0x4] =	wrdreg $0x78E00  }
0xc0: {  	[dreg:$0x5] =	wrdreg $0xA  }
0xc1: {  	_ =	task.clear_ibuf [dreg:s22], $0x6FFFF;
	_ =	strace $0x90000049  }
0xc2: {  	s29 =	simm.s32 $0xA;
	_ =	strace $0x8000004B  }
0xc3: {  	_ =	swait.ge [sflag:s29], $0x1  }
0xc4: {  	[sflag:s29] =	ssyncadd.s32 $0xFFFFFFFF  }
0xc5: {  	_ =	strace $0x9000004B  }
0xc6: {  	_ =	sfence  }
0xc7: {  	s30 =	sld [smem:$0x0];
	_ =	sdelay $0x2  }
0xc8: {  	s31 =	sshll.u32 s1, $0xD;
	s1 =	sshrl.u32 s1, $0x2  }
0xc9: {  	s4 =	sand.u32 $0x4000, s31;
	s1 =	sadd.s32 s1, s30  }
0xca: {  	s0 =	sor.u32 s4, s0;
	s1 =	sshll.u32 s1, $0x11  }
0xcb: {  	s0 =	sor.u32 s1, s0  }
0xcc: {  	s0 =	sadd.s32 $0x8F2B, s0  }
0xcd: {  	[sflag:s0] =	ssyncadd.remote.s32 $0x1  }
0xce: {  	_ =	sfence.sel $0xFFFF  }
0xcf: {  	[dreg:$0x0] =	wrdreg $0xFFFFFFFF;
	(pc) =	sbr.abs _section_cstart, $3  }
0xd0: {  	[dreg:$0x1] =	wrdreg $0xFFFFFFFF  }
0xd1: {  	_ =	task.clear_ibuf [dreg:s22], $0x2FFFF;
	_ =	strace $0x9FFFFFFF  }
0xd2: {  	(tm) =	ssettm $0x7FFFFFFF  }
0xd3: {  	_ =	shalt  }
tec
execute0_lowered:
.L_overlay_start_1:
0x0: {  	(tag) =	ssettag $0x1  }
0x1: {  	s1 =	rddreg [dreg:$0x0]  }
0x2: {  	s0 =	rddreg [dreg:$0x1]  }
0x3: {  	s2 =	rddreg [dreg:$0x2];
	s4 =	simm.s32 $0x0;
	s3 =	srdreg.scid  }
0x4: {  	s12 =	stileid.u32;
	s29 =	simm.s32 $0x1800;
	s31 =	simm.s32 $0x2000  }
0x5: {  	s30 =	simm.s32 $0x280;
	[smem:$0x7FF] =	sst s4;
	s6 =	smul.u32 $0x18700, s12  }
0x6: {  	s3 =	sand.u32 $0x1, s3;
	s7 =	sadd.s32 $0x24DE00, s0;
	s11 =	smul.u32 $0x61C00, s12  }
0x7: {  	s8 =	sadd.s32 $0x2C00, s0;
	s10 =	sadd.s32 $0x65000, s0;
	s14 =	smul.u32 $0x310, s12  }
0x8: {  	s5 =	smul.u32 $0x187000, s3;
	_ =	strace $0x8000004A;
	s9 =	sshll.u32 s3, $0x4  }
0x9: {  	[dreg:$0x8] =	wrdreg s10;
	s25 =	ssub.s32 $0x2, s3;
	s3 =	smul.u32 $0x3100, s3  }
0xa: {  	s10 =	simm.s32 $0x180;
	s9 =	sor.u32 s12, s9;
	s26 =	sshrl.u32 s25, $0x1  }
0xb: {  	s16 =	sadd.s32 s6, s2;
	s17 =	sshrl.u32 s11, $0x2;
	s11 =	simm.s32 $0x4000  }
0xc: {  	s12 =	simm.s32 $0x780;
	s5 =	sadd.s32 s6, s5;
	s9 =	smul.u32 $0x3100, s9  }
0xd: {  	s3 =	sadd.s32 s14, s3;
	s18 =	sadd.s32 s17, s2;
	s14 =	simm.s32 $0x300  }
0xe: {  	s17 =	simm.s32 $0x3;
	s19 =	sadd.s32 $0x30E0, s18;
	[dreg:$0xf] =	wrdreg s18  }
0xf: {  	s5 =	sshrl.u32 s5, $0x3;
	s20 =	sadd.s32 $0x61C0, s18;
	[dreg:$0x10] =	wrdreg s19  }
0x10: {  	s3 =	sshll.u32 s3, $0x4;
	s6 =	sadd.s32 $0x92A0, s18;
	[dreg:$0x11] =	wrdreg s20  }
0x11: {  	s22 =	sadd.s32 $0xC380, s18;
	s24 =	sadd.s32 $0xF460, s18;
	[dreg:$0x12] =	wrdreg s6  }
0x12: {  	s0 =	sadd.s32 s5, s0;
	s5 =	ssub.s32 s25, s26;
	[dreg:$0x13] =	wrdreg s22  }
0x13: {  	s28 =	sadd.s32 s7, s9;
	s13 =	sadd.s32 s8, s9;
	[dreg:$0x14] =	wrdreg s24  }
0x14: {  	s9 =	sor.u32 $0x40, s9;
	s21 =	sor.u32 $0xC0, s3;
	[dreg:$0x9] =	wrdreg s28  }
0x15: {  	s3 =	sor.u32 $0x80, s3;
	s26 =	sadd.s32 $0x12540, s18;
	[dreg:$0xa] =	wrdreg s13  }
0x16: {  	s22 =	simm.s32 $0x400;
	s15 =	sadd.s32 s7, s9;
	[dreg:$0x15] =	wrdreg s26  }
0x17: {  	s24 =	simm.s32 $0x800;
	s9 =	sadd.s32 s8, s9;
	[dreg:$0xb] =	wrdreg s15  }
0x18: {  	s19 =	simm.s32 $0x680;
	s0 =	sadd.s32 $0x2AFE00, s0;
	[dreg:$0xc] =	wrdreg s9  }
0x19: {  	s20 =	simm.s32 $0x4;
	s5 =	smax.u32 s5, $0x1;
	[dreg:$0xd] =	wrdreg s0  }
0x1a: {  	s23 =	sadd.s32 s21, s7;
	s25 =	sadd.s32 s3, s7;
	[dreg:$0xe] =	wrdreg s5  }
0x1b: {  	s3 =	sadd.s32 s3, s8;
	s28 =	sadd.s32 $0x15620, s18;
	[dreg:$0x4] =	wrdreg s23  }
0x1c: {  	s26 =	simm.s32 $0x1000;
	s7 =	simm.s32 $0x3000;
	[dreg:$0x6] =	wrdreg s25  }
0x1d: {  	s13 =	simm.s32 $0x1;
	s18 =	simm.s32 $0x2;
	[dreg:$0x16] =	wrdreg s28  }
0x1e: {  	s5 =	sadd.s32 s21, s8;
	[dreg:$0x7] =	wrdreg s3;
	s21 =	simm.s32 $0x5  }
0x1f: {  	s23 =	simm.s32 $0x80;
	s0 =	sshrl.u32 s16, $0x3;
	s8 =	simm.s32 $0x100  }
0x20: {  	s3 =	simm.s32 $0x600;
	s9 =	simm.s32 $0x3800;
	s16 =	simm.s32 $0x580  }
0x21: {  	s25 =	simm.s32 $0x700;
	s15 =	simm.s32 $0x0;
	[dreg:$0x5] =	wrdreg s5  }
0x22: {  	[dreg:$0x17] =	wrdreg s0;
	s0 =	simm.s32 $0x200;
	s5 =	simm.s32 $0x2800  }
.LBB2_1:
0x23: {  	[dreg:$0x18] =	wrdreg s15  }
0x24: {  	s6 =	rddreg [dreg:$0x8];
	s28 =	simm.s32 $0x4800  }
0x25: {  	[tilespmem:s28], [sflag:$0x5] =	stream.linear.gather [hbm4b:s6+s4], $0x30E0, $0x38;
	v63 =	vld [tilespmem:$0x0]  }
0x26: {  	_ =	swait.ge [sflag:s21], $0x30E0  }
0x27: {  	[sflag:s21] =	ssyncset.done $0x0  }
0x28: {  	s15 =	rddreg [dreg:$0xf];
	[sflag:s21] =	ssyncadd.s32 $0xFFFFCF20  }
0x29: {  	[spmem:s15] =	stream.linear.scatter [tilespmem:s28], [sflag:$0x5], $0x30E0, $0x38;
	v63 =	vld [tilespmem:$0x0]  }
0x2a: {  	_ =	swait.ge [sflag:s21], $0x30E0  }
0x2b: {  	[sflag:s21] =	ssyncset.done $0x0  }
0x2c: {  	s15 =	rddreg [dreg:$0x10];
	[sflag:s21] =	ssyncadd.s32 $0xFFFFCF20  }
0x2d: {  	[spmem:s15] =	stream.linear.scatter [tilespmem:s28], [sflag:$0x5], $0x30E0, $0x38;
	v63 =	vld [tilespmem:$0x0]  }
0x2e: {  	_ =	swait.ge [sflag:s21], $0x30E0  }
0x2f: {  	[sflag:s21] =	ssyncset.done $0x0  }
0x30: {  	s15 =	rddreg [dreg:$0x11];
	[sflag:s21] =	ssyncadd.s32 $0xFFFFCF20  }
0x31: {  	[spmem:s15] =	stream.linear.scatter [tilespmem:s28], [sflag:$0x5], $0x30E0, $0x38;
	v63 =	vld [tilespmem:$0x0]  }
0x32: {  	_ =	swait.ge [sflag:s21], $0x30E0  }
0x33: {  	[sflag:s21] =	ssyncset.done $0x0  }
0x34: {  	s15 =	rddreg [dreg:$0x12];
	[sflag:s21] =	ssyncadd.s32 $0xFFFFCF20  }
0x35: {  	[spmem:s15] =	stream.linear.scatter [tilespmem:s28], [sflag:$0x5], $0x30E0, $0x38;
	v63 =	vld [tilespmem:$0x0]  }
0x36: {  	_ =	swait.ge [sflag:s21], $0x30E0  }
0x37: {  	[sflag:s21] =	ssyncset.done $0x0  }
0x38: {  	s15 =	rddreg [dreg:$0x13];
	[sflag:s21] =	ssyncadd.s32 $0xFFFFCF20  }
0x39: {  	[spmem:s15] =	stream.linear.scatter [tilespmem:s28], [sflag:$0x5], $0x30E0, $0x38;
	v63 =	vld [tilespmem:$0x0]  }
0x3a: {  	_ =	swait.ge [sflag:s21], $0x30E0  }
0x3b: {  	[sflag:s21] =	ssyncset.done $0x0  }
0x3c: {  	s15 =	rddreg [dreg:$0x14];
	[sflag:s21] =	ssyncadd.s32 $0xFFFFCF20  }
0x3d: {  	[spmem:s15] =	stream.linear.scatter [tilespmem:s28], [sflag:$0x5], $0x30E0, $0x38;
	v63 =	vld [tilespmem:$0x0]  }
0x3e: {  	_ =	swait.ge [sflag:s21], $0x30E0  }
0x3f: {  	[sflag:s21] =	ssyncset.done $0x0  }
0x40: {  	s15 =	rddreg [dreg:$0x15];
	[sflag:s21] =	ssyncadd.s32 $0xFFFFCF20  }
0x41: {  	[spmem:s15] =	stream.linear.scatter [tilespmem:s28], [sflag:$0x5], $0x30E0, $0x38;
	v63 =	vld [tilespmem:$0x0]  }
0x42: {  	_ =	swait.ge [sflag:s21], $0x30E0  }
0x43: {  	[sflag:s21] =	ssyncset.done $0x0  }
0x44: {  	s15 =	rddreg [dreg:$0x16];
	[sflag:s21] =	ssyncadd.s32 $0xFFFFCF20  }
0x45: {  	[spmem:s15] =	stream.linear.scatter [tilespmem:s28], [sflag:$0x5], $0x30E0, $0x38;
	v63 =	vld [tilespmem:$0x0]  }
0x46: {  	_ =	swait.ge [sflag:s21], $0x30E0  }
0x47: {  	[sflag:s21] =	ssyncset.done $0x0  }
0x48: {  	[sflag:s21] =	ssyncadd.s32 $0xFFFFCF20  }
0x49: {  	[bflag:$0x0] =	sbarrier.arrive $0xFFFF  }
0x4a: {  	s15 =	rddreg [dreg:$0x9]  }
0x4b: {  	[tilespmem:s4], [sflag:$0x5] =	stream.linear.gather [hbm4b:s15+s4], $0x200, $0x38;
	v63 =	vld [tilespmem:$0x0]  }
0x4c: {  	_ =	swait.ge [sflag:s21], $0x200  }
0x4d: {  	[sflag:s21] =	ssyncset.done $0x0  }
0x4e: {  	s15 =	rddreg [dreg:$0xa];
	[sflag:s21] =	ssyncadd.s32 $0xFFFFFE00  }
0x4f: {  	[tilespmem:s22], [sflag:$0x5] =	stream.linear.gather [hbm4b:s15+s4], $0x200, $0x38;
	v63 =	vld [tilespmem:$0x0]  }
0x50: {  	_ =	swait.ge [sflag:s21], $0x200  }
0x51: {  	[sflag:s21] =	ssyncset.done $0x0  }
0x52: {  	[sflag:s21] =	ssyncadd.s32 $0xFFFFFE00  }
0x53: {  	[tilespmem:s24], [sflag:$0x1] =	stream.indirect.gather [hbm4b:s1+s23], $0x10, s4, s23, $0xb8;
	v63 =	vld [tilespmem:$0x0]  }
0x54: {  	_ = 	snop  }
0x55: {  	[tilespmem:s26], [sflag:$0x1] =	stream.indirect.gather [hbm4b:s1+s23], $0x10, s23, s23, $0xb8;
	v63 =	vld [tilespmem:$0x0]  }
0x56: {  	_ = 	snop  }
0x57: {  	[tilespmem:s29], [sflag:$0x1] =	stream.indirect.gather [hbm4b:s1+s23], $0x10, s8, s23, $0xb8;
	v63 =	vld [tilespmem:$0x0]  }
0x58: {  	_ = 	snop  }
0x59: {  	[tilespmem:s31], [sflag:$0x1] =	stream.indirect.gather [hbm4b:s1+s23], $0x10, s10, s23, $0xb8;
	v63 =	vld [tilespmem:$0x0]  }
0x5a: {  	s15 =	rddreg [dreg:$0xb]  }
0x5b: {  	[tilespmem:s0], [sflag:$0x5] =	stream.linear.gather [hbm4b:s15+s4], $0x200, $0x38;
	v63 =	vld [tilespmem:$0x0]  }
0x5c: {  	_ =	swait.ge [sflag:s21], $0x200  }
0x5d: {  	[sflag:s21] =	ssyncset.done $0x0  }
0x5e: {  	s15 =	rddreg [dreg:$0xc];
	[sflag:s21] =	ssyncadd.s32 $0xFFFFFE00  }
0x5f: {  	[tilespmem:s3], [sflag:$0x5] =	stream.linear.gather [hbm4b:s15+s4], $0x200, $0x38;
	v63 =	vld [tilespmem:$0x0]  }
0x60: {  	_ =	swait.ge [sflag:s21], $0x200  }
0x61: {  	[sflag:s21] =	ssyncset.done $0x0  }
0x62: {  	[sflag:s21] =	ssyncadd.s32 $0xFFFFFE00  }
0x63: {  	[tilespmem:s5], [sflag:$0x2] =	stream.indirect.gather [hbm4b:s1+s23], $0x10, s0, s23, $0xb8;
	v63 =	vld [tilespmem:$0x0]  }
0x64: {  	_ = 	snop  }
0x65: {  	[tilespmem:s7], [sflag:$0x2] =	stream.indirect.gather [hbm4b:s1+s23], $0x10, s30, s23, $0xb8;
	v63 =	vld [tilespmem:$0x0]  }
0x66: {  	_ = 	snop  }
0x67: {  	[tilespmem:s9], [sflag:$0x2] =	stream.indirect.gather [hbm4b:s1+s23], $0x10, s14, s23, $0xb8;
	v63 =	vld [tilespmem:$0x0]  }
0x68: {  	s15 =	simm.s32 $0x380  }
0x69: {  	[tilespmem:s11], [sflag:$0x2] =	stream.indirect.gather [hbm4b:s1+s23], $0x10, s15, s23, $0xb8;
	v63 =	vld [tilespmem:$0x0]  }
0x6a: {  	_ =	swait.ge [sflag:s13], $0x2000  }
0x6b: {  	[sflag:s13] =	ssyncset.done $0x0  }
0x6c: {  	[sflag:s13] =	ssyncadd.s32 $0xFFFFE000  }
0x6d: {  	[spmem:s2] =	stream.indirect.scatter.add.f32 [tilespmem:s24], [sflag:$0x3], $0x10, s22, s23, $0xb8;
	v63 =	vld [tilespmem:$0x0]  }
0x6e: {  	s15 =	simm.s32 $0x480  }
0x6f: {  	[spmem:s2] =	stream.indirect.scatter.add.f32 [tilespmem:s26], [sflag:$0x3], $0x10, s15, s23, $0xb8;
	v63 =	vld [tilespmem:$0x0]  }
0x70: {  	s15 =	simm.s32 $0x500  }
0x71: {  	[spmem:s2] =	stream.indirect.scatter.add.f32 [tilespmem:s29], [sflag:$0x3], $0x10, s15, s23, $0xb8;
	v63 =	vld [tilespmem:$0x0]  }
0x72: {  	_ = 	snop  }
0x73: {  	[spmem:s2] =	stream.indirect.scatter.add.f32 [tilespmem:s31], [sflag:$0x3], $0x10, s16, s23, $0xb8;
	v63 =	vld [tilespmem:$0x0]  }
0x74: {  	_ =	swait.ge [sflag:s17], $0x2000  }
0x75: {  	s28 =	rddreg [dreg:$0x6];
	[sflag:s17] =	ssyncset.done $0x0  }
0x76: {  	[sflag:s17] =	ssyncadd.s32 $0xFFFFE000;
	s28 =	sadd.s32 $0x0, s28  }
0x77: {  	[tilespmem:s4], [sflag:$0x5] =	stream.linear.gather [hbm4b:s28+s4], $0x200, $0x38;
	v63 =	vld [tilespmem:$0x0]  }
0x78: {  	_ =	swait.ge [sflag:s21], $0x200  }
0x79: {  	s28 =	rddreg [dreg:$0x7];
	[sflag:s21] =	ssyncset.done $0x0  }
0x7a: {  	[sflag:s21] =	ssyncadd.s32 $0xFFFFFE00;
	s28 =	sadd.s32 $0x0, s28  }
0x7b: {  	[tilespmem:s22], [sflag:$0x5] =	stream.linear.gather [hbm4b:s28+s4], $0x200, $0x38;
	v63 =	vld [tilespmem:$0x0]  }
0x7c: {  	_ =	swait.ge [sflag:s21], $0x200  }
0x7d: {  	[sflag:s21] =	ssyncset.done $0x0  }
0x7e: {  	[sflag:s21] =	ssyncadd.s32 $0xFFFFFE00  }
0x7f: {  	[tilespmem:s24], [sflag:$0x1] =	stream.indirect.gather [hbm4b:s1+s23], $0x10, s4, s23, $0xb8;
	v63 =	vld [tilespmem:$0x0]  }
0x80: {  	_ = 	snop  }
0x81: {  	[tilespmem:s26], [sflag:$0x1] =	stream.indirect.gather [hbm4b:s1+s23], $0x10, s23, s23, $0xb8;
	v63 =	vld [tilespmem:$0x0]  }
0x82: {  	_ = 	snop  }
0x83: {  	[tilespmem:s29], [sflag:$0x1] =	stream.indirect.gather [hbm4b:s1+s23], $0x10, s8, s23, $0xb8;
	v63 =	vld [tilespmem:$0x0]  }
0x84: {  	_ = 	snop  }
0x85: {  	[tilespmem:s31], [sflag:$0x1] =	stream.indirect.gather [hbm4b:s1+s23], $0x10, s10, s23, $0xb8;
	v63 =	vld [tilespmem:$0x0]  }
0x86: {  	_ =	swait.ge [sflag:s18], $0x2000  }
0x87: {  	[sflag:s18] =	ssyncset.done $0x0  }
0x88: {  	[sflag:s18] =	ssyncadd.s32 $0xFFFFE000  }
0x89: {  	[spmem:s2] =	stream.indirect.scatter.add.f32 [tilespmem:s5], [sflag:$0x4], $0x10, s3, s23, $0xb8;
	v63 =	vld [tilespmem:$0x0]  }
0x8a: {  	_ = 	snop  }
0x8b: {  	[spmem:s2] =	stream.indirect.scatter.add.f32 [tilespmem:s7], [sflag:$0x4], $0x10, s19, s23, $0xb8;
	v63 =	vld [tilespmem:$0x0]  }
0x8c: {  	_ = 	snop  }
0x8d: {  	[spmem:s2] =	stream.indirect.scatter.add.f32 [tilespmem:s9], [sflag:$0x4], $0x10, s25, s23, $0xb8;
	v63 =	vld [tilespmem:$0x0]  }
0x8e: {  	_ = 	snop  }
0x8f: {  	[spmem:s2] =	stream.indirect.scatter.add.f32 [tilespmem:s11], [sflag:$0x4], $0x10, s12, s23, $0xb8;
	v63 =	vld [tilespmem:$0x0]  }
0x90: {  	_ =	swait.ge [sflag:s20], $0x2000  }
0x91: {  	s28 =	rddreg [dreg:$0x4];
	[sflag:s20] =	ssyncset.done $0x0  }
0x92: {  	[sflag:s20] =	ssyncadd.s32 $0xFFFFE000;
	s28 =	sadd.s32 $0x0, s28  }
0x93: {  	[tilespmem:s0], [sflag:$0x5] =	stream.linear.gather [hbm4b:s28+s4], $0x200, $0x38;
	v63 =	vld [tilespmem:$0x0]  }
0x94: {  	_ =	swait.ge [sflag:s21], $0x200  }
0x95: {  	s28 =	rddreg [dreg:$0x5];
	[sflag:s21] =	ssyncset.done $0x0  }
0x96: {  	[sflag:s21] =	ssyncadd.s32 $0xFFFFFE00;
	s28 =	sadd.s32 $0x0, s28  }
0x97: {  	[tilespmem:s3], [sflag:$0x5] =	stream.linear.gather [hbm4b:s28+s4], $0x200, $0x38;
	v63 =	vld [tilespmem:$0x0]  }
0x98: {  	_ =	swait.ge [sflag:s21], $0x200  }
0x99: {  	[sflag:s21] =	ssyncset.done $0x0  }
0x9a: {  	[sflag:s21] =	ssyncadd.s32 $0xFFFFFE00  }
0x9b: {  	[tilespmem:s5], [sflag:$0x2] =	stream.indirect.gather [hbm4b:s1+s23], $0x10, s0, s23, $0xb8;
	v63 =	vld [tilespmem:$0x0]  }
0x9c: {  	_ = 	snop  }
0x9d: {  	[tilespmem:s7], [sflag:$0x2] =	stream.indirect.gather [hbm4b:s1+s23], $0x10, s30, s23, $0xb8;
	v63 =	vld [tilespmem:$0x0]  }
0x9e: {  	s15 =	simm.s32 $0x300;
	s8 =	simm.s32 $0x100  }
0x9f: {  	[tilespmem:s9], [sflag:$0x2] =	stream.indirect.gather [hbm4b:s1+s23], $0x10, s14, s23, $0xb8;
	v63 =	vld [tilespmem:$0x0]  }
0xa0: {  	s10 =	simm.s32 $0x180;
	s28 =	simm.s32 $0x80;
	s14 =	simm.s32 $0x280  }
.LBB2_2:
0xa1: {  	s6 =	simm.s32 $0x380  }
0xa2: {  	[tilespmem:s11], [sflag:$0x2] =	stream.indirect.gather [hbm4b:s1+s23], $0x10, s6, s23, $0xb8;
	v63 =	vld [tilespmem:$0x0]  }
0xa3: {  	_ =	swait.ge [sflag:s13], $0x2000  }
0xa4: {  	[sflag:s13] =	ssyncset.done $0x0  }
0xa5: {  	[sflag:s13] =	ssyncadd.s32 $0xFFFFE000  }
0xa6: {  	[spmem:s2] =	stream.indirect.scatter.add.f32 [tilespmem:s24], [sflag:$0x3], $0x10, s22, s23, $0xb8;
	v63 =	vld [tilespmem:$0x0]  }
0xa7: {  	s6 =	simm.s32 $0x480  }
0xa8: {  	[spmem:s2] =	stream.indirect.scatter.add.f32 [tilespmem:s26], [sflag:$0x3], $0x10, s6, s23, $0xb8;
	v63 =	vld [tilespmem:$0x0]  }
0xa9: {  	s6 =	simm.s32 $0x500  }
0xaa: {  	[spmem:s2] =	stream.indirect.scatter.add.f32 [tilespmem:s29], [sflag:$0x3], $0x10, s6, s23, $0xb8;
	v63 =	vld [tilespmem:$0x0]  }
0xab: {  	_ = 	snop  }
0xac: {  	[spmem:s2] =	stream.indirect.scatter.add.f32 [tilespmem:s31], [sflag:$0x3], $0x10, s16, s23, $0xb8;
	v63 =	vld [tilespmem:$0x0]  }
0xad: {  	_ =	swait.ge [sflag:s17], $0x2000  }
0xae: {  	s30 =	smov.u32 s28;
	s6 =	rddreg [dreg:$0x6];
	[sflag:s17] =	ssyncset.done $0x0  }
0xaf: {  	[sflag:s17] =	ssyncadd.s32 $0xFFFFE000;
	s6 =	sadd.s32 s30, s6  }
0xb0: {  	[tilespmem:s4], [sflag:$0x5] =	stream.linear.gather [hbm4b:s6+s4], $0x200, $0x38;
	v63 =	vld [tilespmem:$0x0]  }
0xb1: {  	_ =	swait.ge [sflag:s21], $0x200  }
0xb2: {  	s6 =	rddreg [dreg:$0x7];
	[sflag:s21] =	ssyncset.done $0x0  }
0xb3: {  	[sflag:s21] =	ssyncadd.s32 $0xFFFFFE00;
	s6 =	sadd.s32 s30, s6  }
0xb4: {  	[tilespmem:s22], [sflag:$0x5] =	stream.linear.gather [hbm4b:s6+s4], $0x200, $0x38;
	v63 =	vld [tilespmem:$0x0]  }
0xb5: {  	_ =	swait.ge [sflag:s21], $0x200  }
0xb6: {  	[sflag:s21] =	ssyncset.done $0x0  }
0xb7: {  	[sflag:s21] =	ssyncadd.s32 $0xFFFFFE00  }
0xb8: {  	[tilespmem:s24], [sflag:$0x1] =	stream.indirect.gather [hbm4b:s1+s23], $0x10, s4, s23, $0xb8;
	v63 =	vld [tilespmem:$0x0]  }
0xb9: {  	_ = 	snop  }
0xba: {  	[tilespmem:s26], [sflag:$0x1] =	stream.indirect.gather [hbm4b:s1+s23], $0x10, s23, s23, $0xb8;
	v63 =	vld [tilespmem:$0x0]  }
0xbb: {  	_ = 	snop  }
0xbc: {  	[tilespmem:s29], [sflag:$0x1] =	stream.indirect.gather [hbm4b:s1+s23], $0x10, s8, s23, $0xb8;
	v63 =	vld [tilespmem:$0x0]  }
0xbd: {  	_ = 	snop  }
0xbe: {  	[tilespmem:s31], [sflag:$0x1] =	stream.indirect.gather [hbm4b:s1+s23], $0x10, s10, s23, $0xb8;
	v63 =	vld [tilespmem:$0x0]  }
0xbf: {  	_ =	swait.ge [sflag:s18], $0x2000  }
0xc0: {  	[sflag:s18] =	ssyncset.done $0x0  }
0xc1: {  	[sflag:s18] =	ssyncadd.s32 $0xFFFFE000  }
0xc2: {  	[spmem:s2] =	stream.indirect.scatter.add.f32 [tilespmem:s5], [sflag:$0x4], $0x10, s3, s23, $0xb8;
	v63 =	vld [tilespmem:$0x0]  }
0xc3: {  	_ = 	snop  }
0xc4: {  	[spmem:s2] =	stream.indirect.scatter.add.f32 [tilespmem:s7], [sflag:$0x4], $0x10, s19, s23, $0xb8;
	v63 =	vld [tilespmem:$0x0]  }
0xc5: {  	_ = 	snop  }
0xc6: {  	[spmem:s2] =	stream.indirect.scatter.add.f32 [tilespmem:s9], [sflag:$0x4], $0x10, s25, s23, $0xb8;
	v63 =	vld [tilespmem:$0x0]  }
0xc7: {  	_ = 	snop  }
0xc8: {  	[spmem:s2] =	stream.indirect.scatter.add.f32 [tilespmem:s11], [sflag:$0x4], $0x10, s12, s23, $0xb8;
	v63 =	vld [tilespmem:$0x0]  }
0xc9: {  	_ =	swait.ge [sflag:s20], $0x2000  }
0xca: {  	s6 =	rddreg [dreg:$0x4];
	[sflag:s20] =	ssyncset.done $0x0  }
0xcb: {  	[sflag:s20] =	ssyncadd.s32 $0xFFFFE000;
	s6 =	sadd.s32 s30, s6  }
0xcc: {  	[tilespmem:s0], [sflag:$0x5] =	stream.linear.gather [hbm4b:s6+s4], $0x200, $0x38;
	v63 =	vld [tilespmem:$0x0]  }
0xcd: {  	_ =	swait.ge [sflag:s21], $0x200  }
0xce: {  	s6 =	rddreg [dreg:$0x5];
	[sflag:s21] =	ssyncset.done $0x0  }
0xcf: {  	[sflag:s21] =	ssyncadd.s32 $0xFFFFFE00;
	s6 =	sadd.s32 s30, s6  }
0xd0: {  	[tilespmem:s3], [sflag:$0x5] =	stream.linear.gather [hbm4b:s6+s4], $0x200, $0x38;
	v63 =	vld [tilespmem:$0x0]  }
0xd1: {  	_ =	swait.ge [sflag:s21], $0x200  }
0xd2: {  	[sflag:s21] =	ssyncset.done $0x0  }
0xd3: {  	p0 =	sne.s32 s28, $0x3000;
	[sflag:s21] =	ssyncadd.s32 $0xFFFFFE00  }
0xd4: {  	[tilespmem:s5], [sflag:$0x2] =	stream.indirect.gather [hbm4b:s1+s23], $0x10, s0, s23, $0xb8;
	v63 =	vld [tilespmem:$0x0]  }
.Ltmp0:
0xd5: {  	_ = 	snop;
	(pc) =	sbr.rel @p0 .LBB2_2-.Ltmp0, $4  }
0xd6: {  	_ = 	snop  }
0xd7: {  	[tilespmem:s7], [sflag:$0x2] =	stream.indirect.gather [hbm4b:s1+s23], $0x10, s14, s23, $0xb8;
	v63 =	vld [tilespmem:$0x0]  }
0xd8: {  	s28 =	sadd.s32 $0x80, s28  }
0xd9: {  	[tilespmem:s9], [sflag:$0x2] =	stream.indirect.gather [hbm4b:s1+s23], $0x10, s15, s23, $0xb8;
	v63 =	vld [tilespmem:$0x0]  }
0xda: {  	s6 =	simm.s32 $0x380  }
0xdb: {  	[tilespmem:s11], [sflag:$0x2] =	stream.indirect.gather [hbm4b:s1+s23], $0x10, s6, s23, $0xb8;
	v63 =	vld [tilespmem:$0x0]  }
0xdc: {  	_ =	swait.ge [sflag:s13], $0x2000  }
0xdd: {  	[sflag:s13] =	ssyncset.done $0x0  }
0xde: {  	[sflag:s13] =	ssyncadd.s32 $0xFFFFE000  }
0xdf: {  	[spmem:s2] =	stream.indirect.scatter.add.f32 [tilespmem:s24], [sflag:$0x3], $0x10, s22, s23, $0xb8;
	v63 =	vld [tilespmem:$0x0]  }
0xe0: {  	s10 =	simm.s32 $0x480  }
0xe1: {  	[spmem:s2] =	stream.indirect.scatter.add.f32 [tilespmem:s26], [sflag:$0x3], $0x10, s10, s23, $0xb8;
	v63 =	vld [tilespmem:$0x0]  }
0xe2: {  	s14 =	simm.s32 $0x500  }
0xe3: {  	[spmem:s2] =	stream.indirect.scatter.add.f32 [tilespmem:s29], [sflag:$0x3], $0x10, s14, s23, $0xb8;
	v63 =	vld [tilespmem:$0x0]  }
0xe4: {  	_ = 	snop  }
0xe5: {  	[spmem:s2] =	stream.indirect.scatter.add.f32 [tilespmem:s31], [sflag:$0x3], $0x10, s16, s23, $0xb8;
	v63 =	vld [tilespmem:$0x0]  }
0xe6: {  	_ =	swait.ge [sflag:s17], $0x2000  }
0xe7: {  	[sflag:s17] =	ssyncset.done $0x0  }
0xe8: {  	[sflag:s17] =	ssyncadd.s32 $0xFFFFE000  }
0xe9: {  	_ =	swait.ge [sflag:s18], $0x2000  }
0xea: {  	[sflag:s18] =	ssyncset.done $0x0  }
0xeb: {  	[sflag:s18] =	ssyncadd.s32 $0xFFFFE000  }
0xec: {  	[spmem:s2] =	stream.indirect.scatter.add.f32 [tilespmem:s5], [sflag:$0x4], $0x10, s3, s23, $0xb8;
	v63 =	vld [tilespmem:$0x0]  }
0xed: {  	_ = 	snop  }
0xee: {  	[spmem:s2] =	stream.indirect.scatter.add.f32 [tilespmem:s7], [sflag:$0x4], $0x10, s19, s23, $0xb8;
	v63 =	vld [tilespmem:$0x0]  }
0xef: {  	_ = 	snop  }
0xf0: {  	[spmem:s2] =	stream.indirect.scatter.add.f32 [tilespmem:s9], [sflag:$0x4], $0x10, s25, s23, $0xb8;
	v63 =	vld [tilespmem:$0x0]  }
0xf1: {  	_ = 	snop  }
0xf2: {  	[spmem:s2] =	stream.indirect.scatter.add.f32 [tilespmem:s11], [sflag:$0x4], $0x10, s12, s23, $0xb8;
	v63 =	vld [tilespmem:$0x0]  }
0xf3: {  	_ =	swait.ge [sflag:s20], $0x2000  }
0xf4: {  	[sflag:s20] =	ssyncset.done $0x0  }
0xf5: {  	[sflag:s20] =	ssyncadd.s32 $0xFFFFE000  }
0xf6: {  	s15 =	stileid.u32;
	[bflag:$0x0] =	sbarrier.arrive $0xFFFF  }
0xf7: {  	s6 =	sshll.u32 s15, $0x6;
	s28 =	rddreg [dreg:$0xd]  }
0xf8: {  	s6 =	sor.u32 $0x1C05, s6;
	s30 =	rddreg [dreg:$0x17]  }
0xf9: {  	[hbm:s28], [sflag:s6] =	dma.local [spmem:s30], $0x30E0  }
0xfa: {  	_ =	swait.ge [sflag:s21], $0x30E0  }
0xfb: {  	s15 =	rddreg [dreg:$0x18]  }
0xfc: {  	s28 =	rddreg [dreg:$0xe];
	s15 =	sadd.s32 $0x1, s15  }
0xfd: {  	p0 =	sne.s32 s15, s28  }
.Ltmp1:
0xfe: {  	_ = 	snop;
	(pc) =	sbr.rel @p0 .LBB2_1-.Ltmp1, $3  }
0xff: {  	_ =	sdelay $0x1  }
0x100: {  	s8 =	simm.s32 $0x100;
	s10 =	simm.s32 $0x180;
	[sflag:s21] =	ssyncset.done $0x0  }
0x101: {  	s14 =	simm.s32 $0x300;
	s30 =	simm.s32 $0x280;
	[sflag:s21] =	ssyncadd.s32 $0xFFFFCF20  }
0x102: {  	_ =	sfence.sel $0x180000  }
0x103: {  	[bflag:$0x0] =	sbarrier.arrive $0xFFFF  }
0x104: {  	_ =	strace $0x9000004A  }
0x105: {  	s0 =	stileid.u32;
	[bflag:$0x2] =	sbarrier.arrive $0xFFFF  }
0x106: {  	p0 =	sne.s32 s0, $0x0;
	s0 =	rddreg [dreg:$0x3]  }
0x107: {  	s0 =	sadd.s32 @!p0 $0x100000, s0  }
0x108: {  	[sflag:s0] =	ssyncadd.tile.s32 @!p0 $0x1;
	_ =	shalt  }
.Lfunc_end2:
_tile_overlayer_lowered:
.L_overlay_start_2:
0x109: {  	(tag) =	ssettag $0x2  }
0x10a: {  	s0 =	rddreg [dreg:$0x0];
	s2 =	stileid.u32  }
0x10b: {  	s1 =	rddreg [dreg:$0x1];
	p0 =	sne.s32 s2, $0x0  }
0x10c: {  	s3 =	rddreg [dreg:$0x2];
	[bflag:$0x3] =	sbarrier.arrive $0xFFFF;
	s2 =	simm.s32 @!p0 $0x1C05  }
0x10d: {  	[timem:s3], [sflag:s2] =	dma.local @!p0 [hbm:s0], s1  }
0x10e: {  	s0 =	simm.s32 @!p0 $0x5  }
0x10f: {  	_ =	swait.ge @!p0 [sflag:s0], s1  }
0x110: {  	s1 =	ssub.s32 @!p0 $0x0, s1;
	[sflag:s0] =	ssyncset.done @!p0 $0x0  }
0x111: {  	[sflag:s0] =	ssyncadd.s32 @!p0 s1  }
0x112: {  	[bflag:$0x3] =	sbarrier.arrive $0xFFFF  }
0x113: {  	_ =	shalt  }

// kernel: kernel.13.cloned.1.call-start
scs
__scs_entry_jumppad:
0x0: {  	(pc) =	sbr.rel $0x88, $3  }
0x1: {  	(tag) =	ssettag $0x0;
	lr =	simm.s32 $0x1  }
0x2: {  	[smem:$0x3F99] =	sst lr;
	_ =	strace $0xD0000000  }
0x3: {  	_ = 	snop  }
0x4: {  	_ = 	snop  }
0x5: {  	_ = 	snop  }
0x6: {  	_ = 	snop  }
0x7: {  	_ = 	snop  }
__scs_overlays_trampoline_lowered:
0x8: {  	[smem:$0x3FA8] =	sst s0  }
0x9: {  	[smem:$0x3FA9] =	sst s1  }
0xa: {  	[smem:$0x3FAA] =	sst s2  }
0xb: {  	[smem:$0x3FAB] =	sst s3  }
0xc: {  	[smem:$0x3FAC] =	sst s4  }
0xd: {  	[smem:$0x3FAD] =	sst s5  }
0xe: {  	[smem:$0x3FAE] =	sst s6  }
0xf: {  	[smem:$0x3FAF] =	sst s7  }
0x10: {  	[smem:$0x3FB0] =	sst s8  }
0x11: {  	[smem:$0x3FB1] =	sst s9;
	s0 =	simm.s32 @!p0 $0x0  }
0x12: {  	s1 =	sld [smem:$0x3F97];
	s0 =	simm.s32 @p0 $0x1  }
0x13: {  	[smem:$0x3FB2] =	sst s0;
	s0 =	simm.s32 @!p1 $0x0  }
0x14: {  	s2 =	sld [smem:$0x3F96];
	s0 =	simm.s32 @p1 $0x1  }
0x15: {  	[smem:$0x3FB3] =	sst s0;
	s0 =	simm.s32 @!p2 $0x0  }
0x16: {  	s3 =	sld [smem:$0x3FDB];
	s0 =	simm.s32 @p2 $0x1  }
0x17: {  	s4 =	simm.s32 $0x1BF5;
	[smem:$0x3FB5] =	sst s0  }
0x18: {  	s0 =	sld [smem:$0x3F98];
	_ =	swait.ge [sflag:s4], $0x0  }
0x19: {  	s7 =	sld [smem:$0x3F99]  }
0x1a: {  	s8 =	sadd.s32 $0xFFFFE003, lr  }
0x1b: {  	s9 =	sadd.s32 $0xFFFFFEF7, lr;
	s5 =	simm.s32 $0xFFFFFFFF;
	p2 =	slt.u32 s8, $0xFFFFF086  }
0x1c: {  	p1 =	slt.u32 s9, $0xF7A;
	s5 =	simm.s32 @!p2 $0x0  }
0x1d: {  	s5 =	simm.s32 @p1 $0x1;
	p0 =	seq.s32 s7, s2  }
0x1e: {  	s7 =	smul.u32 @!p0 $0xF7A, s2;
	p2 =	seq.s32 @!p0 s5, $0x0  }
0x1f: {  	s9 =	smul.u32 $0xF7A, s1;
	s8 =	simm.s32 @!p0 $0x1BF5;
	p2 =	por !p2, p0  }
0x20: {  	[sflag:s8] =	ssyncset.s32 @!p0 $0xFFFFF086;
	s6 =	sadd.s32 @!p0 s3, s7;
	s7 =	simm.s32 @!p0 $0x108  }
0x21: {  	s3 =	sadd.s32 s3, s9;
	s6 =	sadd.s32 @!p0 $0x88, s6;
	s7 =	simm.s32 @p2 $0x1082  }
0x22: {  	[simem:s7], [sflag:s8] =	dma.local @!p0 [hbm:s6], $0xF7A  }
0x23: {  	s9 =	sor.u32 $0xD0000000, s2;
	s6 =	simm.s32 $0x108;
	_ =	swait.ge @!p0 [sflag:s8], $0x0  }
0x24: {  	s3 =	sadd.s32 $0x88, s3;
	s6 =	simm.s32 @!p1 $0x1082;
	[sflag:s4] =	ssyncset.s32 $0xFFFFF086  }
0x25: {  	[simem:s6], [sflag:s4] =	dma.local [hbm:s3], $0xF7A  }
0x26: {  	[smem:$0x3F99] =	sst s1;
	(tag) =	ssettag s2;
	_ =	strace s9  }
0x27: {  	s1 =	sld [smem:$0x3FA9]  }
0x28: {  	s2 =	sld [smem:$0x3FAA]  }
0x29: {  	s4 =	sld [smem:$0x3FAC]  }
0x2a: {  	p0 =	seq.s32 s5, $0x0;
	s5 =	sld [smem:$0x3FAD]  }
0x2b: {  	s6 =	sld [smem:$0x3FAE]  }
0x2c: {  	s7 =	sld [smem:$0x3FAF]  }
0x2d: {  	s3 =	simm.s32 $0x108;
	s8 =	sld [smem:$0x3FB0]  }
0x2e: {  	s3 =	simm.s32 @!p0 $0x1082;
	s9 =	sld [smem:$0x3FB1]  }
0x2f: {  	lr =	sadd.s32 s0, s3;
	s0 =	sld [smem:$0x3FA8]  }
0x30: {  	s3 =	sld [smem:$0x3FAB]  }
0x31: {  	[smem:$0x3FB4] =	sst s10  }
0x32: {  	s10 =	sld [smem:$0x3FB2];
	_ =	sdelay $0x3  }
0x33: {  	p0 =	seq.s32 s10, $0x1;
	s10 =	sld [smem:$0x3FB4];
	_ =	sdelay $0x3  }
0x34: {  	[smem:$0x3FB4] =	sst s10  }
0x35: {  	s10 =	sld [smem:$0x3FB3];
	_ =	sdelay $0x3  }
0x36: {  	p1 =	seq.s32 s10, $0x1;
	s10 =	sld [smem:$0x3FB4];
	_ =	sdelay $0x3  }
0x37: {  	[smem:$0x3FB4] =	sst s10  }
0x38: {  	s10 =	sld [smem:$0x3FB5]  }
0x39: {  	_ = 	snop;
	(pc) =	sbr.ind lr, $3  }
0x3a: {  	_ = 	snop  }
0x3b: {  	_ = 	snop  }
0x3c: {  	p2 =	seq.s32 s10, $0x1;
	s10 =	sld [smem:$0x3FB4]  }
0x3d: {  	_ =	shalt  }
0x3e: {  	_ =	shalt  }
0x3f: {  	_ =	shalt  }
0x40: {  	_ =	shalt  }
0x41: {  	_ =	shalt  }
0x42: {  	_ =	shalt  }
0x43: {  	_ =	shalt  }
0x44: {  	_ =	shalt  }
0x45: {  	_ =	shalt  }
0x46: {  	_ =	shalt  }
0x47: {  	_ =	shalt  }
0x48: {  	_ =	shalt  }
0x49: {  	_ =	shalt  }
0x4a: {  	_ =	shalt  }
0x4b: {  	_ =	shalt  }
0x4c: {  	_ =	shalt  }
0x4d: {  	_ =	shalt  }
0x4e: {  	_ =	shalt  }
0x4f: {  	_ =	shalt  }
0x50: {  	_ =	shalt  }
0x51: {  	_ =	shalt  }
0x52: {  	_ =	shalt  }
0x53: {  	_ =	shalt  }
0x54: {  	_ =	shalt  }
0x55: {  	_ =	shalt  }
0x56: {  	_ =	shalt  }
0x57: {  	_ =	shalt  }
0x58: {  	_ =	shalt  }
0x59: {  	_ =	shalt  }
0x5a: {  	_ =	shalt  }
0x5b: {  	_ =	shalt  }
0x5c: {  	_ =	shalt  }
0x5d: {  	_ =	shalt  }
0x5e: {  	_ =	shalt  }
0x5f: {  	_ =	shalt  }
0x60: {  	_ =	shalt  }
0x61: {  	_ =	shalt  }
0x62: {  	_ =	shalt  }
0x63: {  	_ =	shalt  }
0x64: {  	_ =	shalt  }
0x65: {  	_ =	shalt  }
0x66: {  	_ =	shalt  }
0x67: {  	_ =	shalt  }
0x68: {  	_ =	shalt  }
0x69: {  	_ =	shalt  }
0x6a: {  	_ =	shalt  }
0x6b: {  	_ =	shalt  }
0x6c: {  	_ =	shalt  }
0x6d: {  	_ =	shalt  }
0x6e: {  	_ =	shalt  }
0x6f: {  	_ =	shalt  }
0x70: {  	_ =	shalt  }
0x71: {  	_ =	shalt  }
0x72: {  	_ =	shalt  }
0x73: {  	_ =	shalt  }
0x74: {  	_ =	shalt  }
0x75: {  	_ =	shalt  }
0x76: {  	_ =	shalt  }
0x77: {  	_ =	shalt  }
0x78: {  	_ =	shalt  }
0x79: {  	_ =	shalt  }
0x7a: {  	_ =	shalt  }
0x7b: {  	_ =	shalt  }
0x7c: {  	_ =	shalt  }
0x7d: {  	_ =	shalt  }
0x7e: {  	_ =	shalt  }
0x7f: {  	_ =	shalt  }
0x80: {  	_ =	shalt  }
0x81: {  	_ =	shalt  }
0x82: {  	_ =	shalt  }
0x83: {  	_ =	shalt  }
0x84: {  	_ =	shalt  }
0x85: {  	_ =	shalt  }
0x86: {  	_ =	shalt  }
0x87: {  	_ =	shalt  }
.Lfunc_end0:
.L_simem_size_0:
called_computation.2_lowered:
.L_overlay_start_0:
0x88: {  	s2 =	sld [smem:$0x3FD9]  }
0x89: {  	s3 =	sld [smem:$0x3FFE];
	_ =	sdelay $0x1  }
0x8a: {  	s1 =	srdreg.scid  }
0x8b: {  	s0 =	sand.u32 $0x1, s1  }
0x8c: {  	s17 =	sshll.u32 s0, $0xA;
	s2 =	sadd.s32 s3, s2  }
0x8d: {  	s2 =	sadd.s32 s2, s17  }
0x8e: {  	[smem:$0x3FC0] =	sst s2  }
0x8f: {  	_ = 	snop  }
0x90: {  	s2 =	sld [smem:$0x3FD0];
	(tm) =	ssettm $0x1  }
0x91: {  	s18 =	sld [smem:$0x3FFB];
	_ =	sdelay $0x3  }
0x92: {  	_ =	strace s18  }
0x93: {  	s3 =	sld [smem:$0x3FFC];
	_ =	sdelay $0x3  }
0x94: {  	_ =	strace s3  }
0x95: {  	s3 =	sld [smem:$0x3FFD];
	_ =	sdelay $0x3  }
0x96: {  	_ =	strace s3  }
0x97: {  	_ =	strace $0x8FFFFFFF  }
0x98: {  	s19 =	sld [smem:$0x3FDB];
	_ =	sdelay $0x1  }
0x99: {  	s4 =	simm.s32 $_scs_section_size  }
0x9a: {  	s5 =	simm.s32 $_size__tile_overlayer_lowered;
	s6 =	simm.s32 $_tile_overlayer_lowered  }
0x9b: {  	s22 =	simm.s32 $0x1BFF;
	s21 =	sshll.u32 s6, $0x1;
	s3 =	sadd.s32 s4, s19  }
0x9c: {  	s7 =	simm.s32 $0x0;
	s20 =	sshll.u32 s5, $0x1;
	s5 =	sadd.s32 s21, s3  }
0x9d: {  	[timem:s7], [sflag:s22] =	dma.local [hbm:s5], s20  }
0x9e: {  	_ =	swait.ge [sflag:s22], s20  }
0x9f: {  	s4 =	ssub.s32 $0x0, s20;
	[sflag:s22] =	ssyncset.done $0x0  }
0xa0: {  	[sflag:s22] =	ssyncadd.s32 s4;
	_ =	sdelay $0x1  }
0xa1: {  	s23 =	simm.s32 $0x1B8B  }
0xa2: {  	_ =	swait.ge [sflag:s23], $0x1  }
0xa3: {  	[sflag:s23] =	ssyncset.done $0x0  }
0xa4: {  	s25 =	simm.s32 $0x1B8E;
	s24 =	sld [smem:$0x3FFE];
	[sflag:s23] =	ssyncadd.s32 $0xFFFFFFFF  }
0xa5: {  	s26 =	simm.s32 $execute0_lowered;
	[smem:$0x3FD2] =	sst s25  }
0xa6: {  	s5 =	sshll.u32 s26, $0x1;
	_ =	strace $0x8000004C;
	[dreg:$0x1] =	wrdreg $0xFFFFFFFF  }
0xa7: {  	s28 =	simm.s32 $_size_execute0_lowered;
	s3 =	sadd.s32 s3, s5;
	[dreg:$0x0] =	wrdreg $0x0  }
0xa8: {  	s5 =	sshll.u32 s28, $0x1;
	[dreg:$0x2] =	wrdreg s3  }
0xa9: {  	[dreg:$0x3] =	wrdreg s5  }
0xaa: {  	[dreg:$0x4] =	wrdreg $0xC0  }
0xab: {  	_ =	task [dreg:s7], $0x5FFFF  }
0xac: {  	[dreg:$0x1] =	wrdreg $0xFFFFFFFF  }
0xad: {  	[dreg:$0x0] =	wrdreg $0x60  }
0xae: {  	[dreg:$0x2] =	wrdreg s2  }
0xaf: {  	[dreg:$0x3] =	wrdreg s24  }
0xb0: {  	[dreg:$0x4] =	wrdreg $0x78E00  }
0xb1: {  	[dreg:$0x5] =	wrdreg $0x9  }
0xb2: {  	_ =	task.clear_ibuf [dreg:s7], $0x6FFFF;
	_ =	strace $0x9000004C  }
0xb3: {  	s29 =	simm.s32 $0x9;
	_ =	strace $0x8000004E  }
0xb4: {  	_ =	swait.ge [sflag:s29], $0x1  }
0xb5: {  	[sflag:s29] =	ssyncadd.s32 $0xFFFFFFFF  }
0xb6: {  	_ =	strace $0x9000004E  }
0xb7: {  	_ =	sfence  }
0xb8: {  	s30 =	sld [smem:$0x0];
	_ =	sdelay $0x2  }
0xb9: {  	s31 =	sshll.u32 s1, $0xD;
	s1 =	sshrl.u32 s1, $0x2  }
0xba: {  	s3 =	sand.u32 $0x4000, s31;
	s1 =	sadd.s32 s1, s30  }
0xbb: {  	s0 =	sor.u32 s3, s0;
	s1 =	sshll.u32 s1, $0x11  }
0xbc: {  	s0 =	sor.u32 s1, s0  }
0xbd: {  	s0 =	sadd.s32 $0x8F2B, s0  }
0xbe: {  	[sflag:s0] =	ssyncadd.remote.s32 $0x1  }
0xbf: {  	_ =	sfence.sel $0xFFFF  }
0xc0: {  	[dreg:$0x0] =	wrdreg $0xFFFFFFFF;
	(pc) =	sbr.abs _section_cstart, $3  }
0xc1: {  	[dreg:$0x1] =	wrdreg $0xFFFFFFFF  }
0xc2: {  	_ =	task.clear_ibuf [dreg:s7], $0x2FFFF;
	_ =	strace $0x9FFFFFFF  }
0xc3: {  	(tm) =	ssettm $0x7FFFFFFF  }
tec
execute0_lowered:
.L_overlay_start_1:
0x0: {  	(tag) =	ssettag $0x1  }
0x1: {  	s1 =	rddreg [dreg:$0x0]  }
0x2: {  	s0 =	rddreg [dreg:$0x1]  }
0x3: {  	s2 =	rddreg [dreg:$0x2];
	s4 =	simm.s32 $0x0;
	s3 =	srdreg.scid  }
0x4: {  	s12 =	stileid.u32;
	s29 =	simm.s32 $0x1800;
	s31 =	simm.s32 $0x2000  }
0x5: {  	s30 =	simm.s32 $0x280;
	[smem:$0x7FF] =	sst s4;
	s6 =	smul.u32 $0x18700, s12  }
0x6: {  	s3 =	sand.u32 $0x1, s3;
	s7 =	sadd.s32 $0x24DE00, s0;
	s11 =	smul.u32 $0x61C00, s12  }
0x7: {  	s8 =	sadd.s32 $0x2C00, s0;
	s10 =	sadd.s32 $0x65000, s0;
	s14 =	smul.u32 $0x310, s12  }
0x8: {  	s5 =	smul.u32 $0x187000, s3;
	_ =	strace $0x8000004D;
	s9 =	sshll.u32 s3, $0x4  }
0x9: {  	[dreg:$0x8] =	wrdreg s10;
	s25 =	ssub.s32 $0x2, s3;
	s3 =	smul.u32 $0x3100, s3  }
0xa: {  	s10 =	simm.s32 $0x180;
	s9 =	sor.u32 s12, s9;
	s26 =	sshrl.u32 s25, $0x1  }
0xb: {  	s16 =	sadd.s32 s6, s2;
	s17 =	sshrl.u32 s11, $0x2;
	s11 =	simm.s32 $0x4000  }
0xc: {  	s12 =	simm.s32 $0x780;
	s5 =	sadd.s32 s6, s5;
	s9 =	smul.u32 $0x3100, s9  }
0xd: {  	s3 =	sadd.s32 s14, s3;
	s18 =	sadd.s32 s17, s2;
	s14 =	simm.s32 $0x300  }
0xe: {  	s17 =	simm.s32 $0x3;
	s19 =	sadd.s32 $0x30E0, s18;
	[dreg:$0xf] =	wrdreg s18  }
0xf: {  	s5 =	sshrl.u32 s5, $0x3;
	s20 =	sadd.s32 $0x61C0, s18;
	[dreg:$0x10] =	wrdreg s19  }
0x10: {  	s3 =	sshll.u32 s3, $0x4;
	s6 =	sadd.s32 $0x92A0, s18;
	[dreg:$0x11] =	wrdreg s20  }
0x11: {  	s22 =	sadd.s32 $0xC380, s18;
	s24 =	sadd.s32 $0xF460, s18;
	[dreg:$0x12] =	wrdreg s6  }
0x12: {  	s0 =	sadd.s32 s5, s0;
	s5 =	ssub.s32 s25, s26;
	[dreg:$0x13] =	wrdreg s22  }
0x13: {  	s28 =	sadd.s32 s7, s9;
	s13 =	sadd.s32 s8, s9;
	[dreg:$0x14] =	wrdreg s24  }
0x14: {  	s9 =	sor.u32 $0x40, s9;
	s21 =	sor.u32 $0xC0, s3;
	[dreg:$0x9] =	wrdreg s28  }
0x15: {  	s3 =	sor.u32 $0x80, s3;
	s26 =	sadd.s32 $0x12540, s18;
	[dreg:$0xa] =	wrdreg s13  }
0x16: {  	s22 =	simm.s32 $0x400;
	s15 =	sadd.s32 s7, s9;
	[dreg:$0x15] =	wrdreg s26  }
0x17: {  	s24 =	simm.s32 $0x800;
	s9 =	sadd.s32 s8, s9;
	[dreg:$0xb] =	wrdreg s15  }
0x18: {  	s19 =	simm.s32 $0x680;
	s0 =	sadd.s32 $0x129000, s0;
	[dreg:$0xc] =	wrdreg s9  }
0x19: {  	s20 =	simm.s32 $0x4;
	s5 =	smax.u32 s5, $0x1;
	[dreg:$0xd] =	wrdreg s0  }
0x1a: {  	s23 =	sadd.s32 s21, s7;
	s25 =	sadd.s32 s3, s7;
	[dreg:$0xe] =	wrdreg s5  }
0x1b: {  	s3 =	sadd.s32 s3, s8;
	s28 =	sadd.s32 $0x15620, s18;
	[dreg:$0x4] =	wrdreg s23  }
0x1c: {  	s26 =	simm.s32 $0x1000;
	s7 =	simm.s32 $0x3000;
	[dreg:$0x6] =	wrdreg s25  }
0x1d: {  	s13 =	simm.s32 $0x1;
	s18 =	simm.s32 $0x2;
	[dreg:$0x16] =	wrdreg s28  }
0x1e: {  	s5 =	sadd.s32 s21, s8;
	[dreg:$0x7] =	wrdreg s3;
	s21 =	simm.s32 $0x5  }
0x1f: {  	s23 =	simm.s32 $0x80;
	s0 =	sshrl.u32 s16, $0x3;
	s8 =	simm.s32 $0x100  }
0x20: {  	s3 =	simm.s32 $0x600;
	s9 =	simm.s32 $0x3800;
	s16 =	simm.s32 $0x580  }
0x21: {  	s25 =	simm.s32 $0x700;
	s15 =	simm.s32 $0x0;
	[dreg:$0x5] =	wrdreg s5  }
0x22: {  	[dreg:$0x17] =	wrdreg s0;
	s0 =	simm.s32 $0x200;
	s5 =	simm.s32 $0x2800  }
.LBB2_1:
0x23: {  	[dreg:$0x18] =	wrdreg s15  }
0x24: {  	s6 =	rddreg [dreg:$0x8];
	s28 =	simm.s32 $0x4800  }
0x25: {  	[tilespmem:s28], [sflag:$0x5] =	stream.linear.gather [hbm4b:s6+s4], $0x30E0, $0x38;
	v63 =	vld [tilespmem:$0x0]  }
0x26: {  	_ =	swait.ge [sflag:s21], $0x30E0  }
0x27: {  	[sflag:s21] =	ssyncset.done $0x0  }
0x28: {  	s15 =	rddreg [dreg:$0xf];
	[sflag:s21] =	ssyncadd.s32 $0xFFFFCF20  }
0x29: {  	[spmem:s15] =	stream.linear.scatter [tilespmem:s28], [sflag:$0x5], $0x30E0, $0x38;
	v63 =	vld [tilespmem:$0x0]  }
0x2a: {  	_ =	swait.ge [sflag:s21], $0x30E0  }
0x2b: {  	[sflag:s21] =	ssyncset.done $0x0  }
0x2c: {  	s15 =	rddreg [dreg:$0x10];
	[sflag:s21] =	ssyncadd.s32 $0xFFFFCF20  }
0x2d: {  	[spmem:s15] =	stream.linear.scatter [tilespmem:s28], [sflag:$0x5], $0x30E0, $0x38;
	v63 =	vld [tilespmem:$0x0]  }
0x2e: {  	_ =	swait.ge [sflag:s21], $0x30E0  }
0x2f: {  	[sflag:s21] =	ssyncset.done $0x0  }
0x30: {  	s15 =	rddreg [dreg:$0x11];
	[sflag:s21] =	ssyncadd.s32 $0xFFFFCF20  }
0x31: {  	[spmem:s15] =	stream.linear.scatter [tilespmem:s28], [sflag:$0x5], $0x30E0, $0x38;
	v63 =	vld [tilespmem:$0x0]  }
0x32: {  	_ =	swait.ge [sflag:s21], $0x30E0  }
0x33: {  	[sflag:s21] =	ssyncset.done $0x0  }
0x34: {  	s15 =	rddreg [dreg:$0x12];
	[sflag:s21] =	ssyncadd.s32 $0xFFFFCF20  }
0x35: {  	[spmem:s15] =	stream.linear.scatter [tilespmem:s28], [sflag:$0x5], $0x30E0, $0x38;
	v63 =	vld [tilespmem:$0x0]  }
0x36: {  	_ =	swait.ge [sflag:s21], $0x30E0  }
0x37: {  	[sflag:s21] =	ssyncset.done $0x0  }
0x38: {  	s15 =	rddreg [dreg:$0x13];
	[sflag:s21] =	ssyncadd.s32 $0xFFFFCF20  }
0x39: {  	[spmem:s15] =	stream.linear.scatter [tilespmem:s28], [sflag:$0x5], $0x30E0, $0x38;
	v63 =	vld [tilespmem:$0x0]  }
0x3a: {  	_ =	swait.ge [sflag:s21], $0x30E0  }
0x3b: {  	[sflag:s21] =	ssyncset.done $0x0  }
0x3c: {  	s15 =	rddreg [dreg:$0x14];
	[sflag:s21] =	ssyncadd.s32 $0xFFFFCF20  }
0x3d: {  	[spmem:s15] =	stream.linear.scatter [tilespmem:s28], [sflag:$0x5], $0x30E0, $0x38;
	v63 =	vld [tilespmem:$0x0]  }
0x3e: {  	_ =	swait.ge [sflag:s21], $0x30E0  }
0x3f: {  	[sflag:s21] =	ssyncset.done $0x0  }
0x40: {  	s15 =	rddreg [dreg:$0x15];
	[sflag:s21] =	ssyncadd.s32 $0xFFFFCF20  }
0x41: {  	[spmem:s15] =	stream.linear.scatter [tilespmem:s28], [sflag:$0x5], $0x30E0, $0x38;
	v63 =	vld [tilespmem:$0x0]  }
0x42: {  	_ =	swait.ge [sflag:s21], $0x30E0  }
0x43: {  	[sflag:s21] =	ssyncset.done $0x0  }
0x44: {  	s15 =	rddreg [dreg:$0x16];
	[sflag:s21] =	ssyncadd.s32 $0xFFFFCF20  }
0x45: {  	[spmem:s15] =	stream.linear.scatter [tilespmem:s28], [sflag:$0x5], $0x30E0, $0x38;
	v63 =	vld [tilespmem:$0x0]  }
0x46: {  	_ =	swait.ge [sflag:s21], $0x30E0  }
0x47: {  	[sflag:s21] =	ssyncset.done $0x0  }
0x48: {  	[sflag:s21] =	ssyncadd.s32 $0xFFFFCF20  }
0x49: {  	[bflag:$0x0] =	sbarrier.arrive $0xFFFF  }
0x4a: {  	s15 =	rddreg [dreg:$0x9]  }
0x4b: {  	[tilespmem:s4], [sflag:$0x5] =	stream.linear.gather [hbm4b:s15+s4], $0x200, $0x38;
	v63 =	vld [tilespmem:$0x0]  }
0x4c: {  	_ =	swait.ge [sflag:s21], $0x200  }
0x4d: {  	[sflag:s21] =	ssyncset.done $0x0  }
0x4e: {  	s15 =	rddreg [dreg:$0xa];
	[sflag:s21] =	ssyncadd.s32 $0xFFFFFE00  }
0x4f: {  	[tilespmem:s22], [sflag:$0x5] =	stream.linear.gather [hbm4b:s15+s4], $0x200, $0x38;
	v63 =	vld [tilespmem:$0x0]  }
0x50: {  	_ =	swait.ge [sflag:s21], $0x200  }
0x51: {  	[sflag:s21] =	ssyncset.done $0x0  }
0x52: {  	[sflag:s21] =	ssyncadd.s32 $0xFFFFFE00  }
0x53: {  	[tilespmem:s24], [sflag:$0x1] =	stream.indirect.gather [hbm4b:s1+s23], $0x10, s4, s23, $0xb8;
	v63 =	vld [tilespmem:$0x0]  }
0x54: {  	_ = 	snop  }
0x55: {  	[tilespmem:s26], [sflag:$0x1] =	stream.indirect.gather [hbm4b:s1+s23], $0x10, s23, s23, $0xb8;
	v63 =	vld [tilespmem:$0x0]  }
0x56: {  	_ = 	snop  }
0x57: {  	[tilespmem:s29], [sflag:$0x1] =	stream.indirect.gather [hbm4b:s1+s23], $0x10, s8, s23, $0xb8;
	v63 =	vld [tilespmem:$0x0]  }
0x58: {  	_ = 	snop  }
0x59: {  	[tilespmem:s31], [sflag:$0x1] =	stream.indirect.gather [hbm4b:s1+s23], $0x10, s10, s23, $0xb8;
	v63 =	vld [tilespmem:$0x0]  }
0x5a: {  	s15 =	rddreg [dreg:$0xb]  }
0x5b: {  	[tilespmem:s0], [sflag:$0x5] =	stream.linear.gather [hbm4b:s15+s4], $0x200, $0x38;
	v63 =	vld [tilespmem:$0x0]  }
0x5c: {  	_ =	swait.ge [sflag:s21], $0x200  }
0x5d: {  	[sflag:s21] =	ssyncset.done $0x0  }
0x5e: {  	s15 =	rddreg [dreg:$0xc];
	[sflag:s21] =	ssyncadd.s32 $0xFFFFFE00  }
0x5f: {  	[tilespmem:s3], [sflag:$0x5] =	stream.linear.gather [hbm4b:s15+s4], $0x200, $0x38;
	v63 =	vld [tilespmem:$0x0]  }
0x60: {  	_ =	swait.ge [sflag:s21], $0x200  }
0x61: {  	[sflag:s21] =	ssyncset.done $0x0  }
0x62: {  	[sflag:s21] =	ssyncadd.s32 $0xFFFFFE00  }
0x63: {  	[tilespmem:s5], [sflag:$0x2] =	stream.indirect.gather [hbm4b:s1+s23], $0x10, s0, s23, $0xb8;
	v63 =	vld [tilespmem:$0x0]  }
0x64: {  	_ = 	snop  }
0x65: {  	[tilespmem:s7], [sflag:$0x2] =	stream.indirect.gather [hbm4b:s1+s23], $0x10, s30, s23, $0xb8;
	v63 =	vld [tilespmem:$0x0]  }
0x66: {  	_ = 	snop  }
0x67: {  	[tilespmem:s9], [sflag:$0x2] =	stream.indirect.gather [hbm4b:s1+s23], $0x10, s14, s23, $0xb8;
	v63 =	vld [tilespmem:$0x0]  }
0x68: {  	s15 =	simm.s32 $0x380  }
0x69: {  	[tilespmem:s11], [sflag:$0x2] =	stream.indirect.gather [hbm4b:s1+s23], $0x10, s15, s23, $0xb8;
	v63 =	vld [tilespmem:$0x0]  }
0x6a: {  	_ =	swait.ge [sflag:s13], $0x2000  }
0x6b: {  	[sflag:s13] =	ssyncset.done $0x0  }
0x6c: {  	[sflag:s13] =	ssyncadd.s32 $0xFFFFE000  }
0x6d: {  	[spmem:s2] =	stream.indirect.scatter.add.f32 [tilespmem:s24], [sflag:$0x3], $0x10, s22, s23, $0xb8;
	v63 =	vld [tilespmem:$0x0]  }
0x6e: {  	s15 =	simm.s32 $0x480  }
0x6f: {  	[spmem:s2] =	stream.indirect.scatter.add.f32 [tilespmem:s26], [sflag:$0x3], $0x10, s15, s23, $0xb8;
	v63 =	vld [tilespmem:$0x0]  }
0x70: {  	s15 =	simm.s32 $0x500  }
0x71: {  	[spmem:s2] =	stream.indirect.scatter.add.f32 [tilespmem:s29], [sflag:$0x3], $0x10, s15, s23, $0xb8;
	v63 =	vld [tilespmem:$0x0]  }
0x72: {  	_ = 	snop  }
0x73: {  	[spmem:s2] =	stream.indirect.scatter.add.f32 [tilespmem:s31], [sflag:$0x3], $0x10, s16, s23, $0xb8;
	v63 =	vld [tilespmem:$0x0]  }
0x74: {  	_ =	swait.ge [sflag:s17], $0x2000  }
0x75: {  	s28 =	rddreg [dreg:$0x6];
	[sflag:s17] =	ssyncset.done $0x0  }
0x76: {  	[sflag:s17] =	ssyncadd.s32 $0xFFFFE000;
	s28 =	sadd.s32 $0x0, s28  }
0x77: {  	[tilespmem:s4], [sflag:$0x5] =	stream.linear.gather [hbm4b:s28+s4], $0x200, $0x38;
	v63 =	vld [tilespmem:$0x0]  }
0x78: {  	_ =	swait.ge [sflag:s21], $0x200  }
0x79: {  	s28 =	rddreg [dreg:$0x7];
	[sflag:s21] =	ssyncset.done $0x0  }
0x7a: {  	[sflag:s21] =	ssyncadd.s32 $0xFFFFFE00;
	s28 =	sadd.s32 $0x0, s28  }
0x7b: {  	[tilespmem:s22], [sflag:$0x5] =	stream.linear.gather [hbm4b:s28+s4], $0x200, $0x38;
	v63 =	vld [tilespmem:$0x0]  }
0x7c: {  	_ =	swait.ge [sflag:s21], $0x200  }
0x7d: {  	[sflag:s21] =	ssyncset.done $0x0  }
0x7e: {  	[sflag:s21] =	ssyncadd.s32 $0xFFFFFE00  }
0x7f: {  	[tilespmem:s24], [sflag:$0x1] =	stream.indirect.gather [hbm4b:s1+s23], $0x10, s4, s23, $0xb8;
	v63 =	vld [tilespmem:$0x0]  }
0x80: {  	_ = 	snop  }
0x81: {  	[tilespmem:s26], [sflag:$0x1] =	stream.indirect.gather [hbm4b:s1+s23], $0x10, s23, s23, $0xb8;
	v63 =	vld [tilespmem:$0x0]  }
0x82: {  	_ = 	snop  }
0x83: {  	[tilespmem:s29], [sflag:$0x1] =	stream.indirect.gather [hbm4b:s1+s23], $0x10, s8, s23, $0xb8;
	v63 =	vld [tilespmem:$0x0]  }
0x84: {  	_ = 	snop  }
0x85: {  	[tilespmem:s31], [sflag:$0x1] =	stream.indirect.gather [hbm4b:s1+s23], $0x10, s10, s23, $0xb8;
	v63 =	vld [tilespmem:$0x0]  }
0x86: {  	_ =	swait.ge [sflag:s18], $0x2000  }
0x87: {  	[sflag:s18] =	ssyncset.done $0x0  }
0x88: {  	[sflag:s18] =	ssyncadd.s32 $0xFFFFE000  }
0x89: {  	[spmem:s2] =	stream.indirect.scatter.add.f32 [tilespmem:s5], [sflag:$0x4], $0x10, s3, s23, $0xb8;
	v63 =	vld [tilespmem:$0x0]  }
0x8a: {  	_ = 	snop  }
0x8b: {  	[spmem:s2] =	stream.indirect.scatter.add.f32 [tilespmem:s7], [sflag:$0x4], $0x10, s19, s23, $0xb8;
	v63 =	vld [tilespmem:$0x0]  }
0x8c: {  	_ = 	snop  }
0x8d: {  	[spmem:s2] =	stream.indirect.scatter.add.f32 [tilespmem:s9], [sflag:$0x4], $0x10, s25, s23, $0xb8;
	v63 =	vld [tilespmem:$0x0]  }
0x8e: {  	_ = 	snop  }
0x8f: {  	[spmem:s2] =	stream.indirect.scatter.add.f32 [tilespmem:s11], [sflag:$0x4], $0x10, s12, s23, $0xb8;
	v63 =	vld [tilespmem:$0x0]  }
0x90: {  	_ =	swait.ge [sflag:s20], $0x2000  }
0x91: {  	s28 =	rddreg [dreg:$0x4];
	[sflag:s20] =	ssyncset.done $0x0  }
0x92: {  	[sflag:s20] =	ssyncadd.s32 $0xFFFFE000;
	s28 =	sadd.s32 $0x0, s28  }
0x93: {  	[tilespmem:s0], [sflag:$0x5] =	stream.linear.gather [hbm4b:s28+s4], $0x200, $0x38;
	v63 =	vld [tilespmem:$0x0]  }
0x94: {  	_ =	swait.ge [sflag:s21], $0x200  }
0x95: {  	s28 =	rddreg [dreg:$0x5];
	[sflag:s21] =	ssyncset.done $0x0  }
0x96: {  	[sflag:s21] =	ssyncadd.s32 $0xFFFFFE00;
	s28 =	sadd.s32 $0x0, s28  }
0x97: {  	[tilespmem:s3], [sflag:$0x5] =	stream.linear.gather [hbm4b:s28+s4], $0x200, $0x38;
	v63 =	vld [tilespmem:$0x0]  }
0x98: {  	_ =	swait.ge [sflag:s21], $0x200  }
0x99: {  	[sflag:s21] =	ssyncset.done $0x0  }
0x9a: {  	[sflag:s21] =	ssyncadd.s32 $0xFFFFFE00  }
0x9b: {  	[tilespmem:s5], [sflag:$0x2] =	stream.indirect.gather [hbm4b:s1+s23], $0x10, s0, s23, $0xb8;
	v63 =	vld [tilespmem:$0x0]  }
0x9c: {  	_ = 	snop  }
0x9d: {  	[tilespmem:s7], [sflag:$0x2] =	stream.indirect.gather [hbm4b:s1+s23], $0x10, s30, s23, $0xb8;
	v63 =	vld [tilespmem:$0x0]  }
0x9e: {  	s15 =	simm.s32 $0x300;
	s8 =	simm.s32 $0x100  }
0x9f: {  	[tilespmem:s9], [sflag:$0x2] =	stream.indirect.gather [hbm4b:s1+s23], $0x10, s14, s23, $0xb8;
	v63 =	vld [tilespmem:$0x0]  }
0xa0: {  	s10 =	simm.s32 $0x180;
	s28 =	simm.s32 $0x80;
	s14 =	simm.s32 $0x280  }
.LBB2_2:
0xa1: {  	s6 =	simm.s32 $0x380  }
0xa2: {  	[tilespmem:s11], [sflag:$0x2] =	stream.indirect.gather [hbm4b:s1+s23], $0x10, s6, s23, $0xb8;
	v63 =	vld [tilespmem:$0x0]  }
0xa3: {  	_ =	swait.ge [sflag:s13], $0x2000  }
0xa4: {  	[sflag:s13] =	ssyncset.done $0x0  }
0xa5: {  	[sflag:s13] =	ssyncadd.s32 $0xFFFFE000  }
0xa6: {  	[spmem:s2] =	stream.indirect.scatter.add.f32 [tilespmem:s24], [sflag:$0x3], $0x10, s22, s23, $0xb8;
	v63 =	vld [tilespmem:$0x0]  }
0xa7: {  	s6 =	simm.s32 $0x480  }
0xa8: {  	[spmem:s2] =	stream.indirect.scatter.add.f32 [tilespmem:s26], [sflag:$0x3], $0x10, s6, s23, $0xb8;
	v63 =	vld [tilespmem:$0x0]  }
0xa9: {  	s6 =	simm.s32 $0x500  }
0xaa: {  	[spmem:s2] =	stream.indirect.scatter.add.f32 [tilespmem:s29], [sflag:$0x3], $0x10, s6, s23, $0xb8;
	v63 =	vld [tilespmem:$0x0]  }
0xab: {  	_ = 	snop  }
0xac: {  	[spmem:s2] =	stream.indirect.scatter.add.f32 [tilespmem:s31], [sflag:$0x3], $0x10, s16, s23, $0xb8;
	v63 =	vld [tilespmem:$0x0]  }
0xad: {  	_ =	swait.ge [sflag:s17], $0x2000  }
0xae: {  	s30 =	smov.u32 s28;
	s6 =	rddreg [dreg:$0x6];
	[sflag:s17] =	ssyncset.done $0x0  }
0xaf: {  	[sflag:s17] =	ssyncadd.s32 $0xFFFFE000;
	s6 =	sadd.s32 s30, s6  }
0xb0: {  	[tilespmem:s4], [sflag:$0x5] =	stream.linear.gather [hbm4b:s6+s4], $0x200, $0x38;
	v63 =	vld [tilespmem:$0x0]  }
0xb1: {  	_ =	swait.ge [sflag:s21], $0x200  }
0xb2: {  	s6 =	rddreg [dreg:$0x7];
	[sflag:s21] =	ssyncset.done $0x0  }
0xb3: {  	[sflag:s21] =	ssyncadd.s32 $0xFFFFFE00;
	s6 =	sadd.s32 s30, s6  }
0xb4: {  	[tilespmem:s22], [sflag:$0x5] =	stream.linear.gather [hbm4b:s6+s4], $0x200, $0x38;
	v63 =	vld [tilespmem:$0x0]  }
0xb5: {  	_ =	swait.ge [sflag:s21], $0x200  }
0xb6: {  	[sflag:s21] =	ssyncset.done $0x0  }
0xb7: {  	[sflag:s21] =	ssyncadd.s32 $0xFFFFFE00  }
0xb8: {  	[tilespmem:s24], [sflag:$0x1] =	stream.indirect.gather [hbm4b:s1+s23], $0x10, s4, s23, $0xb8;
	v63 =	vld [tilespmem:$0x0]  }
0xb9: {  	_ = 	snop  }
0xba: {  	[tilespmem:s26], [sflag:$0x1] =	stream.indirect.gather [hbm4b:s1+s23], $0x10, s23, s23, $0xb8;
	v63 =	vld [tilespmem:$0x0]  }
0xbb: {  	_ = 	snop  }
0xbc: {  	[tilespmem:s29], [sflag:$0x1] =	stream.indirect.gather [hbm4b:s1+s23], $0x10, s8, s23, $0xb8;
	v63 =	vld [tilespmem:$0x0]  }
0xbd: {  	_ = 	snop  }
0xbe: {  	[tilespmem:s31], [sflag:$0x1] =	stream.indirect.gather [hbm4b:s1+s23], $0x10, s10, s23, $0xb8;
	v63 =	vld [tilespmem:$0x0]  }
0xbf: {  	_ =	swait.ge [sflag:s18], $0x2000  }
0xc0: {  	[sflag:s18] =	ssyncset.done $0x0  }
0xc1: {  	[sflag:s18] =	ssyncadd.s32 $0xFFFFE000  }
0xc2: {  	[spmem:s2] =	stream.indirect.scatter.add.f32 [tilespmem:s5], [sflag:$0x4], $0x10, s3, s23, $0xb8;
	v63 =	vld [tilespmem:$0x0]  }
0xc3: {  	_ = 	snop  }
0xc4: {  	[spmem:s2] =	stream.indirect.scatter.add.f32 [tilespmem:s7], [sflag:$0x4], $0x10, s19, s23, $0xb8;
	v63 =	vld [tilespmem:$0x0]  }
0xc5: {  	_ = 	snop  }
0xc6: {  	[spmem:s2] =	stream.indirect.scatter.add.f32 [tilespmem:s9], [sflag:$0x4], $0x10, s25, s23, $0xb8;
	v63 =	vld [tilespmem:$0x0]  }
0xc7: {  	_ = 	snop  }
0xc8: {  	[spmem:s2] =	stream.indirect.scatter.add.f32 [tilespmem:s11], [sflag:$0x4], $0x10, s12, s23, $0xb8;
	v63 =	vld [tilespmem:$0x0]  }
0xc9: {  	_ =	swait.ge [sflag:s20], $0x2000  }
0xca: {  	s6 =	rddreg [dreg:$0x4];
	[sflag:s20] =	ssyncset.done $0x0  }
0xcb: {  	[sflag:s20] =	ssyncadd.s32 $0xFFFFE000;
	s6 =	sadd.s32 s30, s6  }
0xcc: {  	[tilespmem:s0], [sflag:$0x5] =	stream.linear.gather [hbm4b:s6+s4], $0x200, $0x38;
	v63 =	vld [tilespmem:$0x0]  }
0xcd: {  	_ =	swait.ge [sflag:s21], $0x200  }
0xce: {  	s6 =	rddreg [dreg:$0x5];
	[sflag:s21] =	ssyncset.done $0x0  }
0xcf: {  	[sflag:s21] =	ssyncadd.s32 $0xFFFFFE00;
	s6 =	sadd.s32 s30, s6  }
0xd0: {  	[tilespmem:s3], [sflag:$0x5] =	stream.linear.gather [hbm4b:s6+s4], $0x200, $0x38;
	v63 =	vld [tilespmem:$0x0]  }
0xd1: {  	_ =	swait.ge [sflag:s21], $0x200  }
0xd2: {  	[sflag:s21] =	ssyncset.done $0x0  }
0xd3: {  	p0 =	sne.s32 s28, $0x3000;
	[sflag:s21] =	ssyncadd.s32 $0xFFFFFE00  }
0xd4: {  	[tilespmem:s5], [sflag:$0x2] =	stream.indirect.gather [hbm4b:s1+s23], $0x10, s0, s23, $0xb8;
	v63 =	vld [tilespmem:$0x0]  }
.Ltmp0:
0xd5: {  	_ = 	snop;
	(pc) =	sbr.rel @p0 .LBB2_2-.Ltmp0, $4  }
0xd6: {  	_ = 	snop  }
0xd7: {  	[tilespmem:s7], [sflag:$0x2] =	stream.indirect.gather [hbm4b:s1+s23], $0x10, s14, s23, $0xb8;
	v63 =	vld [tilespmem:$0x0]  }
0xd8: {  	s28 =	sadd.s32 $0x80, s28  }
0xd9: {  	[tilespmem:s9], [sflag:$0x2] =	stream.indirect.gather [hbm4b:s1+s23], $0x10, s15, s23, $0xb8;
	v63 =	vld [tilespmem:$0x0]  }
0xda: {  	s6 =	simm.s32 $0x380  }
0xdb: {  	[tilespmem:s11], [sflag:$0x2] =	stream.indirect.gather [hbm4b:s1+s23], $0x10, s6, s23, $0xb8;
	v63 =	vld [tilespmem:$0x0]  }
0xdc: {  	_ =	swait.ge [sflag:s13], $0x2000  }
0xdd: {  	[sflag:s13] =	ssyncset.done $0x0  }
0xde: {  	[sflag:s13] =	ssyncadd.s32 $0xFFFFE000  }
0xdf: {  	[spmem:s2] =	stream.indirect.scatter.add.f32 [tilespmem:s24], [sflag:$0x3], $0x10, s22, s23, $0xb8;
	v63 =	vld [tilespmem:$0x0]  }
0xe0: {  	s10 =	simm.s32 $0x480  }
0xe1: {  	[spmem:s2] =	stream.indirect.scatter.add.f32 [tilespmem:s26], [sflag:$0x3], $0x10, s10, s23, $0xb8;
	v63 =	vld [tilespmem:$0x0]  }
0xe2: {  	s14 =	simm.s32 $0x500  }
0xe3: {  	[spmem:s2] =	stream.indirect.scatter.add.f32 [tilespmem:s29], [sflag:$0x3], $0x10, s14, s23, $0xb8;
	v63 =	vld [tilespmem:$0x0]  }
0xe4: {  	_ = 	snop  }
0xe5: {  	[spmem:s2] =	stream.indirect.scatter.add.f32 [tilespmem:s31], [sflag:$0x3], $0x10, s16, s23, $0xb8;
	v63 =	vld [tilespmem:$0x0]  }
0xe6: {  	_ =	swait.ge [sflag:s17], $0x2000  }
0xe7: {  	[sflag:s17] =	ssyncset.done $0x0  }
0xe8: {  	[sflag:s17] =	ssyncadd.s32 $0xFFFFE000  }
0xe9: {  	_ =	swait.ge [sflag:s18], $0x2000  }
0xea: {  	[sflag:s18] =	ssyncset.done $0x0  }
0xeb: {  	[sflag:s18] =	ssyncadd.s32 $0xFFFFE000  }
0xec: {  	[spmem:s2] =	stream.indirect.scatter.add.f32 [tilespmem:s5], [sflag:$0x4], $0x10, s3, s23, $0xb8;
	v63 =	vld [tilespmem:$0x0]  }
0xed: {  	_ = 	snop  }
0xee: {  	[spmem:s2] =	stream.indirect.scatter.add.f32 [tilespmem:s7], [sflag:$0x4], $0x10, s19, s23, $0xb8;
	v63 =	vld [tilespmem:$0x0]  }
0xef: {  	_ = 	snop  }
0xf0: {  	[spmem:s2] =	stream.indirect.scatter.add.f32 [tilespmem:s9], [sflag:$0x4], $0x10, s25, s23, $0xb8;
	v63 =	vld [tilespmem:$0x0]  }
0xf1: {  	_ = 	snop  }
0xf2: {  	[spmem:s2] =	stream.indirect.scatter.add.f32 [tilespmem:s11], [sflag:$0x4], $0x10, s12, s23, $0xb8;
	v63 =	vld [tilespmem:$0x0]  }
0xf3: {  	_ =	swait.ge [sflag:s20], $0x2000  }
0xf4: {  	[sflag:s20] =	ssyncset.done $0x0  }
0xf5: {  	[sflag:s20] =	ssyncadd.s32 $0xFFFFE000  }
0xf6: {  	s15 =	stileid.u32;
	[bflag:$0x0] =	sbarrier.arrive $0xFFFF  }
0xf7: {  	s6 =	sshll.u32 s15, $0x6;
	s28 =	rddreg [dreg:$0xd]  }
0xf8: {  	s6 =	sor.u32 $0x1C05, s6;
	s30 =	rddreg [dreg:$0x17]  }
0xf9: {  	[hbm:s28], [sflag:s6] =	dma.local [spmem:s30], $0x30E0  }
0xfa: {  	_ =	swait.ge [sflag:s21], $0x30E0  }
0xfb: {  	s15 =	rddreg [dreg:$0x18]  }
0xfc: {  	s28 =	rddreg [dreg:$0xe];
	s15 =	sadd.s32 $0x1, s15  }
0xfd: {  	p0 =	sne.s32 s15, s28  }
.Ltmp1:
0xfe: {  	_ = 	snop;
	(pc) =	sbr.rel @p0 .LBB2_1-.Ltmp1, $3  }
0xff: {  	_ =	sdelay $0x1  }
0x100: {  	s8 =	simm.s32 $0x100;
	s10 =	simm.s32 $0x180;
	[sflag:s21] =	ssyncset.done $0x0  }
0x101: {  	s14 =	simm.s32 $0x300;
	s30 =	simm.s32 $0x280;
	[sflag:s21] =	ssyncadd.s32 $0xFFFFCF20  }
0x102: {  	_ =	sfence.sel $0x180000  }
0x103: {  	[bflag:$0x0] =	sbarrier.arrive $0xFFFF  }
0x104: {  	_ =	strace $0x9000004D  }
0x105: {  	s0 =	stileid.u32;
	[bflag:$0x2] =	sbarrier.arrive $0xFFFF  }
0x106: {  	p0 =	sne.s32 s0, $0x0;
	s0 =	rddreg [dreg:$0x3]  }
0x107: {  	s0 =	sadd.s32 @!p0 $0x100000, s0  }
0x108: {  	[sflag:s0] =	ssyncadd.tile.s32 @!p0 $0x1;
	_ =	shalt  }
.Lfunc_end2:
_tile_overlayer_lowered:
.L_overlay_start_2:
0x109: {  	(tag) =	ssettag $0x2  }
0x10a: {  	s0 =	rddreg [dreg:$0x0];
	s2 =	stileid.u32  }
0x10b: {  	s1 =	rddreg [dreg:$0x1];
	p0 =	sne.s32 s2, $0x0  }
0x10c: {  	s3 =	rddreg [dreg:$0x2];
	[bflag:$0x3] =	sbarrier.arrive $0xFFFF;
	s2 =	simm.s32 @!p0 $0x1C05  }
0x10d: {  	[timem:s3], [sflag:s2] =	dma.local @!p0 [hbm:s0], s1  }
0x10e: {  	s0 =	simm.s32 @!p0 $0x5  }
0x10f: {  	_ =	swait.ge @!p0 [sflag:s0], s1  }
0x110: {  	s1 =	ssub.s32 @!p0 $0x0, s1;
	[sflag:s0] =	ssyncset.done @!p0 $0x0  }
0x111: {  	[sflag:s0] =	ssyncadd.s32 @!p0 s1  }
0x112: {  	[bflag:$0x3] =	sbarrier.arrive $0xFFFF  }
0x113: {  	_ =	shalt  }

// kernel: kernel.7.cloned.1.call-start
scs
__scs_entry_jumppad:
0x0: {  	(pc) =	sbr.rel $0x88, $3  }
0x1: {  	(tag) =	ssettag $0x0;
	lr =	simm.s32 $0x1  }
0x2: {  	[smem:$0x3F99] =	sst lr;
	_ =	strace $0xD0000000  }
0x3: {  	_ = 	snop  }
0x4: {  	_ = 	snop  }
0x5: {  	_ = 	snop  }
0x6: {  	_ = 	snop  }
0x7: {  	_ = 	snop  }
__scs_overlays_trampoline_lowered:
0x8: {  	[smem:$0x3FA8] =	sst s0  }
0x9: {  	[smem:$0x3FA9] =	sst s1  }
0xa: {  	[smem:$0x3FAA] =	sst s2  }
0xb: {  	[smem:$0x3FAB] =	sst s3  }
0xc: {  	[smem:$0x3FAC] =	sst s4  }
0xd: {  	[smem:$0x3FAD] =	sst s5  }
0xe: {  	[smem:$0x3FAE] =	sst s6  }
0xf: {  	[smem:$0x3FAF] =	sst s7  }
0x10: {  	[smem:$0x3FB0] =	sst s8  }
0x11: {  	[smem:$0x3FB1] =	sst s9;
	s0 =	simm.s32 @!p0 $0x0  }
0x12: {  	s1 =	sld [smem:$0x3F97];
	s0 =	simm.s32 @p0 $0x1  }
0x13: {  	[smem:$0x3FB2] =	sst s0;
	s0 =	simm.s32 @!p1 $0x0  }
0x14: {  	s2 =	sld [smem:$0x3F96];
	s0 =	simm.s32 @p1 $0x1  }
0x15: {  	[smem:$0x3FB3] =	sst s0;
	s0 =	simm.s32 @!p2 $0x0  }
0x16: {  	s3 =	sld [smem:$0x3FDB];
	s0 =	simm.s32 @p2 $0x1  }
0x17: {  	s4 =	simm.s32 $0x1BF5;
	[smem:$0x3FB5] =	sst s0  }
0x18: {  	s0 =	sld [smem:$0x3F98];
	_ =	swait.ge [sflag:s4], $0x0  }
0x19: {  	s7 =	sld [smem:$0x3F99]  }
0x1a: {  	s8 =	sadd.s32 $0xFFFFE003, lr  }
0x1b: {  	s9 =	sadd.s32 $0xFFFFFEF7, lr;
	s5 =	simm.s32 $0xFFFFFFFF;
	p2 =	slt.u32 s8, $0xFFFFF086  }
0x1c: {  	p1 =	slt.u32 s9, $0xF7A;
	s5 =	simm.s32 @!p2 $0x0  }
0x1d: {  	s5 =	simm.s32 @p1 $0x1;
	p0 =	seq.s32 s7, s2  }
0x1e: {  	s7 =	smul.u32 @!p0 $0xF7A, s2;
	p2 =	seq.s32 @!p0 s5, $0x0  }
0x1f: {  	s9 =	smul.u32 $0xF7A, s1;
	s8 =	simm.s32 @!p0 $0x1BF5;
	p2 =	por !p2, p0  }
0x20: {  	[sflag:s8] =	ssyncset.s32 @!p0 $0xFFFFF086;
	s6 =	sadd.s32 @!p0 s3, s7;
	s7 =	simm.s32 @!p0 $0x108  }
0x21: {  	s3 =	sadd.s32 s3, s9;
	s6 =	sadd.s32 @!p0 $0x88, s6;
	s7 =	simm.s32 @p2 $0x1082  }
0x22: {  	[simem:s7], [sflag:s8] =	dma.local @!p0 [hbm:s6], $0xF7A  }
0x23: {  	s9 =	sor.u32 $0xD0000000, s2;
	s6 =	simm.s32 $0x108;
	_ =	swait.ge @!p0 [sflag:s8], $0x0  }
0x24: {  	s3 =	sadd.s32 $0x88, s3;
	s6 =	simm.s32 @!p1 $0x1082;
	[sflag:s4] =	ssyncset.s32 $0xFFFFF086  }
0x25: {  	[simem:s6], [sflag:s4] =	dma.local [hbm:s3], $0xF7A  }
0x26: {  	[smem:$0x3F99] =	sst s1;
	(tag) =	ssettag s2;
	_ =	strace s9  }
0x27: {  	s1 =	sld [smem:$0x3FA9]  }
0x28: {  	s2 =	sld [smem:$0x3FAA]  }
0x29: {  	s4 =	sld [smem:$0x3FAC]  }
0x2a: {  	p0 =	seq.s32 s5, $0x0;
	s5 =	sld [smem:$0x3FAD]  }
0x2b: {  	s6 =	sld [smem:$0x3FAE]  }
0x2c: {  	s7 =	sld [smem:$0x3FAF]  }
0x2d: {  	s3 =	simm.s32 $0x108;
	s8 =	sld [smem:$0x3FB0]  }
0x2e: {  	s3 =	simm.s32 @!p0 $0x1082;
	s9 =	sld [smem:$0x3FB1]  }
0x2f: {  	lr =	sadd.s32 s0, s3;
	s0 =	sld [smem:$0x3FA8]  }
0x30: {  	s3 =	sld [smem:$0x3FAB]  }
0x31: {  	[smem:$0x3FB4] =	sst s10  }
0x32: {  	s10 =	sld [smem:$0x3FB2];
	_ =	sdelay $0x3  }
0x33: {  	p0 =	seq.s32 s10, $0x1;
	s10 =	sld [smem:$0x3FB4];
	_ =	sdelay $0x3  }
0x34: {  	[smem:$0x3FB4] =	sst s10  }
0x35: {  	s10 =	sld [smem:$0x3FB3];
	_ =	sdelay $0x3  }
0x36: {  	p1 =	seq.s32 s10, $0x1;
	s10 =	sld [smem:$0x3FB4];
	_ =	sdelay $0x3  }
0x37: {  	[smem:$0x3FB4] =	sst s10  }
0x38: {  	s10 =	sld [smem:$0x3FB5]  }
0x39: {  	_ = 	snop;
	(pc) =	sbr.ind lr, $3  }
0x3a: {  	_ = 	snop  }
0x3b: {  	_ = 	snop  }
0x3c: {  	p2 =	seq.s32 s10, $0x1;
	s10 =	sld [smem:$0x3FB4]  }
0x3d: {  	_ =	shalt  }
0x3e: {  	_ =	shalt  }
0x3f: {  	_ =	shalt  }
0x40: {  	_ =	shalt  }
0x41: {  	_ =	shalt  }
0x42: {  	_ =	shalt  }
0x43: {  	_ =	shalt  }
0x44: {  	_ =	shalt  }
0x45: {  	_ =	shalt  }
0x46: {  	_ =	shalt  }
0x47: {  	_ =	shalt  }
0x48: {  	_ =	shalt  }
0x49: {  	_ =	shalt  }
0x4a: {  	_ =	shalt  }
0x4b: {  	_ =	shalt  }
0x4c: {  	_ =	shalt  }
0x4d: {  	_ =	shalt  }
0x4e: {  	_ =	shalt  }
0x4f: {  	_ =	shalt  }
0x50: {  	_ =	shalt  }
0x51: {  	_ =	shalt  }
0x52: {  	_ =	shalt  }
0x53: {  	_ =	shalt  }
0x54: {  	_ =	shalt  }
0x55: {  	_ =	shalt  }
0x56: {  	_ =	shalt  }
0x57: {  	_ =	shalt  }
0x58: {  	_ =	shalt  }
0x59: {  	_ =	shalt  }
0x5a: {  	_ =	shalt  }
0x5b: {  	_ =	shalt  }
0x5c: {  	_ =	shalt  }
0x5d: {  	_ =	shalt  }
0x5e: {  	_ =	shalt  }
0x5f: {  	_ =	shalt  }
0x60: {  	_ =	shalt  }
0x61: {  	_ =	shalt  }
0x62: {  	_ =	shalt  }
0x63: {  	_ =	shalt  }
0x64: {  	_ =	shalt  }
0x65: {  	_ =	shalt  }
0x66: {  	_ =	shalt  }
0x67: {  	_ =	shalt  }
0x68: {  	_ =	shalt  }
0x69: {  	_ =	shalt  }
0x6a: {  	_ =	shalt  }
0x6b: {  	_ =	shalt  }
0x6c: {  	_ =	shalt  }
0x6d: {  	_ =	shalt  }
0x6e: {  	_ =	shalt  }
0x6f: {  	_ =	shalt  }
0x70: {  	_ =	shalt  }
0x71: {  	_ =	shalt  }
0x72: {  	_ =	shalt  }
0x73: {  	_ =	shalt  }
0x74: {  	_ =	shalt  }
0x75: {  	_ =	shalt  }
0x76: {  	_ =	shalt  }
0x77: {  	_ =	shalt  }
0x78: {  	_ =	shalt  }
0x79: {  	_ =	shalt  }
0x7a: {  	_ =	shalt  }
0x7b: {  	_ =	shalt  }
0x7c: {  	_ =	shalt  }
0x7d: {  	_ =	shalt  }
0x7e: {  	_ =	shalt  }
0x7f: {  	_ =	shalt  }
0x80: {  	_ =	shalt  }
0x81: {  	_ =	shalt  }
0x82: {  	_ =	shalt  }
0x83: {  	_ =	shalt  }
0x84: {  	_ =	shalt  }
0x85: {  	_ =	shalt  }
0x86: {  	_ =	shalt  }
0x87: {  	_ =	shalt  }
.Lfunc_end0:
.L_simem_size_0:
called_computation_lowered:
.L_overlay_start_0:
0x88: {  	s2 =	sld [smem:$0x3FD9]  }
0x89: {  	s3 =	sld [smem:$0x3FFE];
	_ =	sdelay $0x1  }
0x8a: {  	s1 =	srdreg.scid  }
0x8b: {  	s0 =	sand.u32 $0x1, s1  }
0x8c: {  	s16 =	sshll.u32 s0, $0xA;
	s2 =	sadd.s32 s3, s2  }
0x8d: {  	s2 =	sadd.s32 s2, s16  }
0x8e: {  	[smem:$0x3FC0] =	sst s2  }
0x8f: {  	_ = 	snop  }
0x90: {  	(tm) =	ssettm $0x1  }
0x91: {  	s17 =	sld [smem:$0x3FFB];
	_ =	sdelay $0x3  }
0x92: {  	_ =	strace s17  }
0x93: {  	s2 =	sld [smem:$0x3FFC];
	_ =	sdelay $0x3  }
0x94: {  	_ =	strace s2  }
0x95: {  	s2 =	sld [smem:$0x3FFD];
	_ =	sdelay $0x3  }
0x96: {  	_ =	strace s2  }
0x97: {  	_ =	strace $0x8FFFFFFF  }
0x98: {  	s18 =	sld [smem:$0x3FDB];
	_ =	sdelay $0x1  }
0x99: {  	s19 =	simm.s32 $_scs_section_size  }
0x9a: {  	s4 =	simm.s32 $_size__tile_overlayer_lowered;
	s5 =	simm.s32 $_tile_overlayer_lowered  }
0x9b: {  	s22 =	simm.s32 $0x1BFF;
	s21 =	sshll.u32 s5, $0x1;
	s2 =	sadd.s32 s19, s18  }
0x9c: {  	s6 =	simm.s32 $0x0;
	s20 =	sshll.u32 s4, $0x1;
	s4 =	sadd.s32 s21, s2  }
0x9d: {  	[timem:s6], [sflag:s22] =	dma.local [hbm:s4], s20  }
0x9e: {  	_ =	swait.ge [sflag:s22], s20  }
0x9f: {  	s3 =	ssub.s32 $0x0, s20;
	[sflag:s22] =	ssyncset.done $0x0  }
0xa0: {  	[sflag:s22] =	ssyncadd.s32 s3;
	_ =	sdelay $0x1  }
0xa1: {  	s23 =	simm.s32 $0x1B8B  }
0xa2: {  	_ =	swait.ge [sflag:s23], $0x1  }
0xa3: {  	[sflag:s23] =	ssyncset.done $0x0  }
0xa4: {  	s25 =	simm.s32 $0x1B8E;
	s24 =	sld [smem:$0x3FFE];
	[sflag:s23] =	ssyncadd.s32 $0xFFFFFFFF  }
0xa5: {  	s26 =	simm.s32 $execute0_lowered;
	[smem:$0x3FD2] =	sst s25  }
0xa6: {  	s4 =	sshll.u32 s26, $0x1;
	_ =	strace $0x80000046;
	[dreg:$0x1] =	wrdreg $0xFFFFFFFF  }
0xa7: {  	s28 =	simm.s32 $_size_execute0_lowered;
	s2 =	sadd.s32 s2, s4;
	[dreg:$0x0] =	wrdreg $0x0  }
0xa8: {  	s4 =	sshll.u32 s28, $0x1;
	[dreg:$0x2] =	wrdreg s2  }
0xa9: {  	[dreg:$0x3] =	wrdreg s4  }
0xaa: {  	[dreg:$0x4] =	wrdreg $0xC0  }
0xab: {  	_ =	task [dreg:s6], $0x5FFFF  }
0xac: {  	[dreg:$0x1] =	wrdreg $0xFFFFFFFF  }
0xad: {  	[dreg:$0x0] =	wrdreg $0x60  }
0xae: {  	[dreg:$0x2] =	wrdreg s24  }
0xaf: {  	[dreg:$0x3] =	wrdreg $0x54E00  }
0xb0: {  	[dreg:$0x4] =	wrdreg $0x9  }
0xb1: {  	_ =	task.clear_ibuf [dreg:s6], $0x5FFFF;
	_ =	strace $0x90000046  }
0xb2: {  	s29 =	simm.s32 $0x9;
	_ =	strace $0x80000048  }
0xb3: {  	_ =	swait.ge [sflag:s29], $0x1  }
0xb4: {  	[sflag:s29] =	ssyncadd.s32 $0xFFFFFFFF  }
0xb5: {  	_ =	strace $0x90000048  }
0xb6: {  	_ =	sfence  }
0xb7: {  	s30 =	sld [smem:$0x0];
	_ =	sdelay $0x2  }
0xb8: {  	s31 =	sshll.u32 s1, $0xD;
	s1 =	sshrl.u32 s1, $0x2  }
0xb9: {  	s3 =	sand.u32 $0x4000, s31;
	s1 =	sadd.s32 s1, s30  }
0xba: {  	s0 =	sor.u32 s3, s0;
	s1 =	sshll.u32 s1, $0x11  }
0xbb: {  	s0 =	sor.u32 s1, s0  }
0xbc: {  	s0 =	sadd.s32 $0x8F2B, s0  }
0xbd: {  	[sflag:s0] =	ssyncadd.remote.s32 $0x1  }
0xbe: {  	_ =	sfence.sel $0xFFFF  }
0xbf: {  	[dreg:$0x0] =	wrdreg $0xFFFFFFFF;
	(pc) =	sbr.abs _section_cstart, $3  }
0xc0: {  	[dreg:$0x1] =	wrdreg $0xFFFFFFFF  }
0xc1: {  	_ =	task.clear_ibuf [dreg:s6], $0x2FFFF;
	_ =	strace $0x9FFFFFFF  }
0xc2: {  	(tm) =	ssettm $0x7FFFFFFF  }
0xc3: {  	_ =	shalt  }
tec
execute0_lowered:
.L_overlay_start_1:
0x0: {  	(tag) =	ssettag $0x1  }
0x1: {  	s0 =	rddreg [dreg:$0x0]  }
0x2: {  	s1 =	rddreg [dreg:$0x1]  }
0x3: {  	s3 =	simm.s32 $0x0;
	s2 =	srdreg.scid;
	s10 =	stileid.u32  }
0x4: {  	s28 =	simm.s32 $0x1400;
	s29 =	simm.s32 $0x180;
	s30 =	simm.s32 $0x1C00  }
0x5: {  	s31 =	simm.s32 $0x200;
	[smem:$0x7FF] =	sst s3;
	s5 =	smul.u32 $0x18700, s10  }
0x6: {  	s2 =	sand.u32 $0x1, s2;
	s6 =	sadd.s32 $0x64C00, s0;
	s9 =	smul.u32 $0x61C00, s10  }
0x7: {  	s20 =	sadd.s32 $0x2C00, s0;
	s8 =	sadd.s32 $0x65000, s0;
	s24 =	smul.u32 $0x310, s10  }
0x8: {  	s4 =	smul.u32 $0x187000, s2;
	_ =	strace $0x80000047;
	[dreg:$0x3] =	wrdreg s6  }
0x9: {  	s7 =	sshll.u32 s2, $0x4;
	[dreg:$0x4] =	wrdreg s8;
	s21 =	ssub.s32 $0x2, s2  }
0xa: {  	s2 =	smul.u32 $0x3100, s2;
	s8 =	simm.s32 $0x0;
	s7 =	sor.u32 s10, s7  }
0xb: {  	s22 =	sshrl.u32 s21, $0x1;
	s23 =	sshrl.u32 s9, $0x2;
	s25 =	sadd.s32 s5, s1  }
0xc: {  	s4 =	sadd.s32 s5, s4;
	s7 =	smul.u32 $0x3100, s7;
	s9 =	sadd.s32 s23, s1  }
0xd: {  	s2 =	sadd.s32 s24, s2;
	s23 =	simm.s32 $0x80;
	s24 =	simm.s32 $0xC00  }
0xe: {  	s25 =	sshrl.u32 s25, $0x3;
	s5 =	simm.s32 $0x1;
	s4 =	sshrl.u32 s4, $0x3  }
0xf: {  	s26 =	sadd.s32 $0x30E0, s9;
	s12 =	sadd.s32 $0x61C0, s9;
	s13 =	sadd.s32 $0x92A0, s9  }
0x10: {  	s2 =	sshll.u32 s2, $0x4;
	s14 =	sadd.s32 $0xC380, s9;
	s15 =	sadd.s32 $0xF460, s9  }
0x11: {  	s16 =	sadd.s32 $0x12540, s9;
	s17 =	sadd.s32 $0x15620, s9;
	s0 =	sadd.s32 s4, s0  }
0x12: {  	s4 =	ssub.s32 s21, s22;
	s7 =	sadd.s32 s20, s7;
	[dreg:$0x9] =	wrdreg s26  }
0x13: {  	s2 =	sadd.s32 s2, s20;
	s20 =	simm.s32 $0x2400;
	s21 =	simm.s32 $0x3  }
0x14: {  	s22 =	simm.s32 $0x400;
	[dreg:$0x5] =	wrdreg s7;
	s7 =	sadd.s32 $0x40, s7  }
0x15: {  	s26 =	simm.s32 $0x100;
	s0 =	sadd.s32 $0x65800, s0;
	[dreg:$0x6] =	wrdreg s7  }
0x16: {  	s4 =	smax.u32 s4, $0x1;
	s18 =	sadd.s32 $0xC0, s2;
	[dreg:$0x7] =	wrdreg s0  }
0x17: {  	s19 =	sadd.s32 $0x80, s2;
	s2 =	simm.s32 $0x300;
	[dreg:$0x8] =	wrdreg s4  }
0x18: {  	s0 =	simm.s32 $0x280;
	s4 =	simm.s32 $0x380;
	s7 =	simm.s32 $0x2  }
.LBB2_1:
0x19: {  	s6 =	rddreg [dreg:$0x4]  }
0x1a: {  	[tilespmem:s20], [sflag:$0x3] =	stream.linear.gather [hbm4b:s6+s3], $0x30E0, $0x38;
	[tilespmem:$0x1DBE0] =	vst v63  }
0x1b: {  	_ =	swait.ge [sflag:s21], $0x30E0  }
0x1c: {  	[sflag:s21] =	ssyncset.done $0x0  }
0x1d: {  	[sflag:s21] =	ssyncadd.s32 $0xFFFFCF20  }
0x1e: {  	[spmem:s9] =	stream.linear.scatter [tilespmem:s20], [sflag:$0x3], $0x30E0, $0x38;
	[tilespmem:$0x1DBE0] =	vst v63  }
0x1f: {  	_ =	swait.ge [sflag:s21], $0x30E0  }
0x20: {  	[sflag:s21] =	ssyncset.done $0x0  }
0x21: {  	s10 =	rddreg [dreg:$0x9];
	[sflag:s21] =	ssyncadd.s32 $0xFFFFCF20  }
0x22: {  	[spmem:s10] =	stream.linear.scatter [tilespmem:s20], [sflag:$0x3], $0x30E0, $0x38;
	[tilespmem:$0x1DBE0] =	vst v63  }
0x23: {  	_ =	swait.ge [sflag:s21], $0x30E0  }
0x24: {  	[sflag:s21] =	ssyncset.done $0x0  }
0x25: {  	[sflag:s21] =	ssyncadd.s32 $0xFFFFCF20  }
0x26: {  	[spmem:s12] =	stream.linear.scatter [tilespmem:s20], [sflag:$0x3], $0x30E0, $0x38;
	[tilespmem:$0x1DBE0] =	vst v63  }
0x27: {  	_ =	swait.ge [sflag:s21], $0x30E0  }
0x28: {  	[sflag:s21] =	ssyncset.done $0x0  }
0x29: {  	[sflag:s21] =	ssyncadd.s32 $0xFFFFCF20  }
0x2a: {  	[spmem:s13] =	stream.linear.scatter [tilespmem:s20], [sflag:$0x3], $0x30E0, $0x38;
	[tilespmem:$0x1DBE0] =	vst v63  }
0x2b: {  	_ =	swait.ge [sflag:s21], $0x30E0  }
0x2c: {  	[sflag:s21] =	ssyncset.done $0x0  }
0x2d: {  	[sflag:s21] =	ssyncadd.s32 $0xFFFFCF20  }
0x2e: {  	[spmem:s14] =	stream.linear.scatter [tilespmem:s20], [sflag:$0x3], $0x30E0, $0x38;
	[tilespmem:$0x1DBE0] =	vst v63  }
0x2f: {  	_ =	swait.ge [sflag:s21], $0x30E0  }
0x30: {  	[sflag:s21] =	ssyncset.done $0x0  }
0x31: {  	[sflag:s21] =	ssyncadd.s32 $0xFFFFCF20  }
0x32: {  	[spmem:s15] =	stream.linear.scatter [tilespmem:s20], [sflag:$0x3], $0x30E0, $0x38;
	[tilespmem:$0x1DBE0] =	vst v63  }
0x33: {  	_ =	swait.ge [sflag:s21], $0x30E0  }
0x34: {  	[sflag:s21] =	ssyncset.done $0x0  }
0x35: {  	[sflag:s21] =	ssyncadd.s32 $0xFFFFCF20  }
0x36: {  	[spmem:s16] =	stream.linear.scatter [tilespmem:s20], [sflag:$0x3], $0x30E0, $0x38;
	[tilespmem:$0x1DBE0] =	vst v63  }
0x37: {  	_ =	swait.ge [sflag:s21], $0x30E0  }
0x38: {  	[sflag:s21] =	ssyncset.done $0x0  }
0x39: {  	[sflag:s21] =	ssyncadd.s32 $0xFFFFCF20  }
0x3a: {  	[spmem:s17] =	stream.linear.scatter [tilespmem:s20], [sflag:$0x3], $0x30E0, $0x38;
	[tilespmem:$0x1DBE0] =	vst v63  }
0x3b: {  	_ =	swait.ge [sflag:s21], $0x30E0  }
0x3c: {  	[sflag:s21] =	ssyncset.done $0x0  }
0x3d: {  	s11 =	rddreg [dreg:$0x3];
	[sflag:s21] =	ssyncadd.s32 $0xFFFFCF20  }
0x3e: {  	[tilespmem:s22], [sflag:$0x3] =	stream.linear.gather [hbm4b:s11+s3], $0x2000, $0x38;
	[tilespmem:$0x1DBE0] =	vst v63  }
0x3f: {  	_ =	swait.ge [sflag:s21], $0x2000  }
0x40: {  	[sflag:s21] =	ssyncset.done $0x0  }
0x41: {  	[sflag:s21] =	ssyncadd.s32 $0xFFFFE000  }
0x42: {  	[bflag:$0x0] =	sbarrier.arrive $0xFFFF  }
0x43: {  	s10 =	rddreg [dreg:$0x5]  }
0x44: {  	[tilespmem:s3], [sflag:$0x3] =	stream.linear.gather [hbm4b:s10+s3], $0x200, $0x38;
	[tilespmem:$0x1DBE0] =	vst v63  }
0x45: {  	_ =	swait.ge [sflag:s21], $0x200  }
0x46: {  	[sflag:s21] =	ssyncset.done $0x0  }
0x47: {  	[sflag:s21] =	ssyncadd.s32 $0xFFFFFE00  }
0x48: {  	[spmem:s1] =	stream.indirect.scatter.add.f32 [tilespmem:s22], [sflag:$0x1], $0x10, s3, s23, $0xb8;
	[tilespmem:$0x1DBE0] =	vst v63  }
0x49: {  	_ = 	snop  }
0x4a: {  	[spmem:s1] =	stream.indirect.scatter.add.f32 [tilespmem:s24], [sflag:$0x1], $0x10, s23, s23, $0xb8;
	[tilespmem:$0x1DBE0] =	vst v63  }
0x4b: {  	_ = 	snop  }
0x4c: {  	[spmem:s1] =	stream.indirect.scatter.add.f32 [tilespmem:s28], [sflag:$0x1], $0x10, s26, s23, $0xb8;
	[tilespmem:$0x1DBE0] =	vst v63  }
0x4d: {  	_ = 	snop  }
0x4e: {  	[spmem:s1] =	stream.indirect.scatter.add.f32 [tilespmem:s30], [sflag:$0x1], $0x10, s29, s23, $0xb8;
	[tilespmem:$0x1DBE0] =	vst v63  }
0x4f: {  	s11 =	rddreg [dreg:$0x6]  }
0x50: {  	[tilespmem:s31], [sflag:$0x3] =	stream.linear.gather [hbm4b:s11+s3], $0x200, $0x38;
	[tilespmem:$0x1DBE0] =	vst v63  }
0x51: {  	_ =	swait.ge [sflag:s21], $0x200  }
0x52: {  	[sflag:s21] =	ssyncset.done $0x0  }
0x53: {  	[sflag:s21] =	ssyncadd.s32 $0xFFFFFE00  }
0x54: {  	[spmem:s1] =	stream.indirect.scatter.add.f32 [tilespmem:s22], [sflag:$0x2], $0x10, s31, s23, $0xb8;
	[tilespmem:$0x1DBE0] =	vst v63  }
0x55: {  	_ = 	snop  }
0x56: {  	[spmem:s1] =	stream.indirect.scatter.add.f32 [tilespmem:s24], [sflag:$0x2], $0x10, s0, s23, $0xb8;
	[tilespmem:$0x1DBE0] =	vst v63  }
0x57: {  	_ = 	snop  }
0x58: {  	[spmem:s1] =	stream.indirect.scatter.add.f32 [tilespmem:s28], [sflag:$0x2], $0x10, s2, s23, $0xb8;
	[tilespmem:$0x1DBE0] =	vst v63  }
0x59: {  	_ = 	snop  }
0x5a: {  	[spmem:s1] =	stream.indirect.scatter.add.f32 [tilespmem:s30], [sflag:$0x2], $0x10, s4, s23, $0xb8;
	[tilespmem:$0x1DBE0] =	vst v63  }
0x5b: {  	_ =	swait.ge [sflag:s5], $0x2000  }
0x5c: {  	[sflag:s5] =	ssyncset.done $0x0  }
0x5d: {  	s10 =	sadd.s32 $0x0, s19;
	[sflag:s5] =	ssyncadd.s32 $0xFFFFE000  }
0x5e: {  	[tilespmem:s3], [sflag:$0x3] =	stream.linear.gather [hbm4b:s10+s3], $0x200, $0x38;
	[tilespmem:$0x1DBE0] =	vst v63  }
0x5f: {  	_ =	swait.ge [sflag:s21], $0x200  }
0x60: {  	[sflag:s21] =	ssyncset.done $0x0  }
0x61: {  	[sflag:s21] =	ssyncadd.s32 $0xFFFFFE00  }
0x62: {  	[spmem:s1] =	stream.indirect.scatter.add.f32 [tilespmem:s22], [sflag:$0x1], $0x10, s3, s23, $0xb8;
	[tilespmem:$0x1DBE0] =	vst v63  }
0x63: {  	_ = 	snop  }
0x64: {  	[spmem:s1] =	stream.indirect.scatter.add.f32 [tilespmem:s24], [sflag:$0x1], $0x10, s23, s23, $0xb8;
	[tilespmem:$0x1DBE0] =	vst v63  }
0x65: {  	_ = 	snop  }
0x66: {  	[spmem:s1] =	stream.indirect.scatter.add.f32 [tilespmem:s28], [sflag:$0x1], $0x10, s26, s23, $0xb8;
	[tilespmem:$0x1DBE0] =	vst v63  }
0x67: {  	_ = 	snop  }
0x68: {  	[spmem:s1] =	stream.indirect.scatter.add.f32 [tilespmem:s30], [sflag:$0x1], $0x10, s29, s23, $0xb8;
	[tilespmem:$0x1DBE0] =	vst v63  }
0x69: {  	_ =	swait.ge [sflag:s7], $0x2000  }
0x6a: {  	[sflag:s7] =	ssyncset.done $0x0  }
0x6b: {  	s11 =	sadd.s32 $0x0, s18;
	[sflag:s7] =	ssyncadd.s32 $0xFFFFE000  }
0x6c: {  	[tilespmem:s31], [sflag:$0x3] =	stream.linear.gather [hbm4b:s11+s3], $0x200, $0x38;
	[tilespmem:$0x1DBE0] =	vst v63  }
0x6d: {  	_ =	swait.ge [sflag:s21], $0x200  }
0x6e: {  	[sflag:s21] =	ssyncset.done $0x0  }
0x6f: {  	[sflag:s21] =	ssyncadd.s32 $0xFFFFFE00  }
0x70: {  	[spmem:s1] =	stream.indirect.scatter.add.f32 [tilespmem:s22], [sflag:$0x2], $0x10, s31, s23, $0xb8;
	[tilespmem:$0x1DBE0] =	vst v63  }
0x71: {  	_ = 	snop  }
0x72: {  	[spmem:s1] =	stream.indirect.scatter.add.f32 [tilespmem:s24], [sflag:$0x2], $0x10, s0, s23, $0xb8;
	[tilespmem:$0x1DBE0] =	vst v63  }
0x73: {  	s6 =	simm.s32 $0x80  }
0x74: {  	[spmem:s1] =	stream.indirect.scatter.add.f32 [tilespmem:s28], [sflag:$0x2], $0x10, s2, s23, $0xb8;
	[tilespmem:$0x1DBE0] =	vst v63  }
.LBB2_2:
0x75: {  	[spmem:s1] =	stream.indirect.scatter.add.f32 [tilespmem:s30], [sflag:$0x2], $0x10, s4, s23, $0xb8;
	[tilespmem:$0x1DBE0] =	vst v63  }
0x76: {  	s10 =	smov.u32 s6  }
0x77: {  	p0 =	sne.s32 s6, $0x3000;
	s6 =	sadd.s32 $0x80, s6;
	_ =	swait.ge [sflag:s5], $0x2000  }
0x78: {  	[sflag:s5] =	ssyncset.done $0x0  }
0x79: {  	s11 =	sadd.s32 s10, s19;
	[sflag:s5] =	ssyncadd.s32 $0xFFFFE000  }
0x7a: {  	[tilespmem:s3], [sflag:$0x3] =	stream.linear.gather [hbm4b:s11+s3], $0x200, $0x38;
	[tilespmem:$0x1DBE0] =	vst v63  }
0x7b: {  	_ =	swait.ge [sflag:s21], $0x200  }
0x7c: {  	[sflag:s21] =	ssyncset.done $0x0  }
0x7d: {  	[sflag:s21] =	ssyncadd.s32 $0xFFFFFE00  }
0x7e: {  	[spmem:s1] =	stream.indirect.scatter.add.f32 [tilespmem:s22], [sflag:$0x1], $0x10, s3, s23, $0xb8;
	[tilespmem:$0x1DBE0] =	vst v63  }
0x7f: {  	_ = 	snop  }
0x80: {  	[spmem:s1] =	stream.indirect.scatter.add.f32 [tilespmem:s24], [sflag:$0x1], $0x10, s23, s23, $0xb8;
	[tilespmem:$0x1DBE0] =	vst v63  }
0x81: {  	_ = 	snop  }
0x82: {  	[spmem:s1] =	stream.indirect.scatter.add.f32 [tilespmem:s28], [sflag:$0x1], $0x10, s26, s23, $0xb8;
	[tilespmem:$0x1DBE0] =	vst v63  }
0x83: {  	_ = 	snop  }
0x84: {  	[spmem:s1] =	stream.indirect.scatter.add.f32 [tilespmem:s30], [sflag:$0x1], $0x10, s29, s23, $0xb8;
	[tilespmem:$0x1DBE0] =	vst v63  }
0x85: {  	_ =	swait.ge [sflag:s7], $0x2000  }
0x86: {  	[sflag:s7] =	ssyncset.done $0x0  }
0x87: {  	s10 =	sadd.s32 s10, s18;
	[sflag:s7] =	ssyncadd.s32 $0xFFFFE000  }
0x88: {  	[tilespmem:s31], [sflag:$0x3] =	stream.linear.gather [hbm4b:s10+s3], $0x200, $0x38;
	[tilespmem:$0x1DBE0] =	vst v63  }
0x89: {  	_ =	swait.ge [sflag:s21], $0x200  }
0x8a: {  	[sflag:s21] =	ssyncset.done $0x0  }
0x8b: {  	[sflag:s21] =	ssyncadd.s32 $0xFFFFFE00  }
0x8c: {  	[spmem:s1] =	stream.indirect.scatter.add.f32 [tilespmem:s22], [sflag:$0x2], $0x10, s31, s23, $0xb8;
	[tilespmem:$0x1DBE0] =	vst v63  }
.Ltmp0:
0x8d: {  	_ = 	snop;
	(pc) =	sbr.rel @p0 .LBB2_2-.Ltmp0, $4  }
0x8e: {  	_ = 	snop  }
0x8f: {  	[spmem:s1] =	stream.indirect.scatter.add.f32 [tilespmem:s24], [sflag:$0x2], $0x10, s0, s23, $0xb8;
	[tilespmem:$0x1DBE0] =	vst v63  }
0x90: {  	_ = 	snop  }
0x91: {  	[spmem:s1] =	stream.indirect.scatter.add.f32 [tilespmem:s28], [sflag:$0x2], $0x10, s2, s23, $0xb8;
	[tilespmem:$0x1DBE0] =	vst v63  }
0x92: {  	[spmem:s1] =	stream.indirect.scatter.add.f32 [tilespmem:s30], [sflag:$0x2], $0x10, s4, s23, $0xb8;
	[tilespmem:$0x1DBE0] =	vst v63  }
0x93: {  	_ =	swait.ge [sflag:s5], $0x2000  }
0x94: {  	[sflag:s5] =	ssyncset.done $0x0  }
0x95: {  	[sflag:s5] =	ssyncadd.s32 $0xFFFFE000  }
0x96: {  	_ =	swait.ge [sflag:s7], $0x2000  }
0x97: {  	[sflag:s7] =	ssyncset.done $0x0  }
0x98: {  	s6 =	stileid.u32;
	[sflag:s7] =	ssyncadd.s32 $0xFFFFE000  }
0x99: {  	s6 =	sshll.u32 s6, $0x6;
	[bflag:$0x0] =	sbarrier.arrive $0xFFFF  }
0x9a: {  	s6 =	sor.u32 $0x1C03, s6;
	s10 =	rddreg [dreg:$0x7]  }
0x9b: {  	[hbm:s10], [sflag:s6] =	dma.local [spmem:s25], $0x30E0  }
0x9c: {  	_ =	swait.ge [sflag:s21], $0x30E0  }
0x9d: {  	s8 =	sadd.s32 $0x1, s8;
	s11 =	rddreg [dreg:$0x8]  }
0x9e: {  	p0 =	sne.s32 s8, s11  }
.Ltmp1:
0x9f: {  	_ = 	snop;
	(pc) =	sbr.rel @p0 .LBB2_1-.Ltmp1, $3  }
0xa0: {  	_ =	sdelay $0x1  }
0xa1: {  	[sflag:s21] =	ssyncset.done $0x0  }
0xa2: {  	[sflag:s21] =	ssyncadd.s32 $0xFFFFCF20  }
0xa3: {  	_ =	sfence.sel $0x180000  }
0xa4: {  	[bflag:$0x0] =	sbarrier.arrive $0xFFFF  }
0xa5: {  	_ =	strace $0x90000047  }
0xa6: {  	s0 =	stileid.u32;
	[bflag:$0x2] =	sbarrier.arrive $0xFFFF  }
0xa7: {  	p0 =	sne.s32 s0, $0x0;
	s0 =	rddreg [dreg:$0x2]  }
0xa8: {  	s0 =	sadd.s32 @!p0 $0x100000, s0  }
0xa9: {  	[sflag:s0] =	ssyncadd.tile.s32 @!p0 $0x1;
	_ =	shalt  }
.Lfunc_end2:
_tile_overlayer_lowered:
.L_overlay_start_2:
0xaa: {  	(tag) =	ssettag $0x2  }
0xab: {  	s0 =	rddreg [dreg:$0x0];
	s2 =	stileid.u32  }
0xac: {  	s1 =	rddreg [dreg:$0x1];
	p0 =	sne.s32 s2, $0x0  }
0xad: {  	s3 =	rddreg [dreg:$0x2];
	[bflag:$0x3] =	sbarrier.arrive $0xFFFF;
	s2 =	simm.s32 @!p0 $0x1C03  }
0xae: {  	[timem:s3], [sflag:s2] =	dma.local @!p0 [hbm:s0], s1  }
0xaf: {  	s0 =	simm.s32 @!p0 $0x3  }
0xb0: {  	_ =	swait.ge @!p0 [sflag:s0], s1  }
0xb1: {  	s1 =	ssub.s32 @!p0 $0x0, s1;
	[sflag:s0] =	ssyncset.done @!p0 $0x0  }
0xb2: {  	[sflag:s0] =	ssyncadd.s32 @!p0 s1  }
0xb3: {  	[bflag:$0x3] =	sbarrier.arrive $0xFFFF  }
0xb4: {  	_ =	shalt  }

</sc_bundles>
